<compile_context>
chip_gen: v7x
topology: tpu7x:2x2x1
jax: 0.10.2.dev20260603
libtpu: 0.0.44.dev20260713+nightly
codegen_flags: <defaults>
</compile_context>

<pallas_src>
import functools

import jax
import jax.numpy as jnp
from jax import lax
from jax.experimental import pallas as pl
from jax.experimental.pallas import tpu as pltpu
from jax.experimental.pallas import tpu_sc as plsc

N_FINE = 16384
N_COARSE = 4096
D = 256
K = 3
BIG = 1e10
MASKED = 1e30

NC = 2
NS = 16
NW = NC * NS
L = 16

RF = 512
NBLK = N_FINE // RF
YBLK = N_COARSE // RF

CPW = N_COARSE // NW
CB = 32
PTS_W = N_FINE // NW
NCHUNK = PTS_W // CB

@functools.cache
def _sc_kernels():
    mesh = plsc.VectorSubcoreMesh(
        core_axis_name="c", subcore_axis_name="s",
        num_cores=NC, num_subcores=NS)

    @functools.partial(
        pl.kernel,
        out_type=jax.ShapeDtypeStruct((4, N_COARSE), jnp.float32),
        mesh=mesh,
        scratch_types=[
            pltpu.VMEM((N_FINE,), jnp.float32),
            pltpu.VMEM((N_FINE,), jnp.float32),
            pltpu.VMEM((N_FINE,), jnp.float32),
            pltpu.VMEM((N_FINE,), jnp.float32),
            pltpu.VMEM((CPW,), jnp.int32),
            pltpu.VMEM((CPW,), jnp.float32),
            pltpu.VMEM((CPW,), jnp.float32),
            pltpu.VMEM((CPW,), jnp.float32),
            pltpu.VMEM((CPW,), jnp.float32),
        ],
        compiler_params=pltpu.CompilerParams(needs_layout_passes=False),
    )
    def _sc_gather_coarse(px, py, pz, pb, idxh, out4,
                          tx, ty, tz, tb, idx_v, ox, oy, oz, ob):
        wid = lax.axis_index("s") * NC + lax.axis_index("c")
        base = wid * CPW
        pltpu.sync_copy(px, tx)
        pltpu.sync_copy(py, ty)
        pltpu.sync_copy(pz, tz)
        pltpu.sync_copy(pb, tb)
        pltpu.sync_copy(idxh.at[pl.ds(base, CPW)], idx_v)

        def body(j, _):
            sl = pl.ds(j * L, L)
            iv = idx_v[sl]
            ox[sl] = plsc.load_gather(tx, [iv])
            oy[sl] = plsc.load_gather(ty, [iv])
            oz[sl] = plsc.load_gather(tz, [iv])
            ob[sl] = plsc.load_gather(tb, [iv])
            return 0

        lax.fori_loop(0, CPW // L, body, 0)
        pltpu.sync_copy(ox, out4.at[0, pl.ds(base, CPW)])
        pltpu.sync_copy(oy, out4.at[1, pl.ds(base, CPW)])
        pltpu.sync_copy(oz, out4.at[2, pl.ds(base, CPW)])
        pltpu.sync_copy(ob, out4.at[3, pl.ds(base, CPW)])

    @functools.partial(
        pl.kernel,
        out_type=jax.ShapeDtypeStruct((N_FINE, D), jnp.float32),
        mesh=mesh,
        scratch_types=[
            pltpu.VMEM((3 * PTS_W,), jnp.int32),
            pltpu.VMEM((3 * PTS_W,), jnp.float32),
            pltpu.VMEM((3 * CB, D), jnp.float32),
            pltpu.VMEM((3 * CB, D), jnp.float32),
            pltpu.VMEM((CB, D), jnp.float32),
            pltpu.VMEM((CB, D), jnp.float32),
            pltpu.VMEM((CB, D), jnp.float32),
            pltpu.VMEM((CB, D), jnp.float32),
            pltpu.SemaphoreType.DMA,
            pltpu.SemaphoreType.DMA,
            pltpu.SemaphoreType.DMA,
            pltpu.SemaphoreType.DMA,
            pltpu.SemaphoreType.DMA,
            pltpu.SemaphoreType.DMA,
        ],
        compiler_params=pltpu.CompilerParams(needs_layout_passes=False),
    )
    def _sc_combine(y_hbm, z_hbm, nn_hbm, w_hbm, out_hbm,
                    idx_all, w_all, g0, g1, z0, z1, o0, o1,
                    gs0, gs1, zs0, zs1, ws0, ws1):
        wid = lax.axis_index("s") * NC + lax.axis_index("c")
        base = wid * PTS_W
        pltpu.sync_copy(nn_hbm.at[pl.ds(base * 3, 3 * PTS_W)], idx_all)
        pltpu.sync_copy(w_hbm.at[pl.ds(base * 3, 3 * PTS_W)], w_all)

        def issue(c, g_v, z_v, gsem, zsem):
            pltpu.async_copy(
                y_hbm.at[idx_all.at[pl.ds(c * (3 * CB), 3 * CB)]], g_v, gsem)
            pltpu.async_copy(z_hbm.at[pl.ds(base + c * CB, CB)], z_v, zsem)

        def wait_into(c, g_v, z_v, gsem, zsem):
            pltpu.make_async_copy(
                y_hbm.at[idx_all.at[pl.ds(c * (3 * CB), 3 * CB)]], g_v,
                gsem).wait()
            pltpu.make_async_copy(
                z_hbm.at[pl.ds(base + c * CB, CB)], z_v, zsem).wait()

        def drain_write(o_v, wsem):
            pltpu.make_async_copy(z_hbm.at[pl.ds(base, CB)], o_v, wsem).wait()

        def compute(c, g_v, z_v, o_v):
            def point_body(i, _):
                j0 = c * (3 * CB) + 3 * i
                w0 = plsc.load_gather(w_all, [jnp.full((L,), j0, jnp.int32)])
                w1 = plsc.load_gather(
                    w_all, [jnp.full((L,), j0 + 1, jnp.int32)])
                w2 = plsc.load_gather(
                    w_all, [jnp.full((L,), j0 + 2, jnp.int32)])
                j = 3 * i
                for v in range(D // L):
                    sl = pl.ds(v * L, L)
                    o_v[i, sl] = (z_v[i, sl] + w0 * g_v[j, sl]
                                  + w1 * g_v[j + 1, sl] + w2 * g_v[j + 2, sl])
                return 0

            lax.fori_loop(0, CB, point_body, 0)

        issue(0, g0, z0, gs0, zs0)

        def pair_body(c2, _):
            c = 2 * c2
            issue(c + 1, g1, z1, gs1, zs1)
            wait_into(c, g0, z0, gs0, zs0)

            @pl.when(c2 >= 1)
            def _():
                drain_write(o0, ws0)

            compute(c, g0, z0, o0)
            pltpu.async_copy(o0, out_hbm.at[pl.ds(base + c * CB, CB)], ws0)

            @pl.when(c2 < NCHUNK // 2 - 1)
            def _():
                issue(c + 2, g0, z0, gs0, zs0)

            wait_into(c + 1, g1, z1, gs1, zs1)

            @pl.when(c2 >= 1)
            def _():
                drain_write(o1, ws1)

            compute(c + 1, g1, z1, o1)
            pltpu.async_copy(o1, out_hbm.at[pl.ds(base + (c + 1) * CB, CB)],
                             ws1)
            return 0

        lax.fori_loop(0, NCHUNK // 2, pair_body, 0)
        drain_write(o0, ws0)
        drain_write(o1, ws1)

    return _sc_gather_coarse, _sc_combine


CW = 512
NCH = N_COARSE // CW


def _insert(m1, m2, m3, a1, a2, a3, v, iv):
    c1 = v < m1
    c2 = v < m2
    c3 = v < m3
    nm1 = jnp.where(c1, v, m1)
    na1 = jnp.where(c1, iv, a1)
    nm2 = jnp.where(c1, m1, jnp.where(c2, v, m2))
    na2 = jnp.where(c1, a1, jnp.where(c2, iv, a2))
    nm3 = jnp.where(c2, m2, jnp.where(c3, v, m3))
    na3 = jnp.where(c2, a2, jnp.where(c3, iv, a3))
    return nm1, nm2, nm3, na1, na2, na3


def _knn_mlp_body(posf_ref, batf_ref, posct3_ref, xs_ref, x_ref,
                  w_ref, b_ref, z_ref, y_ref, wk_ref, ak_ref):
    i = pl.program_id(0)
    pf = posf_ref[...]
    bf = batf_ref[...]
    b_min = batf_ref[0, 0]
    b_max = batf_ref[RF - 1, 0]
    bc_all = posct3_ref[3, :, :]
    lt = (bc_all < b_min).astype(jnp.int32)
    le = (bc_all <= b_max).astype(jnp.int32)
    c_lo = jnp.sum(jnp.sum(lt, axis=1, keepdims=True), axis=0,
                   keepdims=True)[0, 0]
    c_hi = jnp.sum(jnp.sum(le, axis=1, keepdims=True), axis=0,
                   keepdims=True)[0, 0]
    ch0 = c_lo // CW
    nch = (c_hi - ch0 * CW + (CW - 1)) // CW

    fiota_l = lax.broadcasted_iota(jnp.int32, (RF, CW), 1).astype(jnp.float32)

    def chunk_body(t, carry):
        m1, m2, m3, a1, a2, a3 = carry
        ch = ch0 + t
        d2 = None
        for d in range(3):
            pcd = posct3_ref[d, pl.ds(ch, 1), :]
            diff = pf[:, d:d + 1] - pcd
            d2 = diff * diff if d2 is None else d2 + diff * diff
        bc = posct3_ref[3, pl.ds(ch, 1), :]
        d2 = jnp.where(bf != bc, jnp.float32(BIG), d2)
        chf = (ch * CW).astype(jnp.float32)
        cur = d2
        for k in range(K):
            m = jnp.min(cur, axis=1, keepdims=True)
            a = jnp.min(jnp.where(cur == m, fiota_l, jnp.float32(2 * N_COARSE)),
                        axis=1, keepdims=True)
            if k < K - 1:
                cur = jnp.where(fiota_l == a, jnp.float32(MASKED), cur)
            m1, m2, m3, a1, a2, a3 = _insert(m1, m2, m3, a1, a2, a3, m,
                                             a + chf)
        return m1, m2, m3, a1, a2, a3

    init = (jnp.full((RF, 1), MASKED, jnp.float32),
            jnp.full((RF, 1), MASKED, jnp.float32),
            jnp.full((RF, 1), MASKED, jnp.float32),
            jnp.zeros((RF, 1), jnp.float32),
            jnp.ones((RF, 1), jnp.float32),
            jnp.full((RF, 1), 2.0, jnp.float32))
    m1, m2, m3, a1, a2, a3 = lax.fori_loop(0, nch, chunk_body, init)

    ms = [jnp.minimum(m, jnp.float32(BIG)) for m in (m1, m2, m3)]
    r = [1.0 / (m + jnp.float32(1e-8)) for m in ms]
    s = (r[0] + r[1]) + r[2] + jnp.float32(1e-16)
    wk_ref[...] = jnp.concatenate([ri / s for ri in r], axis=1)
    ak_ref[...] = jnp.concatenate(
        [a.astype(jnp.int32) for a in (a1, a2, a3)], axis=1)

    z_ref[...] = (jnp.dot(xs_ref[...], w_ref[D:, :],
                          preferred_element_type=jnp.float32) + b_ref[...])

    @pl.when(i < YBLK)
    def _():
        y_ref[...] = jnp.dot(x_ref[...], w_ref[:D, :],
                             preferred_element_type=jnp.float32)


def _tc_knn_mlp(pos_f, bat_f2, posct3, x_skip, x, W, b2):
    return pl.pallas_call(
        _knn_mlp_body,
        grid=(NBLK,),
        in_specs=[
            pl.BlockSpec((RF, 3), lambda i: (i, 0)),
            pl.BlockSpec((RF, 1), lambda i: (i, 0)),
            pl.BlockSpec((4, NCH, CW), lambda i: (0, 0, 0)),
            pl.BlockSpec((RF, D), lambda i: (i, 0)),
            pl.BlockSpec((RF, D), lambda i: (jnp.minimum(i, YBLK - 1), 0)),
            pl.BlockSpec((2 * D, D), lambda i: (0, 0)),
            pl.BlockSpec((1, D), lambda i: (0, 0)),
        ],
        out_specs=[
            pl.BlockSpec((RF, D), lambda i: (i, 0)),
            pl.BlockSpec((RF, D), lambda i: (jnp.minimum(i, YBLK - 1), 0)),
            pl.BlockSpec((RF, K), lambda i: (i, 0)),
            pl.BlockSpec((RF, K), lambda i: (i, 0)),
        ],
        out_shape=[
            jax.ShapeDtypeStruct((N_FINE, D), jnp.float32),
            jax.ShapeDtypeStruct((N_COARSE, D), jnp.float32),
            jax.ShapeDtypeStruct((N_FINE, K), jnp.float32),
            jax.ShapeDtypeStruct((N_FINE, K), jnp.int32),
        ],
        compiler_params=pltpu.CompilerParams(
            dimension_semantics=("arbitrary",)),
    )(pos_f, bat_f2, posct3, x_skip, x, W, b2)


def kernel(x, idx, x_skip, pos_skip, batch_skip, point2curveidx_skip, W, b):
    _sc_gather_coarse, _sc_combine = _sc_kernels()
    idx32 = idx.astype(jnp.int32)
    batf = batch_skip.astype(jnp.float32)

    pc4 = _sc_gather_coarse(pos_skip[:, 0], pos_skip[:, 1], pos_skip[:, 2],
                            batf, idx32)
    posct3 = pc4.reshape(4, NCH, CW)

    z, y, wk, ak = _tc_knn_mlp(pos_skip, batf.reshape(N_FINE, 1), posct3,
                               x_skip, x, W, b.reshape(1, D))

    out = _sc_combine(y, z, ak.reshape(-1), wk.reshape(-1))
    return (out, pos_skip, batch_skip, point2curveidx_skip)

# --- scband reference (transcript-rebuilt; emitter-appended) ---
"""Pipeline reference for scband-curve-fpmodule-26834955666012 (READ-ONLY COPY).

The authoritative reference and input builder live on the scoring server;
editing this copy changes nothing except your own understanding.
"""

import jax, jax.numpy as jnp
import numpy as np

N_FINE = 16384
N_COARSE = 4096
D = 256
K = 3
BIG = 1e10

def setup_inputs(seed: int = 0) -> dict:
    key = jax.random.key(seed)
    ks = jax.random.split(key, 8)
    x = jax.random.normal(ks[0], (N_COARSE, D), dtype=jnp.float32)
    idx = jnp.sort(jax.random.randint(ks[1], (N_COARSE,), 0, N_FINE, dtype=jnp.int64))
    x_skip = jax.random.normal(ks[2], (N_FINE, D), dtype=jnp.float32)
    pos_skip = jax.random.normal(ks[3], (N_FINE, 3), dtype=jnp.float32)
    batch_skip = jnp.sort(jax.random.randint(ks[4], (N_FINE,), 0, 8, dtype=jnp.int64))
    point2curveidx_skip = jnp.sort(jax.random.randint(ks[5], (N_FINE,), 0, 512, dtype=jnp.int64))
    W = jax.random.normal(ks[6], (2 * D, D), dtype=jnp.float32) * (1.0 / np.sqrt(2 * D))
    b = jnp.zeros((D,), dtype=jnp.float32)
    return {"x": x, "idx": idx, "x_skip": x_skip, "pos_skip": pos_skip,
            "batch_skip": batch_skip, "point2curveidx_skip": point2curveidx_skip,
            "W": W, "b": b}

def _knn_interpolate(x, idx, pos_skip, batch_skip):
    # coarse positions / batch ids are gathered from the fine (skip) set via idx
    pos = pos_skip[idx]                 # [M, 3]
    batch = batch_skip[idx]             # [M]
    # pairwise squared distances fine -> coarse
    diff = pos_skip[:, None, :] - pos[None, :, :]       # [N, M, 3]
    d2 = jnp.sum(diff * diff, axis=-1)                  # [N, M]
    # mask out cross-batch pairs with a large finite distance
    mask = batch_skip[:, None] != batch[None, :]
    d2 = jnp.where(mask, BIG, d2)
    # k nearest coarse neighbors per fine point
    neg_vals, nn_idx = jax.lax.top_k(-d2, K)            # [N, K]
    d2k = -neg_vals
    w = 1.0 / (d2k + 1e-8)
    w = w / (jnp.sum(w, axis=-1, keepdims=True) + 1e-16)
    gathered = x[nn_idx]                                # [N, K, D]
    return jnp.sum(gathered * w[..., None], axis=1)     # [N, D]

def reference(x, idx, x_skip, pos_skip, batch_skip, point2curveidx_skip, W, b):
    feats = _knn_interpolate(x, idx, pos_skip, batch_skip)
    # with_xyz=False and x_skip is not None -> concat [interp, x_skip]
    h = jnp.concatenate([feats, x_skip], axis=1)        # [N, 2D]
    out = h @ W + b                                     # self.nn = Linear(2D, D)
    return (out, pos_skip, batch_skip, point2curveidx_skip)

if __name__ == "__main__":
    import jax
    _d = setup_inputs()
    print(jax.jit(kernel)(*tuple(_d.values())))

</pallas_src>

<mosaic_0001>
#map = affine_map<(d0, d1) -> (0, 0)>
#map1 = affine_map<(d0, d1) -> (0)>
module attributes {stable_mosaic.version = 14 : i64} {
  func.func @_sc_combine(%arg0: i32, %arg1: i32, %arg2: memref<4096x256xf32, #tpu.memory_space<hbm>>, %arg3: memref<16384x256xf32, #tpu.memory_space<hbm>>, %arg4: memref<49152xi32, #tpu.memory_space<hbm>>, %arg5: memref<49152xf32, #tpu.memory_space<hbm>>, %arg6: memref<16384x256xf32, #tpu.memory_space<hbm>>, %arg7: memref<1536xi32, #tpu.memory_space<vmem>>, %arg8: memref<1536xf32, #tpu.memory_space<vmem>>, %arg9: memref<96x256xf32, #tpu.memory_space<vmem>>, %arg10: memref<96x256xf32, #tpu.memory_space<vmem>>, %arg11: memref<32x256xf32, #tpu.memory_space<vmem>>, %arg12: memref<32x256xf32, #tpu.memory_space<vmem>>, %arg13: memref<32x256xf32, #tpu.memory_space<vmem>>, %arg14: memref<32x256xf32, #tpu.memory_space<vmem>>, %arg15: memref<!tpu.dma_semaphore, #tpu.memory_space<semaphore_mem>>, %arg16: memref<!tpu.dma_semaphore, #tpu.memory_space<semaphore_mem>>, %arg17: memref<!tpu.dma_semaphore, #tpu.memory_space<semaphore_mem>>, %arg18: memref<!tpu.dma_semaphore, #tpu.memory_space<semaphore_mem>>, %arg19: memref<!tpu.dma_semaphore, #tpu.memory_space<semaphore_mem>>, %arg20: memref<!tpu.dma_semaphore, #tpu.memory_space<semaphore_mem>>) attributes {dimension_semantics = [#tpu.dimension_semantics<core_parallel>, #tpu.dimension_semantics<subcore_parallel>], iteration_bounds = array<i64: 2, 16>, scalar_prefetch = 0 : i64, scratch_operands = 14 : i64, tpu.core_type = #tpu.core_type<sc_vector_subcore>, window_params = [{transform_indices = #map}, {transform_indices = #map}, {transform_indices = #map1}, {transform_indices = #map1}, {transform_indices = #map}]} {
    %mul3A = arith.constant 2 : i32
    %mul3A_0 = arith.muli %arg1, %mul3A : i32
    %add3A = arith.addi %mul3A_0, %arg0 : i32
    %mul3A_1 = arith.constant 512 : i32
    %mul3A_2 = arith.muli %add3A, %mul3A_1 : i32
    %mul3A_3 = arith.constant 3 : i32
    %mul3A_4 = arith.muli %mul3A_2, %mul3A_3 : i32
    "tpu.region"() ({
      %run_scoped3A = tpu.sem_alloc : memref<!tpu.dma_semaphore, #tpu.memory_space<semaphore_mem>>
      %dma_start3A_30 = tpu.memref_slice %arg4[%mul3A_4] : memref<49152xi32, #tpu.memory_space<hbm>> -> memref<1536xi32, #tpu.memory_space<hbm>>
      %dma_start3A_31 = tpu.memref_slice %arg4[%mul3A_4] : memref<49152xi32, #tpu.memory_space<hbm>> -> memref<1536xi32, #tpu.memory_space<hbm>>
      tpu.enqueue_dma source(%dma_start3A_31 : memref<1536xi32, #tpu.memory_space<hbm>>) target(%arg7 : memref<1536xi32, #tpu.memory_space<vmem>>) target_semaphore(%run_scoped3A : memref<!tpu.dma_semaphore, #tpu.memory_space<semaphore_mem>>)
      %dma_wait3A_32 = tpu.memref_slice %arg4[%mul3A_4] : memref<49152xi32, #tpu.memory_space<hbm>> -> memref<1536xi32, #tpu.memory_space<hbm>>
      %dma_wait3A_33 = tpu.memref_slice %arg4[%mul3A_4] : memref<49152xi32, #tpu.memory_space<hbm>> -> memref<1536xi32, #tpu.memory_space<hbm>>
      tpu.wait_dma2 semaphore(%run_scoped3A : memref<!tpu.dma_semaphore, #tpu.memory_space<semaphore_mem>>) src(%dma_wait3A_33 : memref<1536xi32, #tpu.memory_space<hbm>>) dst(%arg7 : memref<1536xi32, #tpu.memory_space<vmem>>)
      tpu.yield
    }) : () -> ()
    %mul3A_5 = arith.constant 3 : i32
    %mul3A_6 = arith.muli %mul3A_2, %mul3A_5 : i32
    "tpu.region"() ({
      %run_scoped3A = tpu.sem_alloc : memref<!tpu.dma_semaphore, #tpu.memory_space<semaphore_mem>>
      %dma_start3A_30 = tpu.memref_slice %arg5[%mul3A_6] : memref<49152xf32, #tpu.memory_space<hbm>> -> memref<1536xf32, #tpu.memory_space<hbm>>
      %dma_start3A_31 = tpu.memref_slice %arg5[%mul3A_6] : memref<49152xf32, #tpu.memory_space<hbm>> -> memref<1536xf32, #tpu.memory_space<hbm>>
      tpu.enqueue_dma source(%dma_start3A_31 : memref<1536xf32, #tpu.memory_space<hbm>>) target(%arg8 : memref<1536xf32, #tpu.memory_space<vmem>>) target_semaphore(%run_scoped3A : memref<!tpu.dma_semaphore, #tpu.memory_space<semaphore_mem>>)
      %dma_wait3A_32 = tpu.memref_slice %arg5[%mul3A_6] : memref<49152xf32, #tpu.memory_space<hbm>> -> memref<1536xf32, #tpu.memory_space<hbm>>
      %dma_wait3A_33 = tpu.memref_slice %arg5[%mul3A_6] : memref<49152xf32, #tpu.memory_space<hbm>> -> memref<1536xf32, #tpu.memory_space<hbm>>
      tpu.wait_dma2 semaphore(%run_scoped3A : memref<!tpu.dma_semaphore, #tpu.memory_space<semaphore_mem>>) src(%dma_wait3A_33 : memref<1536xf32, #tpu.memory_space<hbm>>) dst(%arg8 : memref<1536xf32, #tpu.memory_space<vmem>>)
      tpu.yield
    }) : () -> ()
    %dma_start3A = arith.constant 0 : i32
    %dma_start3A_7 = tpu.memref_slice %arg7[%dma_start3A] : memref<1536xi32, #tpu.memory_space<vmem>> -> memref<96xi32, #tpu.memory_space<vmem>>
    %dma_start3A_8 = arith.constant 0 : i32
    %dma_start3A_9 = arith.constant 0 : i32
    %dma_start3A_10 = tpu.memref_slice %arg2[%dma_start3A_8, %dma_start3A_9] : memref<4096x256xf32, #tpu.memory_space<hbm>> -> memref<4096x256xf32, #tpu.memory_space<hbm>>
    tpu.enqueue_indirect_dma source(%dma_start3A_10 : memref<4096x256xf32, #tpu.memory_space<hbm>>) target(%arg9 : memref<96x256xf32, #tpu.memory_space<vmem>>) offsets(%dma_start3A_7 : memref<96xi32, #tpu.memory_space<vmem>>) semaphore(%arg15 : memref<!tpu.dma_semaphore, #tpu.memory_space<semaphore_mem>>)
    %add3A_11 = arith.constant 0 : i32
    %add3A_12 = arith.addi %mul3A_2, %add3A_11 : i32
    %dma_start3A_13 = arith.constant 0 : i32
    %dma_start3A_14 = tpu.memref_slice %arg3[%add3A_12, %dma_start3A_13] : memref<16384x256xf32, #tpu.memory_space<hbm>> -> memref<32x256xf32, #tpu.memory_space<hbm>>
    %dma_start3A_15 = arith.constant 0 : i32
    %dma_start3A_16 = tpu.memref_slice %arg3[%add3A_12, %dma_start3A_15] : memref<16384x256xf32, #tpu.memory_space<hbm>> -> memref<32x256xf32, #tpu.memory_space<hbm>>
    tpu.enqueue_dma source(%dma_start3A_16 : memref<32x256xf32, #tpu.memory_space<hbm>>) target(%arg11 : memref<32x256xf32, #tpu.memory_space<vmem>>) target_semaphore(%arg17 : memref<!tpu.dma_semaphore, #tpu.memory_space<semaphore_mem>>)
    %scan3A = arith.constant 0 : i32
    %scan3A_17 = arith.constant 0 : i32
    %scan3A_18 = arith.constant 8 : i32
    %scan3A_19 = arith.addi %scan3A_17, %scan3A_18 : i32
    %scan3A_20 = arith.constant 1 : i32
    %scan3A_21 = scf.for %scan3A_30 = %scan3A_17 to %scan3A_19 step %scan3A_20 iter_args(%scan3A_31 = %scan3A) -> (i32)  : i32 {
      %mul3A_32 = arith.constant 2 : i32
      %mul3A_33 = arith.muli %mul3A_32, %scan3A_30 : i32
      %add3A_34 = arith.constant 1 : i32
      %add3A_35 = arith.addi %mul3A_33, %add3A_34 : i32
      %mul3A_36 = arith.constant 96 : i32
      %mul3A_37 = arith.muli %add3A_35, %mul3A_36 : i32
      %dma_start3A_38 = tpu.memref_slice %arg7[%mul3A_37] : memref<1536xi32, #tpu.memory_space<vmem>> -> memref<96xi32, #tpu.memory_space<vmem>>
      %dma_start3A_39 = arith.constant 0 : i32
      %dma_start3A_40 = arith.constant 0 : i32
      %dma_start3A_41 = tpu.memref_slice %arg2[%dma_start3A_39, %dma_start3A_40] : memref<4096x256xf32, #tpu.memory_space<hbm>> -> memref<4096x256xf32, #tpu.memory_space<hbm>>
      tpu.enqueue_indirect_dma source(%dma_start3A_41 : memref<4096x256xf32, #tpu.memory_space<hbm>>) target(%arg10 : memref<96x256xf32, #tpu.memory_space<vmem>>) offsets(%dma_start3A_38 : memref<96xi32, #tpu.memory_space<vmem>>) semaphore(%arg16 : memref<!tpu.dma_semaphore, #tpu.memory_space<semaphore_mem>>)
      %mul3A_42 = arith.constant 32 : i32
      %mul3A_43 = arith.muli %add3A_35, %mul3A_42 : i32
      %add3A_44 = arith.addi %mul3A_2, %mul3A_43 : i32
      %dma_start3A_45 = arith.constant 0 : i32
      %dma_start3A_46 = tpu.memref_slice %arg3[%add3A_44, %dma_start3A_45] : memref<16384x256xf32, #tpu.memory_space<hbm>> -> memref<32x256xf32, #tpu.memory_space<hbm>>
      %dma_start3A_47 = arith.constant 0 : i32
      %dma_start3A_48 = tpu.memref_slice %arg3[%add3A_44, %dma_start3A_47] : memref<16384x256xf32, #tpu.memory_space<hbm>> -> memref<32x256xf32, #tpu.memory_space<hbm>>
      tpu.enqueue_dma source(%dma_start3A_48 : memref<32x256xf32, #tpu.memory_space<hbm>>) target(%arg12 : memref<32x256xf32, #tpu.memory_space<vmem>>) target_semaphore(%arg18 : memref<!tpu.dma_semaphore, #tpu.memory_space<semaphore_mem>>)
      %mul3A_49 = arith.constant 96 : i32
      %mul3A_50 = arith.muli %mul3A_33, %mul3A_49 : i32
      %dma_wait3A_51 = tpu.memref_slice %arg7[%mul3A_50] : memref<1536xi32, #tpu.memory_space<vmem>> -> memref<96xi32, #tpu.memory_space<vmem>>
      %dma_wait3A_52 = arith.constant 0 : i32
      %dma_wait3A_53 = arith.constant 0 : i32
      %dma_wait3A_54 = tpu.memref_slice %arg2[%dma_wait3A_52, %dma_wait3A_53] : memref<4096x256xf32, #tpu.memory_space<hbm>> -> memref<4096x256xf32, #tpu.memory_space<hbm>>
      tpu.wait_indirect_dma semaphore(%arg15 : memref<!tpu.dma_semaphore, #tpu.memory_space<semaphore_mem>>) src(%dma_wait3A_54 : memref<4096x256xf32, #tpu.memory_space<hbm>>) dst(%arg9 : memref<96x256xf32, #tpu.memory_space<vmem>>)
      %mul3A_55 = arith.constant 32 : i32
      %mul3A_56 = arith.muli %mul3A_33, %mul3A_55 : i32
      %add3A_57 = arith.addi %mul3A_2, %mul3A_56 : i32
      %dma_wait3A_58 = arith.constant 0 : i32
      %dma_wait3A_59 = tpu.memref_slice %arg3[%add3A_57, %dma_wait3A_58] : memref<16384x256xf32, #tpu.memory_space<hbm>> -> memref<32x256xf32, #tpu.memory_space<hbm>>
      %dma_wait3A_60 = arith.constant 0 : i32
      %dma_wait3A_61 = tpu.memref_slice %arg3[%add3A_57, %dma_wait3A_60] : memref<16384x256xf32, #tpu.memory_space<hbm>> -> memref<32x256xf32, #tpu.memory_space<hbm>>
      tpu.wait_dma2 semaphore(%arg17 : memref<!tpu.dma_semaphore, #tpu.memory_space<semaphore_mem>>) src(%dma_wait3A_61 : memref<32x256xf32, #tpu.memory_space<hbm>>) dst(%arg11 : memref<32x256xf32, #tpu.memory_space<vmem>>)
      %ge3A = arith.constant 1 : i32
      %ge3A_62 = arith.cmpi sge, %scan3A_30, %ge3A : i32
      %convert_element_type3A = arith.extui %ge3A_62 : i1 to i32
      %cond3A = arith.constant 0 : i32
      %cond3A_63 = arith.cmpi ne, %convert_element_type3A, %cond3A : i32
      scf.if %cond3A_63 {
        %dma_wait3A_121 = arith.constant 0 : i32
        %dma_wait3A_122 = tpu.memref_slice %arg3[%mul3A_2, %dma_wait3A_121] : memref<16384x256xf32, #tpu.memory_space<hbm>> -> memref<32x256xf32, #tpu.memory_space<hbm>>
        %dma_wait3A_123 = arith.constant 0 : i32
        %dma_wait3A_124 = tpu.memref_slice %arg3[%mul3A_2, %dma_wait3A_123] : memref<16384x256xf32, #tpu.memory_space<hbm>> -> memref<32x256xf32, #tpu.memory_space<hbm>>
        tpu.wait_dma2 semaphore(%arg19 : memref<!tpu.dma_semaphore, #tpu.memory_space<semaphore_mem>>) src(%dma_wait3A_124 : memref<32x256xf32, #tpu.memory_space<hbm>>) dst(%arg13 : memref<32x256xf32, #tpu.memory_space<vmem>>)
      } else {
      }
      %scan3A_64 = arith.constant 0 : i32
      %scan3A_65 = arith.constant 0 : i32
      %scan3A_66 = arith.constant 32 : i32
      %scan3A_67 = arith.addi %scan3A_65, %scan3A_66 : i32
      %scan3A_68 = arith.constant 1 : i32
      %scan3A_69 = scf.for %scan3A_121 = %scan3A_65 to %scan3A_67 step %scan3A_68 iter_args(%scan3A_122 = %scan3A_64) -> (i32)  : i32 {
        %mul3A_123 = arith.constant 96 : i32
        %mul3A_124 = arith.muli %mul3A_33, %mul3A_123 : i32
        %mul3A_125 = arith.constant 3 : i32
        %mul3A_126 = arith.muli %mul3A_125, %scan3A_121 : i32
        %add3A_127 = arith.addi %mul3A_124, %mul3A_126 : i32
        %broadcast_in_dim3A = vector.broadcast %add3A_127 : i32 to vector<16xi32>
        %gather3A = tpu.vector_load_idx %arg8[%broadcast_in_dim3A] : memref<1536xf32, #tpu.memory_space<vmem>>[vector<16xi32>], vector<16xf32>,
        %add3A_128 = arith.constant 1 : i32
        %add3A_129 = arith.addi %add3A_127, %add3A_128 : i32
        %broadcast_in_dim3A_130 = vector.broadcast %add3A_129 : i32 to vector<16xi32>
        %gather3A_131 = tpu.vector_load_idx %arg8[%broadcast_in_dim3A_130] : memref<1536xf32, #tpu.memory_space<vmem>>[vector<16xi32>], vector<16xf32>,
        %add3A_132 = arith.constant 2 : i32
        %add3A_133 = arith.addi %add3A_127, %add3A_132 : i32
        %broadcast_in_dim3A_134 = vector.broadcast %add3A_133 : i32 to vector<16xi32>
        %gather3A_135 = tpu.vector_load_idx %arg8[%broadcast_in_dim3A_134] : memref<1536xf32, #tpu.memory_space<vmem>>[vector<16xi32>], vector<16xf32>,
        %mul3A_136 = arith.constant 3 : i32
        %mul3A_137 = arith.muli %mul3A_136, %scan3A_121 : i32
        %get3A = arith.index_cast %scan3A_121 : i32 to index
        %get3A_138 = arith.constant 0 : index
        %get3A_139 = tpu.vector_load %arg11[%get3A, %get3A_138] {strides = array<i32>} : memref<32x256xf32, #tpu.memory_space<vmem>>, vector<16xf32>,
        %get3A_140 = arith.index_cast %mul3A_137 : i32 to index
        %get3A_141 = arith.constant 0 : index
        %get3A_142 = tpu.vector_load %arg9[%get3A_140, %get3A_141] {strides = array<i32>} : memref<96x256xf32, #tpu.memory_space<vmem>>, vector<16xf32>,
        %mul3A_143 = arith.mulf %gather3A, %get3A_142 : vector<16xf32>
        %add3A_144 = arith.addf %get3A_139, %mul3A_143 : vector<16xf32>
        %add3A_145 = arith.constant 1 : i32
        %add3A_146 = arith.addi %mul3A_137, %add3A_145 : i32
        %get3A_147 = arith.index_cast %add3A_146 : i32 to index
        %get3A_148 = arith.constant 0 : index
        %get3A_149 = tpu.vector_load %arg9[%get3A_147, %get3A_148] {strides = array<i32>} : memref<96x256xf32, #tpu.memory_space<vmem>>, vector<16xf32>,
        %mul3A_150 = arith.mulf %gather3A_131, %get3A_149 : vector<16xf32>
        %add3A_151 = arith.addf %add3A_144, %mul3A_150 : vector<16xf32>
        %add3A_152 = arith.constant 2 : i32
        %add3A_153 = arith.addi %mul3A_137, %add3A_152 : i32
        %get3A_154 = arith.index_cast %add3A_153 : i32 to index
        %get3A_155 = arith.constant 0 : index
        %get3A_156 = tpu.vector_load %arg9[%get3A_154, %get3A_155] {strides = array<i32>} : memref<96x256xf32, #tpu.memory_space<vmem>>, vector<16xf32>,
        %mul3A_157 = arith.mulf %gather3A_135, %get3A_156 : vector<16xf32>
        %add3A_158 = arith.addf %add3A_151, %mul3A_157 : vector<16xf32>
        %swap3A = arith.index_cast %scan3A_121 : i32 to index
        %swap3A_159 = arith.constant 0 : index
        %swap3A_160 = tpu.vector_load %arg13[%swap3A, %swap3A_159] {strides = array<i32>} : memref<32x256xf32, #tpu.memory_space<vmem>>, vector<16xf32>,
        tpu.vector_store %arg13[%swap3A, %swap3A_159], %add3A_158 {strides = array<i32>} : memref<32x256xf32, #tpu.memory_space<vmem>>, vector<16xf32>,
        %get3A_161 = arith.index_cast %scan3A_121 : i32 to index
        %get3A_162 = arith.constant 16 : index
        %get3A_163 = tpu.vector_load %arg11[%get3A_161, %get3A_162] {strides = array<i32>} : memref<32x256xf32, #tpu.memory_space<vmem>>, vector<16xf32>,
        %get3A_164 = arith.index_cast %mul3A_137 : i32 to index
        %get3A_165 = arith.constant 16 : index
        %get3A_166 = tpu.vector_load %arg9[%get3A_164, %get3A_165] {strides = array<i32>} : memref<96x256xf32, #tpu.memory_space<vmem>>, vector<16xf32>,
        %mul3A_167 = arith.mulf %gather3A, %get3A_166 : vector<16xf32>
        %add3A_168 = arith.addf %get3A_163, %mul3A_167 : vector<16xf32>
        %add3A_169 = arith.constant 1 : i32
        %add3A_170 = arith.addi %mul3A_137, %add3A_169 : i32
        %get3A_171 = arith.index_cast %add3A_170 : i32 to index
        %get3A_172 = arith.constant 16 : index
        %get3A_173 = tpu.vector_load %arg9[%get3A_171, %get3A_172] {strides = array<i32>} : memref<96x256xf32, #tpu.memory_space<vmem>>, vector<16xf32>,
        %mul3A_174 = arith.mulf %gather3A_131, %get3A_173 : vector<16xf32>
        %add3A_175 = arith.addf %add3A_168, %mul3A_174 : vector<16xf32>
        %add3A_176 = arith.constant 2 : i32
        %add3A_177 = arith.addi %mul3A_137, %add3A_176 : i32
        %get3A_178 = arith.index_cast %add3A_177 : i32 to index
        %get3A_179 = arith.constant 16 : index
        %get3A_180 = tpu.vector_load %arg9[%get3A_178, %get3A_179] {strides = array<i32>} : memref<96x256xf32, #tpu.memory_space<vmem>>, vector<16xf32>,
        %mul3A_181 = arith.mulf %gather3A_135, %get3A_180 : vector<16xf32>
        %add3A_182 = arith.addf %add3A_175, %mul3A_181 : vector<16xf32>
        %swap3A_183 = arith.index_cast %scan3A_121 : i32 to index
        %swap3A_184 = arith.constant 16 : index
        %swap3A_185 = tpu.vector_load %arg13[%swap3A_183, %swap3A_184] {strides = array<i32>} : memref<32x256xf32, #tpu.memory_space<vmem>>, vector<16xf32>,
        tpu.vector_store %arg13[%swap3A_183, %swap3A_184], %add3A_182 {strides = array<i32>} : memref<32x256xf32, #tpu.memory_space<vmem>>, vector<16xf32>,
        %get3A_186 = arith.index_cast %scan3A_121 : i32 to index
        %get3A_187 = arith.constant 32 : index
        %get3A_188 = tpu.vector_load %arg11[%get3A_186, %get3A_187] {strides = array<i32>} : memref<32x256xf32, #tpu.memory_space<vmem>>, vector<16xf32>,
        %get3A_189 = arith.index_cast %mul3A_137 : i32 to index
        %get3A_190 = arith.constant 32 : index
        %get3A_191 = tpu.vector_load %arg9[%get3A_189, %get3A_190] {strides = array<i32>} : memref<96x256xf32, #tpu.memory_space<vmem>>, vector<16xf32>,
        %mul3A_192 = arith.mulf %gather3A, %get3A_191 : vector<16xf32>
        %add3A_193 = arith.addf %get3A_188, %mul3A_192 : vector<16xf32>
        %add3A_194 = arith.constant 1 : i32
        %add3A_195 = arith.addi %mul3A_137, %add3A_194 : i32
        %get3A_196 = arith.index_cast %add3A_195 : i32 to index
        %get3A_197 = arith.constant 32 : index
        %get3A_198 = tpu.vector_load %arg9[%get3A_196, %get3A_197] {strides = array<i32>} : memref<96x256xf32, #tpu.memory_space<vmem>>, vector<16xf32>,
        %mul3A_199 = arith.mulf %gather3A_131, %get3A_198 : vector<16xf32>
        %add3A_200 = arith.addf %add3A_193, %mul3A_199 : vector<16xf32>
        %add3A_201 = arith.constant 2 : i32
        %add3A_202 = arith.addi %mul3A_137, %add3A_201 : i32
        %get3A_203 = arith.index_cast %add3A_202 : i32 to index
        %get3A_204 = arith.constant 32 : index
        %get3A_205 = tpu.vector_load %arg9[%get3A_203, %get3A_204] {strides = array<i32>} : memref<96x256xf32, #tpu.memory_space<vmem>>, vector<16xf32>,
        %mul3A_206 = arith.mulf %gather3A_135, %get3A_205 : vector<16xf32>
        %add3A_207 = arith.addf %add3A_200, %mul3A_206 : vector<16xf32>
        %swap3A_208 = arith.index_cast %scan3A_121 : i32 to index
        %swap3A_209 = arith.constant 32 : index
        %swap3A_210 = tpu.vector_load %arg13[%swap3A_208, %swap3A_209] {strides = array<i32>} : memref<32x256xf32, #tpu.memory_space<vmem>>, vector<16xf32>,
        tpu.vector_store %arg13[%swap3A_208, %swap3A_209], %add3A_207 {strides = array<i32>} : memref<32x256xf32, #tpu.memory_space<vmem>>, vector<16xf32>,
        %get3A_211 = arith.index_cast %scan3A_121 : i32 to index
        %get3A_212 = arith.constant 48 : index
        %get3A_213 = tpu.vector_load %arg11[%get3A_211, %get3A_212] {strides = array<i32>} : memref<32x256xf32, #tpu.memory_space<vmem>>, vector<16xf32>,
        %get3A_214 = arith.index_cast %mul3A_137 : i32 to index
        %get3A_215 = arith.constant 48 : index
        %get3A_216 = tpu.vector_load %arg9[%get3A_214, %get3A_215] {strides = array<i32>} : memref<96x256xf32, #tpu.memory_space<vmem>>, vector<16xf32>,
        %mul3A_217 = arith.mulf %gather3A, %get3A_216 : vector<16xf32>
        %add3A_218 = arith.addf %get3A_213, %mul3A_217 : vector<16xf32>
        %add3A_219 = arith.constant 1 : i32
        %add3A_220 = arith.addi %mul3A_137, %add3A_219 : i32
        %get3A_221 = arith.index_cast %add3A_220 : i32 to index
        %get3A_222 = arith.constant 48 : index
        %get3A_223 = tpu.vector_load %arg9[%get3A_221, %get3A_222] {strides = array<i32>} : memref<96x256xf32, #tpu.memory_space<vmem>>, vector<16xf32>,
        %mul3A_224 = arith.mulf %gather3A_131, %get3A_223 : vector<16xf32>
        %add3A_225 = arith.addf %add3A_218, %mul3A_224 : vector<16xf32>
        %add3A_226 = arith.constant 2 : i32
        %add3A_227 = arith.addi %mul3A_137, %add3A_226 : i32
        %get3A_228 = arith.index_cast %add3A_227 : i32 to index
        %get3A_229 = arith.constant 48 : index
        %get3A_230 = tpu.vector_load %arg9[%get3A_228, %get3A_229] {strides = array<i32>} : memref<96x256xf32, #tpu.memory_space<vmem>>, vector<16xf32>,
        %mul3A_231 = arith.mulf %gather3A_135, %get3A_230 : vector<16xf32>
        %add3A_232 = arith.addf %add3A_225, %mul3A_231 : vector<16xf32>
        %swap3A_233 = arith.index_cast %scan3A_121 : i32 to index
        %swap3A_234 = arith.constant 48 : index
        %swap3A_235 = tpu.vector_load %arg13[%swap3A_233, %swap3A_234] {strides = array<i32>} : memref<32x256xf32, #tpu.memory_space<vmem>>, vector<16xf32>,
        tpu.vector_store %arg13[%swap3A_233, %swap3A_234], %add3A_232 {strides = array<i32>} : memref<32x256xf32, #tpu.memory_space<vmem>>, vector<16xf32>,
        %get3A_236 = arith.index_cast %scan3A_121 : i32 to index
        %get3A_237 = arith.constant 64 : index
        %get3A_238 = tpu.vector_load %arg11[%get3A_236, %get3A_237] {strides = array<i32>} : memref<32x256xf32, #tpu.memory_space<vmem>>, vector<16xf32>,
        %get3A_239 = arith.index_cast %mul3A_137 : i32 to index
        %get3A_240 = arith.constant 64 : index
        %get3A_241 = tpu.vector_load %arg9[%get3A_239, %get3A_240] {strides = array<i32>} : memref<96x256xf32, #tpu.memory_space<vmem>>, vector<16xf32>,
        %mul3A_242 = arith.mulf %gather3A, %get3A_241 : vector<16xf32>
        %add3A_243 = arith.addf %get3A_238, %mul3A_242 : vector<16xf32>
        %add3A_244 = arith.constant 1 : i32
        %add3A_245 = arith.addi %mul3A_137, %add3A_244 : i32
        %get3A_246 = arith.index_cast %add3A_245 : i32 to index
        %get3A_247 = arith.constant 64 : index
        %get3A_248 = tpu.vector_load %arg9[%get3A_246, %get3A_247] {strides = array<i32>} : memref<96x256xf32, #tpu.memory_space<vmem>>, vector<16xf32>,
        %mul3A_249 = arith.mulf %gather3A_131, %get3A_248 : vector<16xf32>
        %add3A_250 = arith.addf %add3A_243, %mul3A_249 : vector<16xf32>
        %add3A_251 = arith.constant 2 : i32
        %add3A_252 = arith.addi %mul3A_137, %add3A_251 : i32
        %get3A_253 = arith.index_cast %add3A_252 : i32 to index
        %get3A_254 = arith.constant 64 : index
        %get3A_255 = tpu.vector_load %arg9[%get3A_253, %get3A_254] {strides = array<i32>} : memref<96x256xf32, #tpu.memory_space<vmem>>, vector<16xf32>,
        %mul3A_256 = arith.mulf %gather3A_135, %get3A_255 : vector<16xf32>
        %add3A_257 = arith.addf %add3A_250, %mul3A_256 : vector<16xf32>
        %swap3A_258 = arith.index_cast %scan3A_121 : i32 to index
        %swap3A_259 = arith.constant 64 : index
        %swap3A_260 = tpu.vector_load %arg13[%swap3A_258, %swap3A_259] {strides = array<i32>} : memref<32x256xf32, #tpu.memory_space<vmem>>, vector<16xf32>,
        tpu.vector_store %arg13[%swap3A_258, %swap3A_259], %add3A_257 {strides = array<i32>} : memref<32x256xf32, #tpu.memory_space<vmem>>, vector<16xf32>,
        %get3A_261 = arith.index_cast %scan3A_121 : i32 to index
        %get3A_262 = arith.constant 80 : index
        %get3A_263 = tpu.vector_load %arg11[%get3A_261, %get3A_262] {strides = array<i32>} : memref<32x256xf32, #tpu.memory_space<vmem>>, vector<16xf32>,
        %get3A_264 = arith.index_cast %mul3A_137 : i32 to index
        %get3A_265 = arith.constant 80 : index
        %get3A_266 = tpu.vector_load %arg9[%get3A_264, %get3A_265] {strides = array<i32>} : memref<96x256xf32, #tpu.memory_space<vmem>>, vector<16xf32>,
        %mul3A_267 = arith.mulf %gather3A, %get3A_266 : vector<16xf32>
        %add3A_268 = arith.addf %get3A_263, %mul3A_267 : vector<16xf32>
        %add3A_269 = arith.constant 1 : i32
        %add3A_270 = arith.addi %mul3A_137, %add3A_269 : i32
        %get3A_271 = arith.index_cast %add3A_270 : i32 to index
        %get3A_272 = arith.constant 80 : index
        %get3A_273 = tpu.vector_load %arg9[%get3A_271, %get3A_272] {strides = array<i32>} : memref<96x256xf32, #tpu.memory_space<vmem>>, vector<16xf32>,
        %mul3A_274 = arith.mulf %gather3A_131, %get3A_273 : vector<16xf32>
        %add3A_275 = arith.addf %add3A_268, %mul3A_274 : vector<16xf32>
        %add3A_276 = arith.constant 2 : i32
        %add3A_277 = arith.addi %mul3A_137, %add3A_276 : i32
        %get3A_278 = arith.index_cast %add3A_277 : i32 to index
        %get3A_279 = arith.constant 80 : index
        %get3A_280 = tpu.vector_load %arg9[%get3A_278, %get3A_279] {strides = array<i32>} : memref<96x256xf32, #tpu.memory_space<vmem>>, vector<16xf32>,
        %mul3A_281 = arith.mulf %gather3A_135, %get3A_280 : vector<16xf32>
        %add3A_282 = arith.addf %add3A_275, %mul3A_281 : vector<16xf32>
        %swap3A_283 = arith.index_cast %scan3A_121 : i32 to index
        %swap3A_284 = arith.constant 80 : index
        %swap3A_285 = tpu.vector_load %arg13[%swap3A_283, %swap3A_284] {strides = array<i32>} : memref<32x256xf32, #tpu.memory_space<vmem>>, vector<16xf32>,
        tpu.vector_store %arg13[%swap3A_283, %swap3A_284], %add3A_282 {strides = array<i32>} : memref<32x256xf32, #tpu.memory_space<vmem>>, vector<16xf32>,
        %get3A_286 = arith.index_cast %scan3A_121 : i32 to index
        %get3A_287 = arith.constant 96 : index
        %get3A_288 = tpu.vector_load %arg11[%get3A_286, %get3A_287] {strides = array<i32>} : memref<32x256xf32, #tpu.memory_space<vmem>>, vector<16xf32>,
        %get3A_289 = arith.index_cast %mul3A_137 : i32 to index
        %get3A_290 = arith.constant 96 : index
        %get3A_291 = tpu.vector_load %arg9[%get3A_289, %get3A_290] {strides = array<i32>} : memref<96x256xf32, #tpu.memory_space<vmem>>, vector<16xf32>,
        %mul3A_292 = arith.mulf %gather3A, %get3A_291 : vector<16xf32>
        %add3A_293 = arith.addf %get3A_288, %mul3A_292 : vector<16xf32>
        %add3A_294 = arith.constant 1 : i32
        %add3A_295 = arith.addi %mul3A_137, %add3A_294 : i32
        %get3A_296 = arith.index_cast %add3A_295 : i32 to index
        %get3A_297 = arith.constant 96 : index
        %get3A_298 = tpu.vector_load %arg9[%get3A_296, %get3A_297] {strides = array<i32>} : memref<96x256xf32, #tpu.memory_space<vmem>>, vector<16xf32>,
        %mul3A_299 = arith.mulf %gather3A_131, %get3A_298 : vector<16xf32>
        %add3A_300 = arith.addf %add3A_293, %mul3A_299 : vector<16xf32>
        %add3A_301 = arith.constant 2 : i32
        %add3A_302 = arith.addi %mul3A_137, %add3A_301 : i32
        %get3A_303 = arith.index_cast %add3A_302 : i32 to index
        %get3A_304 = arith.constant 96 : index
        %get3A_305 = tpu.vector_load %arg9[%get3A_303, %get3A_304] {strides = array<i32>} : memref<96x256xf32, #tpu.memory_space<vmem>>, vector<16xf32>,
        %mul3A_306 = arith.mulf %gather3A_135, %get3A_305 : vector<16xf32>
        %add3A_307 = arith.addf %add3A_300, %mul3A_306 : vector<16xf32>
        %swap3A_308 = arith.index_cast %scan3A_121 : i32 to index
        %swap3A_309 = arith.constant 96 : index
        %swap3A_310 = tpu.vector_load %arg13[%swap3A_308, %swap3A_309] {strides = array<i32>} : memref<32x256xf32, #tpu.memory_space<vmem>>, vector<16xf32>,
        tpu.vector_store %arg13[%swap3A_308, %swap3A_309], %add3A_307 {strides = array<i32>} : memref<32x256xf32, #tpu.memory_space<vmem>>, vector<16xf32>,
        %get3A_311 = arith.index_cast %scan3A_121 : i32 to index
        %get3A_312 = arith.constant 112 : index
        %get3A_313 = tpu.vector_load %arg11[%get3A_311, %get3A_312] {strides = array<i32>} : memref<32x256xf32, #tpu.memory_space<vmem>>, vector<16xf32>,
        %get3A_314 = arith.index_cast %mul3A_137 : i32 to index
        %get3A_315 = arith.constant 112 : index
        %get3A_316 = tpu.vector_load %arg9[%get3A_314, %get3A_315] {strides = array<i32>} : memref<96x256xf32, #tpu.memory_space<vmem>>, vector<16xf32>,
        %mul3A_317 = arith.mulf %gather3A, %get3A_316 : vector<16xf32>
        %add3A_318 = arith.addf %get3A_313, %mul3A_317 : vector<16xf32>
        %add3A_319 = arith.constant 1 : i32
        %add3A_320 = arith.addi %mul3A_137, %add3A_319 : i32
        %get3A_321 = arith.index_cast %add3A_320 : i32 to index
        %get3A_322 = arith.constant 112 : index
        %get3A_323 = tpu.vector_load %arg9[%get3A_321, %get3A_322] {strides = array<i32>} : memref<96x256xf32, #tpu.memory_space<vmem>>, vector<16xf32>,
        %mul3A_324 = arith.mulf %gather3A_131, %get3A_323 : vector<16xf32>
        %add3A_325 = arith.addf %add3A_318, %mul3A_324 : vector<16xf32>
        %add3A_326 = arith.constant 2 : i32
        %add3A_327 = arith.addi %mul3A_137, %add3A_326 : i32
        %get3A_328 = arith.index_cast %add3A_327 : i32 to index
        %get3A_329 = arith.constant 112 : index
        %get3A_330 = tpu.vector_load %arg9[%get3A_328, %get3A_329] {strides = array<i32>} : memref<96x256xf32, #tpu.memory_space<vmem>>, vector<16xf32>,
        %mul3A_331 = arith.mulf %gather3A_135, %get3A_330 : vector<16xf32>
        %add3A_332 = arith.addf %add3A_325, %mul3A_331 : vector<16xf32>
        %swap3A_333 = arith.index_cast %scan3A_121 : i32 to index
        %swap3A_334 = arith.constant 112 : index
        %swap3A_335 = tpu.vector_load %arg13[%swap3A_333, %swap3A_334] {strides = array<i32>} : memref<32x256xf32, #tpu.memory_space<vmem>>, vector<16xf32>,
        tpu.vector_store %arg13[%swap3A_333, %swap3A_334], %add3A_332 {strides = array<i32>} : memref<32x256xf32, #tpu.memory_space<vmem>>, vector<16xf32>,
        %get3A_336 = arith.index_cast %scan3A_121 : i32 to index
        %get3A_337 = arith.constant 128 : index
        %get3A_338 = tpu.vector_load %arg11[%get3A_336, %get3A_337] {strides = array<i32>} : memref<32x256xf32, #tpu.memory_space<vmem>>, vector<16xf32>,
        %get3A_339 = arith.index_cast %mul3A_137 : i32 to index
        %get3A_340 = arith.constant 128 : index
        %get3A_341 = tpu.vector_load %arg9[%get3A_339, %get3A_340] {strides = array<i32>} : memref<96x256xf32, #tpu.memory_space<vmem>>, vector<16xf32>,
        %mul3A_342 = arith.mulf %gather3A, %get3A_341 : vector<16xf32>
        %add3A_343 = arith.addf %get3A_338, %mul3A_342 : vector<16xf32>
        %add3A_344 = arith.constant 1 : i32
        %add3A_345 = arith.addi %mul3A_137, %add3A_344 : i32
        %get3A_346 = arith.index_cast %add3A_345 : i32 to index
        %get3A_347 = arith.constant 128 : index
        %get3A_348 = tpu.vector_load %arg9[%get3A_346, %get3A_347] {strides = array<i32>} : memref<96x256xf32, #tpu.memory_space<vmem>>, vector<16xf32>,
        %mul3A_349 = arith.mulf %gather3A_131, %get3A_348 : vector<16xf32>
        %add3A_350 = arith.addf %add3A_343, %mul3A_349 : vector<16xf32>
        %add3A_351 = arith.constant 2 : i32
        %add3A_352 = arith.addi %mul3A_137, %add3A_351 : i32
        %get3A_353 = arith.index_cast %add3A_352 : i32 to index
        %get3A_354 = arith.constant 128 : index
        %get3A_355 = tpu.vector_load %arg9[%get3A_353, %get3A_354] {strides = array<i32>} : memref<96x256xf32, #tpu.memory_space<vmem>>, vector<16xf32>,
        %mul3A_356 = arith.mulf %gather3A_135, %get3A_355 : vector<16xf32>
        %add3A_357 = arith.addf %add3A_350, %mul3A_356 : vector<16xf32>
        %swap3A_358 = arith.index_cast %scan3A_121 : i32 to index
        %swap3A_359 = arith.constant 128 : index
        %swap3A_360 = tpu.vector_load %arg13[%swap3A_358, %swap3A_359] {strides = array<i32>} : memref<32x256xf32, #tpu.memory_space<vmem>>, vector<16xf32>,
        tpu.vector_store %arg13[%swap3A_358, %swap3A_359], %add3A_357 {strides = array<i32>} : memref<32x256xf32, #tpu.memory_space<vmem>>, vector<16xf32>,
        %get3A_361 = arith.index_cast %scan3A_121 : i32 to index
        %get3A_362 = arith.constant 144 : index
        %get3A_363 = tpu.vector_load %arg11[%get3A_361, %get3A_362] {strides = array<i32>} : memref<32x256xf32, #tpu.memory_space<vmem>>, vector<16xf32>,
        %get3A_364 = arith.index_cast %mul3A_137 : i32 to index
        %get3A_365 = arith.constant 144 : index
        %get3A_366 = tpu.vector_load %arg9[%get3A_364, %get3A_365] {strides = array<i32>} : memref<96x256xf32, #tpu.memory_space<vmem>>, vector<16xf32>,
        %mul3A_367 = arith.mulf %gather3A, %get3A_366 : vector<16xf32>
        %add3A_368 = arith.addf %get3A_363, %mul3A_367 : vector<16xf32>
        %add3A_369 = arith.constant 1 : i32
        %add3A_370 = arith.addi %mul3A_137, %add3A_369 : i32
        %get3A_371 = arith.index_cast %add3A_370 : i32 to index
        %get3A_372 = arith.constant 144 : index
        %get3A_373 = tpu.vector_load %arg9[%get3A_371, %get3A_372] {strides = array<i32>} : memref<96x256xf32, #tpu.memory_space<vmem>>, vector<16xf32>,
        %mul3A_374 = arith.mulf %gather3A_131, %get3A_373 : vector<16xf32>
        %add3A_375 = arith.addf %add3A_368, %mul3A_374 : vector<16xf32>
        %add3A_376 = arith.constant 2 : i32
        %add3A_377 = arith.addi %mul3A_137, %add3A_376 : i32
        %get3A_378 = arith.index_cast %add3A_377 : i32 to index
        %get3A_379 = arith.constant 144 : index
        %get3A_380 = tpu.vector_load %arg9[%get3A_378, %get3A_379] {strides = array<i32>} : memref<96x256xf32, #tpu.memory_space<vmem>>, vector<16xf32>,
        %mul3A_381 = arith.mulf %gather3A_135, %get3A_380 : vector<16xf32>
        %add3A_382 = arith.addf %add3A_375, %mul3A_381 : vector<16xf32>
        %swap3A_383 = arith.index_cast %scan3A_121 : i32 to index
        %swap3A_384 = arith.constant 144 : index
        %swap3A_385 = tpu.vector_load %arg13[%swap3A_383, %swap3A_384] {strides = array<i32>} : memref<32x256xf32, #tpu.memory_space<vmem>>, vector<16xf32>,
        tpu.vector_store %arg13[%swap3A_383, %swap3A_384], %add3A_382 {strides = array<i32>} : memref<32x256xf32, #tpu.memory_space<vmem>>, vector<16xf32>,
        %get3A_386 = arith.index_cast %scan3A_121 : i32 to index
        %get3A_387 = arith.constant 160 : index
        %get3A_388 = tpu.vector_load %arg11[%get3A_386, %get3A_387] {strides = array<i32>} : memref<32x256xf32, #tpu.memory_space<vmem>>, vector<16xf32>,
        %get3A_389 = arith.index_cast %mul3A_137 : i32 to index
        %get3A_390 = arith.constant 160 : index
        %get3A_391 = tpu.vector_load %arg9[%get3A_389, %get3A_390] {strides = array<i32>} : memref<96x256xf32, #tpu.memory_space<vmem>>, vector<16xf32>,
        %mul3A_392 = arith.mulf %gather3A, %get3A_391 : vector<16xf32>
        %add3A_393 = arith.addf %get3A_388, %mul3A_392 : vector<16xf32>
        %add3A_394 = arith.constant 1 : i32
        %add3A_395 = arith.addi %mul3A_137, %add3A_394 : i32
        %get3A_396 = arith.index_cast %add3A_395 : i32 to index
        %get3A_397 = arith.constant 160 : index
        %get3A_398 = tpu.vector_load %arg9[%get3A_396, %get3A_397] {strides = array<i32>} : memref<96x256xf32, #tpu.memory_space<vmem>>, vector<16xf32>,
        %mul3A_399 = arith.mulf %gather3A_131, %get3A_398 : vector<16xf32>
        %add3A_400 = arith.addf %add3A_393, %mul3A_399 : vector<16xf32>
        %add3A_401 = arith.constant 2 : i32
        %add3A_402 = arith.addi %mul3A_137, %add3A_401 : i32
        %get3A_403 = arith.index_cast %add3A_402 : i32 to index
        %get3A_404 = arith.constant 160 : index
        %get3A_405 = tpu.vector_load %arg9[%get3A_403, %get3A_404] {strides = array<i32>} : memref<96x256xf32, #tpu.memory_space<vmem>>, vector<16xf32>,
        %mul3A_406 = arith.mulf %gather3A_135, %get3A_405 : vector<16xf32>
        %add3A_407 = arith.addf %add3A_400, %mul3A_406 : vector<16xf32>
        %swap3A_408 = arith.index_cast %scan3A_121 : i32 to index
        %swap3A_409 = arith.constant 160 : index
        %swap3A_410 = tpu.vector_load %arg13[%swap3A_408, %swap3A_409] {strides = array<i32>} : memref<32x256xf32, #tpu.memory_space<vmem>>, vector<16xf32>,
        tpu.vector_store %arg13[%swap3A_408, %swap3A_409], %add3A_407 {strides = array<i32>} : memref<32x256xf32, #tpu.memory_space<vmem>>, vector<16xf32>,
        %get3A_411 = arith.index_cast %scan3A_121 : i32 to index
        %get3A_412 = arith.constant 176 : index
        %get3A_413 = tpu.vector_load %arg11[%get3A_411, %get3A_412] {strides = array<i32>} : memref<32x256xf32, #tpu.memory_space<vmem>>, vector<16xf32>,
        %get3A_414 = arith.index_cast %mul3A_137 : i32 to index
        %get3A_415 = arith.constant 176 : index
        %get3A_416 = tpu.vector_load %arg9[%get3A_414, %get3A_415] {strides = array<i32>} : memref<96x256xf32, #tpu.memory_space<vmem>>, vector<16xf32>,
        %mul3A_417 = arith.mulf %gather3A, %get3A_416 : vector<16xf32>
        %add3A_418 = arith.addf %get3A_413, %mul3A_417 : vector<16xf32>
        %add3A_419 = arith.constant 1 : i32
        %add3A_420 = arith.addi %mul3A_137, %add3A_419 : i32
        %get3A_421 = arith.index_cast %add3A_420 : i32 to index
        %get3A_422 = arith.constant 176 : index
        %get3A_423 = tpu.vector_load %arg9[%get3A_421, %get3A_422] {strides = array<i32>} : memref<96x256xf32, #tpu.memory_space<vmem>>, vector<16xf32>,
        %mul3A_424 = arith.mulf %gather3A_131, %get3A_423 : vector<16xf32>
        %add3A_425 = arith.addf %add3A_418, %mul3A_424 : vector<16xf32>
        %add3A_426 = arith.constant 2 : i32
        %add3A_427 = arith.addi %mul3A_137, %add3A_426 : i32
        %get3A_428 = arith.index_cast %add3A_427 : i32 to index
        %get3A_429 = arith.constant 176 : index
        %get3A_430 = tpu.vector_load %arg9[%get3A_428, %get3A_429] {strides = array<i32>} : memref<96x256xf32, #tpu.memory_space<vmem>>, vector<16xf32>,
        %mul3A_431 = arith.mulf %gather3A_135, %get3A_430 : vector<16xf32>
        %add3A_432 = arith.addf %add3A_425, %mul3A_431 : vector<16xf32>
        %swap3A_433 = arith.index_cast %scan3A_121 : i32 to index
        %swap3A_434 = arith.constant 176 : index
        %swap3A_435 = tpu.vector_load %arg13[%swap3A_433, %swap3A_434] {strides = array<i32>} : memref<32x256xf32, #tpu.memory_space<vmem>>, vector<16xf32>,
        tpu.vector_store %arg13[%swap3A_433, %swap3A_434], %add3A_432 {strides = array<i32>} : memref<32x256xf32, #tpu.memory_space<vmem>>, vector<16xf32>,
        %get3A_436 = arith.index_cast %scan3A_121 : i32 to index
        %get3A_437 = arith.constant 192 : index
        %get3A_438 = tpu.vector_load %arg11[%get3A_436, %get3A_437] {strides = array<i32>} : memref<32x256xf32, #tpu.memory_space<vmem>>, vector<16xf32>,
        %get3A_439 = arith.index_cast %mul3A_137 : i32 to index
        %get3A_440 = arith.constant 192 : index
        %get3A_441 = tpu.vector_load %arg9[%get3A_439, %get3A_440] {strides = array<i32>} : memref<96x256xf32, #tpu.memory_space<vmem>>, vector<16xf32>,
        %mul3A_442 = arith.mulf %gather3A, %get3A_441 : vector<16xf32>
        %add3A_443 = arith.addf %get3A_438, %mul3A_442 : vector<16xf32>
        %add3A_444 = arith.constant 1 : i32
        %add3A_445 = arith.addi %mul3A_137, %add3A_444 : i32
        %get3A_446 = arith.index_cast %add3A_445 : i32 to index
        %get3A_447 = arith.constant 192 : index
        %get3A_448 = tpu.vector_load %arg9[%get3A_446, %get3A_447] {strides = array<i32>} : memref<96x256xf32, #tpu.memory_space<vmem>>, vector<16xf32>,
        %mul3A_449 = arith.mulf %gather3A_131, %get3A_448 : vector<16xf32>
        %add3A_450 = arith.addf %add3A_443, %mul3A_449 : vector<16xf32>
        %add3A_451 = arith.constant 2 : i32
        %add3A_452 = arith.addi %mul3A_137, %add3A_451 : i32
        %get3A_453 = arith.index_cast %add3A_452 : i32 to index
        %get3A_454 = arith.constant 192 : index
        %get3A_455 = tpu.vector_load %arg9[%get3A_453, %get3A_454] {strides = array<i32>} : memref<96x256xf32, #tpu.memory_space<vmem>>, vector<16xf32>,
        %mul3A_456 = arith.mulf %gather3A_135, %get3A_455 : vector<16xf32>
        %add3A_457 = arith.addf %add3A_450, %mul3A_456 : vector<16xf32>
        %swap3A_458 = arith.index_cast %scan3A_121 : i32 to index
        %swap3A_459 = arith.constant 192 : index
        %swap3A_460 = tpu.vector_load %arg13[%swap3A_458, %swap3A_459] {strides = array<i32>} : memref<32x256xf32, #tpu.memory_space<vmem>>, vector<16xf32>,
        tpu.vector_store %arg13[%swap3A_458, %swap3A_459], %add3A_457 {strides = array<i32>} : memref<32x256xf32, #tpu.memory_space<vmem>>, vector<16xf32>,
        %get3A_461 = arith.index_cast %scan3A_121 : i32 to index
        %get3A_462 = arith.constant 208 : index
        %get3A_463 = tpu.vector_load %arg11[%get3A_461, %get3A_462] {strides = array<i32>} : memref<32x256xf32, #tpu.memory_space<vmem>>, vector<16xf32>,
        %get3A_464 = arith.index_cast %mul3A_137 : i32 to index
        %get3A_465 = arith.constant 208 : index
        %get3A_466 = tpu.vector_load %arg9[%get3A_464, %get3A_465] {strides = array<i32>} : memref<96x256xf32, #tpu.memory_space<vmem>>, vector<16xf32>,
        %mul3A_467 = arith.mulf %gather3A, %get3A_466 : vector<16xf32>
        %add3A_468 = arith.addf %get3A_463, %mul3A_467 : vector<16xf32>
        %add3A_469 = arith.constant 1 : i32
        %add3A_470 = arith.addi %mul3A_137, %add3A_469 : i32
        %get3A_471 = arith.index_cast %add3A_470 : i32 to index
        %get3A_472 = arith.constant 208 : index
        %get3A_473 = tpu.vector_load %arg9[%get3A_471, %get3A_472] {strides = array<i32>} : memref<96x256xf32, #tpu.memory_space<vmem>>, vector<16xf32>,
        %mul3A_474 = arith.mulf %gather3A_131, %get3A_473 : vector<16xf32>
        %add3A_475 = arith.addf %add3A_468, %mul3A_474 : vector<16xf32>
        %add3A_476 = arith.constant 2 : i32
        %add3A_477 = arith.addi %mul3A_137, %add3A_476 : i32
        %get3A_478 = arith.index_cast %add3A_477 : i32 to index
        %get3A_479 = arith.constant 208 : index
        %get3A_480 = tpu.vector_load %arg9[%get3A_478, %get3A_479] {strides = array<i32>} : memref<96x256xf32, #tpu.memory_space<vmem>>, vector<16xf32>,
        %mul3A_481 = arith.mulf %gather3A_135, %get3A_480 : vector<16xf32>
        %add3A_482 = arith.addf %add3A_475, %mul3A_481 : vector<16xf32>
        %swap3A_483 = arith.index_cast %scan3A_121 : i32 to index
        %swap3A_484 = arith.constant 208 : index
        %swap3A_485 = tpu.vector_load %arg13[%swap3A_483, %swap3A_484] {strides = array<i32>} : memref<32x256xf32, #tpu.memory_space<vmem>>, vector<16xf32>,
        tpu.vector_store %arg13[%swap3A_483, %swap3A_484], %add3A_482 {strides = array<i32>} : memref<32x256xf32, #tpu.memory_space<vmem>>, vector<16xf32>,
        %get3A_486 = arith.index_cast %scan3A_121 : i32 to index
        %get3A_487 = arith.constant 224 : index
        %get3A_488 = tpu.vector_load %arg11[%get3A_486, %get3A_487] {strides = array<i32>} : memref<32x256xf32, #tpu.memory_space<vmem>>, vector<16xf32>,
        %get3A_489 = arith.index_cast %mul3A_137 : i32 to index
        %get3A_490 = arith.constant 224 : index
        %get3A_491 = tpu.vector_load %arg9[%get3A_489, %get3A_490] {strides = array<i32>} : memref<96x256xf32, #tpu.memory_space<vmem>>, vector<16xf32>,
        %mul3A_492 = arith.mulf %gather3A, %get3A_491 : vector<16xf32>
        %add3A_493 = arith.addf %get3A_488, %mul3A_492 : vector<16xf32>
        %add3A_494 = arith.constant 1 : i32
        %add3A_495 = arith.addi %mul3A_137, %add3A_494 : i32
        %get3A_496 = arith.index_cast %add3A_495 : i32 to index
        %get3A_497 = arith.constant 224 : index
        %get3A_498 = tpu.vector_load %arg9[%get3A_496, %get3A_497] {strides = array<i32>} : memref<96x256xf32, #tpu.memory_space<vmem>>, vector<16xf32>,
        %mul3A_499 = arith.mulf %gather3A_131, %get3A_498 : vector<16xf32>
        %add3A_500 = arith.addf %add3A_493, %mul3A_499 : vector<16xf32>
        %add3A_501 = arith.constant 2 : i32
        %add3A_502 = arith.addi %mul3A_137, %add3A_501 : i32
        %get3A_503 = arith.index_cast %add3A_502 : i32 to index
        %get3A_504 = arith.constant 224 : index
        %get3A_505 = tpu.vector_load %arg9[%get3A_503, %get3A_504] {strides = array<i32>} : memref<96x256xf32, #tpu.memory_space<vmem>>, vector<16xf32>,
        %mul3A_506 = arith.mulf %gather3A_135, %get3A_505 : vector<16xf32>
        %add3A_507 = arith.addf %add3A_500, %mul3A_506 : vector<16xf32>
        %swap3A_508 = arith.index_cast %scan3A_121 : i32 to index
        %swap3A_509 = arith.constant 224 : index
        %swap3A_510 = tpu.vector_load %arg13[%swap3A_508, %swap3A_509] {strides = array<i32>} : memref<32x256xf32, #tpu.memory_space<vmem>>, vector<16xf32>,
        tpu.vector_store %arg13[%swap3A_508, %swap3A_509], %add3A_507 {strides = array<i32>} : memref<32x256xf32, #tpu.memory_space<vmem>>, vector<16xf32>,
        %get3A_511 = arith.index_cast %scan3A_121 : i32 to index
        %get3A_512 = arith.constant 240 : index
        %get3A_513 = tpu.vector_load %arg11[%get3A_511, %get3A_512] {strides = array<i32>} : memref<32x256xf32, #tpu.memory_space<vmem>>, vector<16xf32>,
        %get3A_514 = arith.index_cast %mul3A_137 : i32 to index
        %get3A_515 = arith.constant 240 : index
        %get3A_516 = tpu.vector_load %arg9[%get3A_514, %get3A_515] {strides = array<i32>} : memref<96x256xf32, #tpu.memory_space<vmem>>, vector<16xf32>,
        %mul3A_517 = arith.mulf %gather3A, %get3A_516 : vector<16xf32>
        %add3A_518 = arith.addf %get3A_513, %mul3A_517 : vector<16xf32>
        %add3A_519 = arith.constant 1 : i32
        %add3A_520 = arith.addi %mul3A_137, %add3A_519 : i32
        %get3A_521 = arith.index_cast %add3A_520 : i32 to index
        %get3A_522 = arith.constant 240 : index
        %get3A_523 = tpu.vector_load %arg9[%get3A_521, %get3A_522] {strides = array<i32>} : memref<96x256xf32, #tpu.memory_space<vmem>>, vector<16xf32>,
        %mul3A_524 = arith.mulf %gather3A_131, %get3A_523 : vector<16xf32>
        %add3A_525 = arith.addf %add3A_518, %mul3A_524 : vector<16xf32>
        %add3A_526 = arith.constant 2 : i32
        %add3A_527 = arith.addi %mul3A_137, %add3A_526 : i32
        %get3A_528 = arith.index_cast %add3A_527 : i32 to index
        %get3A_529 = arith.constant 240 : index
        %get3A_530 = tpu.vector_load %arg9[%get3A_528, %get3A_529] {strides = array<i32>} : memref<96x256xf32, #tpu.memory_space<vmem>>, vector<16xf32>,
        %mul3A_531 = arith.mulf %gather3A_135, %get3A_530 : vector<16xf32>
        %add3A_532 = arith.addf %add3A_525, %mul3A_531 : vector<16xf32>
        %swap3A_533 = arith.index_cast %scan3A_121 : i32 to index
        %swap3A_534 = arith.constant 240 : index
        %swap3A_535 = tpu.vector_load %arg13[%swap3A_533, %swap3A_534] {strides = array<i32>} : memref<32x256xf32, #tpu.memory_space<vmem>>, vector<16xf32>,
        tpu.vector_store %arg13[%swap3A_533, %swap3A_534], %add3A_532 {strides = array<i32>} : memref<32x256xf32, #tpu.memory_space<vmem>>, vector<16xf32>,
        %scan3A_536 = arith.constant 0 : i32
        scf.yield %scan3A_536 : i32
      }
      %scan3A_70 = arith.constant 32 : i32
      %mul3A_71 = arith.constant 32 : i32
      %mul3A_72 = arith.muli %mul3A_33, %mul3A_71 : i32
      %add3A_73 = arith.addi %mul3A_2, %mul3A_72 : i32
      %dma_start3A_74 = arith.constant 0 : i32
      %dma_start3A_75 = tpu.memref_slice %arg6[%add3A_73, %dma_start3A_74] : memref<16384x256xf32, #tpu.memory_space<hbm>> -> memref<32x256xf32, #tpu.memory_space<hbm>>
      %dma_start3A_76 = arith.constant 0 : i32
      %dma_start3A_77 = tpu.memref_slice %arg6[%add3A_73, %dma_start3A_76] : memref<16384x256xf32, #tpu.memory_space<hbm>> -> memref<32x256xf32, #tpu.memory_space<hbm>>
      tpu.enqueue_dma source(%arg13 : memref<32x256xf32, #tpu.memory_space<vmem>>) target(%dma_start3A_77 : memref<32x256xf32, #tpu.memory_space<hbm>>) target_semaphore(%arg19 : memref<!tpu.dma_semaphore, #tpu.memory_space<semaphore_mem>>)
      %lt3A = arith.constant 7 : i32
      %lt3A_78 = arith.cmpi slt, %scan3A_30, %lt3A : i32
      %convert_element_type3A_79 = arith.extui %lt3A_78 : i1 to i32
      %cond3A_80 = arith.constant 0 : i32
      %cond3A_81 = arith.cmpi ne, %convert_element_type3A_79, %cond3A_80 : i32
      scf.if %cond3A_81 {
        %add3A_121 = arith.constant 2 : i32
        %add3A_122 = arith.addi %mul3A_33, %add3A_121 : i32
        %mul3A_123 = arith.constant 96 : i32
        %mul3A_124 = arith.muli %add3A_122, %mul3A_123 : i32
        %dma_start3A_125 = tpu.memref_slice %arg7[%mul3A_124] : memref<1536xi32, #tpu.memory_space<vmem>> -> memref<96xi32, #tpu.memory_space<vmem>>
        %dma_start3A_126 = arith.constant 0 : i32
        %dma_start3A_127 = arith.constant 0 : i32
        %dma_start3A_128 = tpu.memref_slice %arg2[%dma_start3A_126, %dma_start3A_127] : memref<4096x256xf32, #tpu.memory_space<hbm>> -> memref<4096x256xf32, #tpu.memory_space<hbm>>
        tpu.enqueue_indirect_dma source(%dma_start3A_128 : memref<4096x256xf32, #tpu.memory_space<hbm>>) target(%arg9 : memref<96x256xf32, #tpu.memory_space<vmem>>) offsets(%dma_start3A_125 : memref<96xi32, #tpu.memory_space<vmem>>) semaphore(%arg15 : memref<!tpu.dma_semaphore, #tpu.memory_space<semaphore_mem>>)
        %mul3A_129 = arith.constant 32 : i32
        %mul3A_130 = arith.muli %add3A_122, %mul3A_129 : i32
        %add3A_131 = arith.addi %mul3A_2, %mul3A_130 : i32
        %dma_start3A_132 = arith.constant 0 : i32
        %dma_start3A_133 = tpu.memref_slice %arg3[%add3A_131, %dma_start3A_132] : memref<16384x256xf32, #tpu.memory_space<hbm>> -> memref<32x256xf32, #tpu.memory_space<hbm>>
        %dma_start3A_134 = arith.constant 0 : i32
        %dma_start3A_135 = tpu.memref_slice %arg3[%add3A_131, %dma_start3A_134] : memref<16384x256xf32, #tpu.memory_space<hbm>> -> memref<32x256xf32, #tpu.memory_space<hbm>>
        tpu.enqueue_dma source(%dma_start3A_135 : memref<32x256xf32, #tpu.memory_space<hbm>>) target(%arg11 : memref<32x256xf32, #tpu.memory_space<vmem>>) target_semaphore(%arg17 : memref<!tpu.dma_semaphore, #tpu.memory_space<semaphore_mem>>)
      } else {
      }
      %add3A_82 = arith.constant 1 : i32
      %add3A_83 = arith.addi %mul3A_33, %add3A_82 : i32
      %mul3A_84 = arith.constant 96 : i32
      %mul3A_85 = arith.muli %add3A_83, %mul3A_84 : i32
      %dma_wait3A_86 = tpu.memref_slice %arg7[%mul3A_85] : memref<1536xi32, #tpu.memory_space<vmem>> -> memref<96xi32, #tpu.memory_space<vmem>>
      %dma_wait3A_87 = arith.constant 0 : i32
      %dma_wait3A_88 = arith.constant 0 : i32
      %dma_wait3A_89 = tpu.memref_slice %arg2[%dma_wait3A_87, %dma_wait3A_88] : memref<4096x256xf32, #tpu.memory_space<hbm>> -> memref<4096x256xf32, #tpu.memory_space<hbm>>
      tpu.wait_indirect_dma semaphore(%arg16 : memref<!tpu.dma_semaphore, #tpu.memory_space<semaphore_mem>>) src(%dma_wait3A_89 : memref<4096x256xf32, #tpu.memory_space<hbm>>) dst(%arg10 : memref<96x256xf32, #tpu.memory_space<vmem>>)
      %mul3A_90 = arith.constant 32 : i32
      %mul3A_91 = arith.muli %add3A_83, %mul3A_90 : i32
      %add3A_92 = arith.addi %mul3A_2, %mul3A_91 : i32
      %dma_wait3A_93 = arith.constant 0 : i32
      %dma_wait3A_94 = tpu.memref_slice %arg3[%add3A_92, %dma_wait3A_93] : memref<16384x256xf32, #tpu.memory_space<hbm>> -> memref<32x256xf32, #tpu.memory_space<hbm>>
      %dma_wait3A_95 = arith.constant 0 : i32
      %dma_wait3A_96 = tpu.memref_slice %arg3[%add3A_92, %dma_wait3A_95] : memref<16384x256xf32, #tpu.memory_space<hbm>> -> memref<32x256xf32, #tpu.memory_space<hbm>>
      tpu.wait_dma2 semaphore(%arg18 : memref<!tpu.dma_semaphore, #tpu.memory_space<semaphore_mem>>) src(%dma_wait3A_96 : memref<32x256xf32, #tpu.memory_space<hbm>>) dst(%arg12 : memref<32x256xf32, #tpu.memory_space<vmem>>)
      %ge3A_97 = arith.constant 1 : i32
      %ge3A_98 = arith.cmpi sge, %scan3A_30, %ge3A_97 : i32
      %convert_element_type3A_99 = arith.extui %ge3A_98 : i1 to i32
      %cond3A_100 = arith.constant 0 : i32
      %cond3A_101 = arith.cmpi ne, %convert_element_type3A_99, %cond3A_100 : i32
      scf.if %cond3A_101 {
        %dma_wait3A_121 = arith.constant 0 : i32
        %dma_wait3A_122 = tpu.memref_slice %arg3[%mul3A_2, %dma_wait3A_121] : memref<16384x256xf32, #tpu.memory_space<hbm>> -> memref<32x256xf32, #tpu.memory_space<hbm>>
        %dma_wait3A_123 = arith.constant 0 : i32
        %dma_wait3A_124 = tpu.memref_slice %arg3[%mul3A_2, %dma_wait3A_123] : memref<16384x256xf32, #tpu.memory_space<hbm>> -> memref<32x256xf32, #tpu.memory_space<hbm>>
        tpu.wait_dma2 semaphore(%arg20 : memref<!tpu.dma_semaphore, #tpu.memory_space<semaphore_mem>>) src(%dma_wait3A_124 : memref<32x256xf32, #tpu.memory_space<hbm>>) dst(%arg14 : memref<32x256xf32, #tpu.memory_space<vmem>>)
      } else {
      }
      %add3A_102 = arith.constant 1 : i32
      %add3A_103 = arith.addi %mul3A_33, %add3A_102 : i32
      %scan3A_104 = arith.constant 0 : i32
      %scan3A_105 = arith.constant 0 : i32
      %scan3A_106 = arith.constant 32 : i32
      %scan3A_107 = arith.addi %scan3A_105, %scan3A_106 : i32
      %scan3A_108 = arith.constant 1 : i32
      %scan3A_109 = scf.for %scan3A_121 = %scan3A_105 to %scan3A_107 step %scan3A_108 iter_args(%scan3A_122 = %scan3A_104) -> (i32)  : i32 {
        %mul3A_123 = arith.constant 96 : i32
        %mul3A_124 = arith.muli %add3A_103, %mul3A_123 : i32
        %mul3A_125 = arith.constant 3 : i32
        %mul3A_126 = arith.muli %mul3A_125, %scan3A_121 : i32
        %add3A_127 = arith.addi %mul3A_124, %mul3A_126 : i32
        %broadcast_in_dim3A = vector.broadcast %add3A_127 : i32 to vector<16xi32>
        %gather3A = tpu.vector_load_idx %arg8[%broadcast_in_dim3A] : memref<1536xf32, #tpu.memory_space<vmem>>[vector<16xi32>], vector<16xf32>,
        %add3A_128 = arith.constant 1 : i32
        %add3A_129 = arith.addi %add3A_127, %add3A_128 : i32
        %broadcast_in_dim3A_130 = vector.broadcast %add3A_129 : i32 to vector<16xi32>
        %gather3A_131 = tpu.vector_load_idx %arg8[%broadcast_in_dim3A_130] : memref<1536xf32, #tpu.memory_space<vmem>>[vector<16xi32>], vector<16xf32>,
        %add3A_132 = arith.constant 2 : i32
        %add3A_133 = arith.addi %add3A_127, %add3A_132 : i32
        %broadcast_in_dim3A_134 = vector.broadcast %add3A_133 : i32 to vector<16xi32>
        %gather3A_135 = tpu.vector_load_idx %arg8[%broadcast_in_dim3A_134] : memref<1536xf32, #tpu.memory_space<vmem>>[vector<16xi32>], vector<16xf32>,
        %mul3A_136 = arith.constant 3 : i32
        %mul3A_137 = arith.muli %mul3A_136, %scan3A_121 : i32
        %get3A = arith.index_cast %scan3A_121 : i32 to index
        %get3A_138 = arith.constant 0 : index
        %get3A_139 = tpu.vector_load %arg12[%get3A, %get3A_138] {strides = array<i32>} : memref<32x256xf32, #tpu.memory_space<vmem>>, vector<16xf32>,
        %get3A_140 = arith.index_cast %mul3A_137 : i32 to index
        %get3A_141 = arith.constant 0 : index
        %get3A_142 = tpu.vector_load %arg10[%get3A_140, %get3A_141] {strides = array<i32>} : memref<96x256xf32, #tpu.memory_space<vmem>>, vector<16xf32>,
        %mul3A_143 = arith.mulf %gather3A, %get3A_142 : vector<16xf32>
        %add3A_144 = arith.addf %get3A_139, %mul3A_143 : vector<16xf32>
        %add3A_145 = arith.constant 1 : i32
        %add3A_146 = arith.addi %mul3A_137, %add3A_145 : i32
        %get3A_147 = arith.index_cast %add3A_146 : i32 to index
        %get3A_148 = arith.constant 0 : index
        %get3A_149 = tpu.vector_load %arg10[%get3A_147, %get3A_148] {strides = array<i32>} : memref<96x256xf32, #tpu.memory_space<vmem>>, vector<16xf32>,
        %mul3A_150 = arith.mulf %gather3A_131, %get3A_149 : vector<16xf32>
        %add3A_151 = arith.addf %add3A_144, %mul3A_150 : vector<16xf32>
        %add3A_152 = arith.constant 2 : i32
        %add3A_153 = arith.addi %mul3A_137, %add3A_152 : i32
        %get3A_154 = arith.index_cast %add3A_153 : i32 to index
        %get3A_155 = arith.constant 0 : index
        %get3A_156 = tpu.vector_load %arg10[%get3A_154, %get3A_155] {strides = array<i32>} : memref<96x256xf32, #tpu.memory_space<vmem>>, vector<16xf32>,
        %mul3A_157 = arith.mulf %gather3A_135, %get3A_156 : vector<16xf32>
        %add3A_158 = arith.addf %add3A_151, %mul3A_157 : vector<16xf32>
        %swap3A = arith.index_cast %scan3A_121 : i32 to index
        %swap3A_159 = arith.constant 0 : index
        %swap3A_160 = tpu.vector_load %arg14[%swap3A, %swap3A_159] {strides = array<i32>} : memref<32x256xf32, #tpu.memory_space<vmem>>, vector<16xf32>,
        tpu.vector_store %arg14[%swap3A, %swap3A_159], %add3A_158 {strides = array<i32>} : memref<32x256xf32, #tpu.memory_space<vmem>>, vector<16xf32>,
        %get3A_161 = arith.index_cast %scan3A_121 : i32 to index
        %get3A_162 = arith.constant 16 : index
        %get3A_163 = tpu.vector_load %arg12[%get3A_161, %get3A_162] {strides = array<i32>} : memref<32x256xf32, #tpu.memory_space<vmem>>, vector<16xf32>,
        %get3A_164 = arith.index_cast %mul3A_137 : i32 to index
        %get3A_165 = arith.constant 16 : index
        %get3A_166 = tpu.vector_load %arg10[%get3A_164, %get3A_165] {strides = array<i32>} : memref<96x256xf32, #tpu.memory_space<vmem>>, vector<16xf32>,
        %mul3A_167 = arith.mulf %gather3A, %get3A_166 : vector<16xf32>
        %add3A_168 = arith.addf %get3A_163, %mul3A_167 : vector<16xf32>
        %add3A_169 = arith.constant 1 : i32
        %add3A_170 = arith.addi %mul3A_137, %add3A_169 : i32
        %get3A_171 = arith.index_cast %add3A_170 : i32 to index
        %get3A_172 = arith.constant 16 : index
        %get3A_173 = tpu.vector_load %arg10[%get3A_171, %get3A_172] {strides = array<i32>} : memref<96x256xf32, #tpu.memory_space<vmem>>, vector<16xf32>,
        %mul3A_174 = arith.mulf %gather3A_131, %get3A_173 : vector<16xf32>
        %add3A_175 = arith.addf %add3A_168, %mul3A_174 : vector<16xf32>
        %add3A_176 = arith.constant 2 : i32
        %add3A_177 = arith.addi %mul3A_137, %add3A_176 : i32
        %get3A_178 = arith.index_cast %add3A_177 : i32 to index
        %get3A_179 = arith.constant 16 : index
        %get3A_180 = tpu.vector_load %arg10[%get3A_178, %get3A_179] {strides = array<i32>} : memref<96x256xf32, #tpu.memory_space<vmem>>, vector<16xf32>,
        %mul3A_181 = arith.mulf %gather3A_135, %get3A_180 : vector<16xf32>
        %add3A_182 = arith.addf %add3A_175, %mul3A_181 : vector<16xf32>
        %swap3A_183 = arith.index_cast %scan3A_121 : i32 to index
        %swap3A_184 = arith.constant 16 : index
        %swap3A_185 = tpu.vector_load %arg14[%swap3A_183, %swap3A_184] {strides = array<i32>} : memref<32x256xf32, #tpu.memory_space<vmem>>, vector<16xf32>,
        tpu.vector_store %arg14[%swap3A_183, %swap3A_184], %add3A_182 {strides = array<i32>} : memref<32x256xf32, #tpu.memory_space<vmem>>, vector<16xf32>,
        %get3A_186 = arith.index_cast %scan3A_121 : i32 to index
        %get3A_187 = arith.constant 32 : index
        %get3A_188 = tpu.vector_load %arg12[%get3A_186, %get3A_187] {strides = array<i32>} : memref<32x256xf32, #tpu.memory_space<vmem>>, vector<16xf32>,
        %get3A_189 = arith.index_cast %mul3A_137 : i32 to index
        %get3A_190 = arith.constant 32 : index
        %get3A_191 = tpu.vector_load %arg10[%get3A_189, %get3A_190] {strides = array<i32>} : memref<96x256xf32, #tpu.memory_space<vmem>>, vector<16xf32>,
        %mul3A_192 = arith.mulf %gather3A, %get3A_191 : vector<16xf32>
        %add3A_193 = arith.addf %get3A_188, %mul3A_192 : vector<16xf32>
        %add3A_194 = arith.constant 1 : i32
        %add3A_195 = arith.addi %mul3A_137, %add3A_194 : i32
        %get3A_196 = arith.index_cast %add3A_195 : i32 to index
        %get3A_197 = arith.constant 32 : index
        %get3A_198 = tpu.vector_load %arg10[%get3A_196, %get3A_197] {strides = array<i32>} : memref<96x256xf32, #tpu.memory_space<vmem>>, vector<16xf32>,
        %mul3A_199 = arith.mulf %gather3A_131, %get3A_198 : vector<16xf32>
        %add3A_200 = arith.addf %add3A_193, %mul3A_199 : vector<16xf32>
        %add3A_201 = arith.constant 2 : i32
        %add3A_202 = arith.addi %mul3A_137, %add3A_201 : i32
        %get3A_203 = arith.index_cast %add3A_202 : i32 to index
        %get3A_204 = arith.constant 32 : index
        %get3A_205 = tpu.vector_load %arg10[%get3A_203, %get3A_204] {strides = array<i32>} : memref<96x256xf32, #tpu.memory_space<vmem>>, vector<16xf32>,
        %mul3A_206 = arith.mulf %gather3A_135, %get3A_205 : vector<16xf32>
        %add3A_207 = arith.addf %add3A_200, %mul3A_206 : vector<16xf32>
        %swap3A_208 = arith.index_cast %scan3A_121 : i32 to index
        %swap3A_209 = arith.constant 32 : index
        %swap3A_210 = tpu.vector_load %arg14[%swap3A_208, %swap3A_209] {strides = array<i32>} : memref<32x256xf32, #tpu.memory_space<vmem>>, vector<16xf32>,
        tpu.vector_store %arg14[%swap3A_208, %swap3A_209], %add3A_207 {strides = array<i32>} : memref<32x256xf32, #tpu.memory_space<vmem>>, vector<16xf32>,
        %get3A_211 = arith.index_cast %scan3A_121 : i32 to index
        %get3A_212 = arith.constant 48 : index
        %get3A_213 = tpu.vector_load %arg12[%get3A_211, %get3A_212] {strides = array<i32>} : memref<32x256xf32, #tpu.memory_space<vmem>>, vector<16xf32>,
        %get3A_214 = arith.index_cast %mul3A_137 : i32 to index
        %get3A_215 = arith.constant 48 : index
        %get3A_216 = tpu.vector_load %arg10[%get3A_214, %get3A_215] {strides = array<i32>} : memref<96x256xf32, #tpu.memory_space<vmem>>, vector<16xf32>,
        %mul3A_217 = arith.mulf %gather3A, %get3A_216 : vector<16xf32>
        %add3A_218 = arith.addf %get3A_213, %mul3A_217 : vector<16xf32>
        %add3A_219 = arith.constant 1 : i32
        %add3A_220 = arith.addi %mul3A_137, %add3A_219 : i32
        %get3A_221 = arith.index_cast %add3A_220 : i32 to index
        %get3A_222 = arith.constant 48 : index
        %get3A_223 = tpu.vector_load %arg10[%get3A_221, %get3A_222] {strides = array<i32>} : memref<96x256xf32, #tpu.memory_space<vmem>>, vector<16xf32>,
        %mul3A_224 = arith.mulf %gather3A_131, %get3A_223 : vector<16xf32>
        %add3A_225 = arith.addf %add3A_218, %mul3A_224 : vector<16xf32>
        %add3A_226 = arith.constant 2 : i32
        %add3A_227 = arith.addi %mul3A_137, %add3A_226 : i32
        %get3A_228 = arith.index_cast %add3A_227 : i32 to index
        %get3A_229 = arith.constant 48 : index
        %get3A_230 = tpu.vector_load %arg10[%get3A_228, %get3A_229] {strides = array<i32>} : memref<96x256xf32, #tpu.memory_space<vmem>>, vector<16xf32>,
        %mul3A_231 = arith.mulf %gather3A_135, %get3A_230 : vector<16xf32>
        %add3A_232 = arith.addf %add3A_225, %mul3A_231 : vector<16xf32>
        %swap3A_233 = arith.index_cast %scan3A_121 : i32 to index
        %swap3A_234 = arith.constant 48 : index
        %swap3A_235 = tpu.vector_load %arg14[%swap3A_233, %swap3A_234] {strides = array<i32>} : memref<32x256xf32, #tpu.memory_space<vmem>>, vector<16xf32>,
        tpu.vector_store %arg14[%swap3A_233, %swap3A_234], %add3A_232 {strides = array<i32>} : memref<32x256xf32, #tpu.memory_space<vmem>>, vector<16xf32>,
        %get3A_236 = arith.index_cast %scan3A_121 : i32 to index
        %get3A_237 = arith.constant 64 : index
        %get3A_238 = tpu.vector_load %arg12[%get3A_236, %get3A_237] {strides = array<i32>} : memref<32x256xf32, #tpu.memory_space<vmem>>, vector<16xf32>,
        %get3A_239 = arith.index_cast %mul3A_137 : i32 to index
        %get3A_240 = arith.constant 64 : index
        %get3A_241 = tpu.vector_load %arg10[%get3A_239, %get3A_240] {strides = array<i32>} : memref<96x256xf32, #tpu.memory_space<vmem>>, vector<16xf32>,
        %mul3A_242 = arith.mulf %gather3A, %get3A_241 : vector<16xf32>
        %add3A_243 = arith.addf %get3A_238, %mul3A_242 : vector<16xf32>
        %add3A_244 = arith.constant 1 : i32
        %add3A_245 = arith.addi %mul3A_137, %add3A_244 : i32
        %get3A_246 = arith.index_cast %add3A_245 : i32 to index
        %get3A_247 = arith.constant 64 : index
        %get3A_248 = tpu.vector_load %arg10[%get3A_246, %get3A_247] {strides = array<i32>} : memref<96x256xf32, #tpu.memory_space<vmem>>, vector<16xf32>,
        %mul3A_249 = arith.mulf %gather3A_131, %get3A_248 : vector<16xf32>
        %add3A_250 = arith.addf %add3A_243, %mul3A_249 : vector<16xf32>
        %add3A_251 = arith.constant 2 : i32
        %add3A_252 = arith.addi %mul3A_137, %add3A_251 : i32
        %get3A_253 = arith.index_cast %add3A_252 : i32 to index
        %get3A_254 = arith.constant 64 : index
        %get3A_255 = tpu.vector_load %arg10[%get3A_253, %get3A_254] {strides = array<i32>} : memref<96x256xf32, #tpu.memory_space<vmem>>, vector<16xf32>,
        %mul3A_256 = arith.mulf %gather3A_135, %get3A_255 : vector<16xf32>
        %add3A_257 = arith.addf %add3A_250, %mul3A_256 : vector<16xf32>
        %swap3A_258 = arith.index_cast %scan3A_121 : i32 to index
        %swap3A_259 = arith.constant 64 : index
        %swap3A_260 = tpu.vector_load %arg14[%swap3A_258, %swap3A_259] {strides = array<i32>} : memref<32x256xf32, #tpu.memory_space<vmem>>, vector<16xf32>,
        tpu.vector_store %arg14[%swap3A_258, %swap3A_259], %add3A_257 {strides = array<i32>} : memref<32x256xf32, #tpu.memory_space<vmem>>, vector<16xf32>,
        %get3A_261 = arith.index_cast %scan3A_121 : i32 to index
        %get3A_262 = arith.constant 80 : index
        %get3A_263 = tpu.vector_load %arg12[%get3A_261, %get3A_262] {strides = array<i32>} : memref<32x256xf32, #tpu.memory_space<vmem>>, vector<16xf32>,
        %get3A_264 = arith.index_cast %mul3A_137 : i32 to index
        %get3A_265 = arith.constant 80 : index
        %get3A_266 = tpu.vector_load %arg10[%get3A_264, %get3A_265] {strides = array<i32>} : memref<96x256xf32, #tpu.memory_space<vmem>>, vector<16xf32>,
        %mul3A_267 = arith.mulf %gather3A, %get3A_266 : vector<16xf32>
        %add3A_268 = arith.addf %get3A_263, %mul3A_267 : vector<16xf32>
        %add3A_269 = arith.constant 1 : i32
        %add3A_270 = arith.addi %mul3A_137, %add3A_269 : i32
        %get3A_271 = arith.index_cast %add3A_270 : i32 to index
        %get3A_272 = arith.constant 80 : index
        %get3A_273 = tpu.vector_load %arg10[%get3A_271, %get3A_272] {strides = array<i32>} : memref<96x256xf32, #tpu.memory_space<vmem>>, vector<16xf32>,
        %mul3A_274 = arith.mulf %gather3A_131, %get3A_273 : vector<16xf32>
        %add3A_275 = arith.addf %add3A_268, %mul3A_274 : vector<16xf32>
        %add3A_276 = arith.constant 2 : i32
        %add3A_277 = arith.addi %mul3A_137, %add3A_276 : i32
        %get3A_278 = arith.index_cast %add3A_277 : i32 to index
        %get3A_279 = arith.constant 80 : index
        %get3A_280 = tpu.vector_load %arg10[%get3A_278, %get3A_279] {strides = array<i32>} : memref<96x256xf32, #tpu.memory_space<vmem>>, vector<16xf32>,
        %mul3A_281 = arith.mulf %gather3A_135, %get3A_280 : vector<16xf32>
        %add3A_282 = arith.addf %add3A_275, %mul3A_281 : vector<16xf32>
        %swap3A_283 = arith.index_cast %scan3A_121 : i32 to index
        %swap3A_284 = arith.constant 80 : index
        %swap3A_285 = tpu.vector_load %arg14[%swap3A_283, %swap3A_284] {strides = array<i32>} : memref<32x256xf32, #tpu.memory_space<vmem>>, vector<16xf32>,
        tpu.vector_store %arg14[%swap3A_283, %swap3A_284], %add3A_282 {strides = array<i32>} : memref<32x256xf32, #tpu.memory_space<vmem>>, vector<16xf32>,
        %get3A_286 = arith.index_cast %scan3A_121 : i32 to index
        %get3A_287 = arith.constant 96 : index
        %get3A_288 = tpu.vector_load %arg12[%get3A_286, %get3A_287] {strides = array<i32>} : memref<32x256xf32, #tpu.memory_space<vmem>>, vector<16xf32>,
        %get3A_289 = arith.index_cast %mul3A_137 : i32 to index
        %get3A_290 = arith.constant 96 : index
        %get3A_291 = tpu.vector_load %arg10[%get3A_289, %get3A_290] {strides = array<i32>} : memref<96x256xf32, #tpu.memory_space<vmem>>, vector<16xf32>,
        %mul3A_292 = arith.mulf %gather3A, %get3A_291 : vector<16xf32>
        %add3A_293 = arith.addf %get3A_288, %mul3A_292 : vector<16xf32>
        %add3A_294 = arith.constant 1 : i32
        %add3A_295 = arith.addi %mul3A_137, %add3A_294 : i32
        %get3A_296 = arith.index_cast %add3A_295 : i32 to index
        %get3A_297 = arith.constant 96 : index
        %get3A_298 = tpu.vector_load %arg10[%get3A_296, %get3A_297] {strides = array<i32>} : memref<96x256xf32, #tpu.memory_space<vmem>>, vector<16xf32>,
        %mul3A_299 = arith.mulf %gather3A_131, %get3A_298 : vector<16xf32>
        %add3A_300 = arith.addf %add3A_293, %mul3A_299 : vector<16xf32>
        %add3A_301 = arith.constant 2 : i32
        %add3A_302 = arith.addi %mul3A_137, %add3A_301 : i32
        %get3A_303 = arith.index_cast %add3A_302 : i32 to index
        %get3A_304 = arith.constant 96 : index
        %get3A_305 = tpu.vector_load %arg10[%get3A_303, %get3A_304] {strides = array<i32>} : memref<96x256xf32, #tpu.memory_space<vmem>>, vector<16xf32>,
        %mul3A_306 = arith.mulf %gather3A_135, %get3A_305 : vector<16xf32>
        %add3A_307 = arith.addf %add3A_300, %mul3A_306 : vector<16xf32>
        %swap3A_308 = arith.index_cast %scan3A_121 : i32 to index
        %swap3A_309 = arith.constant 96 : index
        %swap3A_310 = tpu.vector_load %arg14[%swap3A_308, %swap3A_309] {strides = array<i32>} : memref<32x256xf32, #tpu.memory_space<vmem>>, vector<16xf32>,
        tpu.vector_store %arg14[%swap3A_308, %swap3A_309], %add3A_307 {strides = array<i32>} : memref<32x256xf32, #tpu.memory_space<vmem>>, vector<16xf32>,
        %get3A_311 = arith.index_cast %scan3A_121 : i32 to index
        %get3A_312 = arith.constant 112 : index
        %get3A_313 = tpu.vector_load %arg12[%get3A_311, %get3A_312] {strides = array<i32>} : memref<32x256xf32, #tpu.memory_space<vmem>>, vector<16xf32>,
        %get3A_314 = arith.index_cast %mul3A_137 : i32 to index
        %get3A_315 = arith.constant 112 : index
        %get3A_316 = tpu.vector_load %arg10[%get3A_314, %get3A_315] {strides = array<i32>} : memref<96x256xf32, #tpu.memory_space<vmem>>, vector<16xf32>,
        %mul3A_317 = arith.mulf %gather3A, %get3A_316 : vector<16xf32>
        %add3A_318 = arith.addf %get3A_313, %mul3A_317 : vector<16xf32>
        %add3A_319 = arith.constant 1 : i32
        %add3A_320 = arith.addi %mul3A_137, %add3A_319 : i32
        %get3A_321 = arith.index_cast %add3A_320 : i32 to index
        %get3A_322 = arith.constant 112 : index
        %get3A_323 = tpu.vector_load %arg10[%get3A_321, %get3A_322] {strides = array<i32>} : memref<96x256xf32, #tpu.memory_space<vmem>>, vector<16xf32>,
        %mul3A_324 = arith.mulf %gather3A_131, %get3A_323 : vector<16xf32>
        %add3A_325 = arith.addf %add3A_318, %mul3A_324 : vector<16xf32>
        %add3A_326 = arith.constant 2 : i32
        %add3A_327 = arith.addi %mul3A_137, %add3A_326 : i32
        %get3A_328 = arith.index_cast %add3A_327 : i32 to index
        %get3A_329 = arith.constant 112 : index
        %get3A_330 = tpu.vector_load %arg10[%get3A_328, %get3A_329] {strides = array<i32>} : memref<96x256xf32, #tpu.memory_space<vmem>>, vector<16xf32>,
        %mul3A_331 = arith.mulf %gather3A_135, %get3A_330 : vector<16xf32>
        %add3A_332 = arith.addf %add3A_325, %mul3A_331 : vector<16xf32>
        %swap3A_333 = arith.index_cast %scan3A_121 : i32 to index
        %swap3A_334 = arith.constant 112 : index
        %swap3A_335 = tpu.vector_load %arg14[%swap3A_333, %swap3A_334] {strides = array<i32>} : memref<32x256xf32, #tpu.memory_space<vmem>>, vector<16xf32>,
        tpu.vector_store %arg14[%swap3A_333, %swap3A_334], %add3A_332 {strides = array<i32>} : memref<32x256xf32, #tpu.memory_space<vmem>>, vector<16xf32>,
        %get3A_336 = arith.index_cast %scan3A_121 : i32 to index
        %get3A_337 = arith.constant 128 : index
        %get3A_338 = tpu.vector_load %arg12[%get3A_336, %get3A_337] {strides = array<i32>} : memref<32x256xf32, #tpu.memory_space<vmem>>, vector<16xf32>,
        %get3A_339 = arith.index_cast %mul3A_137 : i32 to index
        %get3A_340 = arith.constant 128 : index
        %get3A_341 = tpu.vector_load %arg10[%get3A_339, %get3A_340] {strides = array<i32>} : memref<96x256xf32, #tpu.memory_space<vmem>>, vector<16xf32>,
        %mul3A_342 = arith.mulf %gather3A, %get3A_341 : vector<16xf32>
        %add3A_343 = arith.addf %get3A_338, %mul3A_342 : vector<16xf32>
        %add3A_344 = arith.constant 1 : i32
        %add3A_345 = arith.addi %mul3A_137, %add3A_344 : i32
        %get3A_346 = arith.index_cast %add3A_345 : i32 to index
        %get3A_347 = arith.constant 128 : index
        %get3A_348 = tpu.vector_load %arg10[%get3A_346, %get3A_347] {strides = array<i32>} : memref<96x256xf32, #tpu.memory_space<vmem>>, vector<16xf32>,
        %mul3A_349 = arith.mulf %gather3A_131, %get3A_348 : vector<16xf32>
        %add3A_350 = arith.addf %add3A_343, %mul3A_349 : vector<16xf32>
        %add3A_351 = arith.constant 2 : i32
        %add3A_352 = arith.addi %mul3A_137, %add3A_351 : i32
        %get3A_353 = arith.index_cast %add3A_352 : i32 to index
        %get3A_354 = arith.constant 128 : index
        %get3A_355 = tpu.vector_load %arg10[%get3A_353, %get3A_354] {strides = array<i32>} : memref<96x256xf32, #tpu.memory_space<vmem>>, vector<16xf32>,
        %mul3A_356 = arith.mulf %gather3A_135, %get3A_355 : vector<16xf32>
        %add3A_357 = arith.addf %add3A_350, %mul3A_356 : vector<16xf32>
        %swap3A_358 = arith.index_cast %scan3A_121 : i32 to index
        %swap3A_359 = arith.constant 128 : index
        %swap3A_360 = tpu.vector_load %arg14[%swap3A_358, %swap3A_359] {strides = array<i32>} : memref<32x256xf32, #tpu.memory_space<vmem>>, vector<16xf32>,
        tpu.vector_store %arg14[%swap3A_358, %swap3A_359], %add3A_357 {strides = array<i32>} : memref<32x256xf32, #tpu.memory_space<vmem>>, vector<16xf32>,
        %get3A_361 = arith.index_cast %scan3A_121 : i32 to index
        %get3A_362 = arith.constant 144 : index
        %get3A_363 = tpu.vector_load %arg12[%get3A_361, %get3A_362] {strides = array<i32>} : memref<32x256xf32, #tpu.memory_space<vmem>>, vector<16xf32>,
        %get3A_364 = arith.index_cast %mul3A_137 : i32 to index
        %get3A_365 = arith.constant 144 : index
        %get3A_366 = tpu.vector_load %arg10[%get3A_364, %get3A_365] {strides = array<i32>} : memref<96x256xf32, #tpu.memory_space<vmem>>, vector<16xf32>,
        %mul3A_367 = arith.mulf %gather3A, %get3A_366 : vector<16xf32>
        %add3A_368 = arith.addf %get3A_363, %mul3A_367 : vector<16xf32>
        %add3A_369 = arith.constant 1 : i32
        %add3A_370 = arith.addi %mul3A_137, %add3A_369 : i32
        %get3A_371 = arith.index_cast %add3A_370 : i32 to index
        %get3A_372 = arith.constant 144 : index
        %get3A_373 = tpu.vector_load %arg10[%get3A_371, %get3A_372] {strides = array<i32>} : memref<96x256xf32, #tpu.memory_space<vmem>>, vector<16xf32>,
        %mul3A_374 = arith.mulf %gather3A_131, %get3A_373 : vector<16xf32>
        %add3A_375 = arith.addf %add3A_368, %mul3A_374 : vector<16xf32>
        %add3A_376 = arith.constant 2 : i32
        %add3A_377 = arith.addi %mul3A_137, %add3A_376 : i32
        %get3A_378 = arith.index_cast %add3A_377 : i32 to index
        %get3A_379 = arith.constant 144 : index
        %get3A_380 = tpu.vector_load %arg10[%get3A_378, %get3A_379] {strides = array<i32>} : memref<96x256xf32, #tpu.memory_space<vmem>>, vector<16xf32>,
        %mul3A_381 = arith.mulf %gather3A_135, %get3A_380 : vector<16xf32>
        %add3A_382 = arith.addf %add3A_375, %mul3A_381 : vector<16xf32>
        %swap3A_383 = arith.index_cast %scan3A_121 : i32 to index
        %swap3A_384 = arith.constant 144 : index
        %swap3A_385 = tpu.vector_load %arg14[%swap3A_383, %swap3A_384] {strides = array<i32>} : memref<32x256xf32, #tpu.memory_space<vmem>>, vector<16xf32>,
        tpu.vector_store %arg14[%swap3A_383, %swap3A_384], %add3A_382 {strides = array<i32>} : memref<32x256xf32, #tpu.memory_space<vmem>>, vector<16xf32>,
        %get3A_386 = arith.index_cast %scan3A_121 : i32 to index
        %get3A_387 = arith.constant 160 : index
        %get3A_388 = tpu.vector_load %arg12[%get3A_386, %get3A_387] {strides = array<i32>} : memref<32x256xf32, #tpu.memory_space<vmem>>, vector<16xf32>,
        %get3A_389 = arith.index_cast %mul3A_137 : i32 to index
        %get3A_390 = arith.constant 160 : index
        %get3A_391 = tpu.vector_load %arg10[%get3A_389, %get3A_390] {strides = array<i32>} : memref<96x256xf32, #tpu.memory_space<vmem>>, vector<16xf32>,
        %mul3A_392 = arith.mulf %gather3A, %get3A_391 : vector<16xf32>
        %add3A_393 = arith.addf %get3A_388, %mul3A_392 : vector<16xf32>
        %add3A_394 = arith.constant 1 : i32
        %add3A_395 = arith.addi %mul3A_137, %add3A_394 : i32
        %get3A_396 = arith.index_cast %add3A_395 : i32 to index
        %get3A_397 = arith.constant 160 : index
        %get3A_398 = tpu.vector_load %arg10[%get3A_396, %get3A_397] {strides = array<i32>} : memref<96x256xf32, #tpu.memory_space<vmem>>, vector<16xf32>,
        %mul3A_399 = arith.mulf %gather3A_131, %get3A_398 : vector<16xf32>
        %add3A_400 = arith.addf %add3A_393, %mul3A_399 : vector<16xf32>
        %add3A_401 = arith.constant 2 : i32
        %add3A_402 = arith.addi %mul3A_137, %add3A_401 : i32
        %get3A_403 = arith.index_cast %add3A_402 : i32 to index
        %get3A_404 = arith.constant 160 : index
        %get3A_405 = tpu.vector_load %arg10[%get3A_403, %get3A_404] {strides = array<i32>} : memref<96x256xf32, #tpu.memory_space<vmem>>, vector<16xf32>,
        %mul3A_406 = arith.mulf %gather3A_135, %get3A_405 : vector<16xf32>
        %add3A_407 = arith.addf %add3A_400, %mul3A_406 : vector<16xf32>
        %swap3A_408 = arith.index_cast %scan3A_121 : i32 to index
        %swap3A_409 = arith.constant 160 : index
        %swap3A_410 = tpu.vector_load %arg14[%swap3A_408, %swap3A_409] {strides = array<i32>} : memref<32x256xf32, #tpu.memory_space<vmem>>, vector<16xf32>,
        tpu.vector_store %arg14[%swap3A_408, %swap3A_409], %add3A_407 {strides = array<i32>} : memref<32x256xf32, #tpu.memory_space<vmem>>, vector<16xf32>,
        %get3A_411 = arith.index_cast %scan3A_121 : i32 to index
        %get3A_412 = arith.constant 176 : index
        %get3A_413 = tpu.vector_load %arg12[%get3A_411, %get3A_412] {strides = array<i32>} : memref<32x256xf32, #tpu.memory_space<vmem>>, vector<16xf32>,
        %get3A_414 = arith.index_cast %mul3A_137 : i32 to index
        %get3A_415 = arith.constant 176 : index
        %get3A_416 = tpu.vector_load %arg10[%get3A_414, %get3A_415] {strides = array<i32>} : memref<96x256xf32, #tpu.memory_space<vmem>>, vector<16xf32>,
        %mul3A_417 = arith.mulf %gather3A, %get3A_416 : vector<16xf32>
        %add3A_418 = arith.addf %get3A_413, %mul3A_417 : vector<16xf32>
        %add3A_419 = arith.constant 1 : i32
        %add3A_420 = arith.addi %mul3A_137, %add3A_419 : i32
        %get3A_421 = arith.index_cast %add3A_420 : i32 to index
        %get3A_422 = arith.constant 176 : index
        %get3A_423 = tpu.vector_load %arg10[%get3A_421, %get3A_422] {strides = array<i32>} : memref<96x256xf32, #tpu.memory_space<vmem>>, vector<16xf32>,
        %mul3A_424 = arith.mulf %gather3A_131, %get3A_423 : vector<16xf32>
        %add3A_425 = arith.addf %add3A_418, %mul3A_424 : vector<16xf32>
        %add3A_426 = arith.constant 2 : i32
        %add3A_427 = arith.addi %mul3A_137, %add3A_426 : i32
        %get3A_428 = arith.index_cast %add3A_427 : i32 to index
        %get3A_429 = arith.constant 176 : index
        %get3A_430 = tpu.vector_load %arg10[%get3A_428, %get3A_429] {strides = array<i32>} : memref<96x256xf32, #tpu.memory_space<vmem>>, vector<16xf32>,
        %mul3A_431 = arith.mulf %gather3A_135, %get3A_430 : vector<16xf32>
        %add3A_432 = arith.addf %add3A_425, %mul3A_431 : vector<16xf32>
        %swap3A_433 = arith.index_cast %scan3A_121 : i32 to index
        %swap3A_434 = arith.constant 176 : index
        %swap3A_435 = tpu.vector_load %arg14[%swap3A_433, %swap3A_434] {strides = array<i32>} : memref<32x256xf32, #tpu.memory_space<vmem>>, vector<16xf32>,
        tpu.vector_store %arg14[%swap3A_433, %swap3A_434], %add3A_432 {strides = array<i32>} : memref<32x256xf32, #tpu.memory_space<vmem>>, vector<16xf32>,
        %get3A_436 = arith.index_cast %scan3A_121 : i32 to index
        %get3A_437 = arith.constant 192 : index
        %get3A_438 = tpu.vector_load %arg12[%get3A_436, %get3A_437] {strides = array<i32>} : memref<32x256xf32, #tpu.memory_space<vmem>>, vector<16xf32>,
        %get3A_439 = arith.index_cast %mul3A_137 : i32 to index
        %get3A_440 = arith.constant 192 : index
        %get3A_441 = tpu.vector_load %arg10[%get3A_439, %get3A_440] {strides = array<i32>} : memref<96x256xf32, #tpu.memory_space<vmem>>, vector<16xf32>,
        %mul3A_442 = arith.mulf %gather3A, %get3A_441 : vector<16xf32>
        %add3A_443 = arith.addf %get3A_438, %mul3A_442 : vector<16xf32>
        %add3A_444 = arith.constant 1 : i32
        %add3A_445 = arith.addi %mul3A_137, %add3A_444 : i32
        %get3A_446 = arith.index_cast %add3A_445 : i32 to index
        %get3A_447 = arith.constant 192 : index
        %get3A_448 = tpu.vector_load %arg10[%get3A_446, %get3A_447] {strides = array<i32>} : memref<96x256xf32, #tpu.memory_space<vmem>>, vector<16xf32>,
        %mul3A_449 = arith.mulf %gather3A_131, %get3A_448 : vector<16xf32>
        %add3A_450 = arith.addf %add3A_443, %mul3A_449 : vector<16xf32>
        %add3A_451 = arith.constant 2 : i32
        %add3A_452 = arith.addi %mul3A_137, %add3A_451 : i32
        %get3A_453 = arith.index_cast %add3A_452 : i32 to index
        %get3A_454 = arith.constant 192 : index
        %get3A_455 = tpu.vector_load %arg10[%get3A_453, %get3A_454] {strides = array<i32>} : memref<96x256xf32, #tpu.memory_space<vmem>>, vector<16xf32>,
        %mul3A_456 = arith.mulf %gather3A_135, %get3A_455 : vector<16xf32>
        %add3A_457 = arith.addf %add3A_450, %mul3A_456 : vector<16xf32>
        %swap3A_458 = arith.index_cast %scan3A_121 : i32 to index
        %swap3A_459 = arith.constant 192 : index
        %swap3A_460 = tpu.vector_load %arg14[%swap3A_458, %swap3A_459] {strides = array<i32>} : memref<32x256xf32, #tpu.memory_space<vmem>>, vector<16xf32>,
        tpu.vector_store %arg14[%swap3A_458, %swap3A_459], %add3A_457 {strides = array<i32>} : memref<32x256xf32, #tpu.memory_space<vmem>>, vector<16xf32>,
        %get3A_461 = arith.index_cast %scan3A_121 : i32 to index
        %get3A_462 = arith.constant 208 : index
        %get3A_463 = tpu.vector_load %arg12[%get3A_461, %get3A_462] {strides = array<i32>} : memref<32x256xf32, #tpu.memory_space<vmem>>, vector<16xf32>,
        %get3A_464 = arith.index_cast %mul3A_137 : i32 to index
        %get3A_465 = arith.constant 208 : index
        %get3A_466 = tpu.vector_load %arg10[%get3A_464, %get3A_465] {strides = array<i32>} : memref<96x256xf32, #tpu.memory_space<vmem>>, vector<16xf32>,
        %mul3A_467 = arith.mulf %gather3A, %get3A_466 : vector<16xf32>
        %add3A_468 = arith.addf %get3A_463, %mul3A_467 : vector<16xf32>
        %add3A_469 = arith.constant 1 : i32
        %add3A_470 = arith.addi %mul3A_137, %add3A_469 : i32
        %get3A_471 = arith.index_cast %add3A_470 : i32 to index
        %get3A_472 = arith.constant 208 : index
        %get3A_473 = tpu.vector_load %arg10[%get3A_471, %get3A_472] {strides = array<i32>} : memref<96x256xf32, #tpu.memory_space<vmem>>, vector<16xf32>,
        %mul3A_474 = arith.mulf %gather3A_131, %get3A_473 : vector<16xf32>
        %add3A_475 = arith.addf %add3A_468, %mul3A_474 : vector<16xf32>
        %add3A_476 = arith.constant 2 : i32
        %add3A_477 = arith.addi %mul3A_137, %add3A_476 : i32
        %get3A_478 = arith.index_cast %add3A_477 : i32 to index
        %get3A_479 = arith.constant 208 : index
        %get3A_480 = tpu.vector_load %arg10[%get3A_478, %get3A_479] {strides = array<i32>} : memref<96x256xf32, #tpu.memory_space<vmem>>, vector<16xf32>,
        %mul3A_481 = arith.mulf %gather3A_135, %get3A_480 : vector<16xf32>
        %add3A_482 = arith.addf %add3A_475, %mul3A_481 : vector<16xf32>
        %swap3A_483 = arith.index_cast %scan3A_121 : i32 to index
        %swap3A_484 = arith.constant 208 : index
        %swap3A_485 = tpu.vector_load %arg14[%swap3A_483, %swap3A_484] {strides = array<i32>} : memref<32x256xf32, #tpu.memory_space<vmem>>, vector<16xf32>,
        tpu.vector_store %arg14[%swap3A_483, %swap3A_484], %add3A_482 {strides = array<i32>} : memref<32x256xf32, #tpu.memory_space<vmem>>, vector<16xf32>,
        %get3A_486 = arith.index_cast %scan3A_121 : i32 to index
        %get3A_487 = arith.constant 224 : index
        %get3A_488 = tpu.vector_load %arg12[%get3A_486, %get3A_487] {strides = array<i32>} : memref<32x256xf32, #tpu.memory_space<vmem>>, vector<16xf32>,
        %get3A_489 = arith.index_cast %mul3A_137 : i32 to index
        %get3A_490 = arith.constant 224 : index
        %get3A_491 = tpu.vector_load %arg10[%get3A_489, %get3A_490] {strides = array<i32>} : memref<96x256xf32, #tpu.memory_space<vmem>>, vector<16xf32>,
        %mul3A_492 = arith.mulf %gather3A, %get3A_491 : vector<16xf32>
        %add3A_493 = arith.addf %get3A_488, %mul3A_492 : vector<16xf32>
        %add3A_494 = arith.constant 1 : i32
        %add3A_495 = arith.addi %mul3A_137, %add3A_494 : i32
        %get3A_496 = arith.index_cast %add3A_495 : i32 to index
        %get3A_497 = arith.constant 224 : index
        %get3A_498 = tpu.vector_load %arg10[%get3A_496, %get3A_497] {strides = array<i32>} : memref<96x256xf32, #tpu.memory_space<vmem>>, vector<16xf32>,
        %mul3A_499 = arith.mulf %gather3A_131, %get3A_498 : vector<16xf32>
        %add3A_500 = arith.addf %add3A_493, %mul3A_499 : vector<16xf32>
        %add3A_501 = arith.constant 2 : i32
        %add3A_502 = arith.addi %mul3A_137, %add3A_501 : i32
        %get3A_503 = arith.index_cast %add3A_502 : i32 to index
        %get3A_504 = arith.constant 224 : index
        %get3A_505 = tpu.vector_load %arg10[%get3A_503, %get3A_504] {strides = array<i32>} : memref<96x256xf32, #tpu.memory_space<vmem>>, vector<16xf32>,
        %mul3A_506 = arith.mulf %gather3A_135, %get3A_505 : vector<16xf32>
        %add3A_507 = arith.addf %add3A_500, %mul3A_506 : vector<16xf32>
        %swap3A_508 = arith.index_cast %scan3A_121 : i32 to index
        %swap3A_509 = arith.constant 224 : index
        %swap3A_510 = tpu.vector_load %arg14[%swap3A_508, %swap3A_509] {strides = array<i32>} : memref<32x256xf32, #tpu.memory_space<vmem>>, vector<16xf32>,
        tpu.vector_store %arg14[%swap3A_508, %swap3A_509], %add3A_507 {strides = array<i32>} : memref<32x256xf32, #tpu.memory_space<vmem>>, vector<16xf32>,
        %get3A_511 = arith.index_cast %scan3A_121 : i32 to index
        %get3A_512 = arith.constant 240 : index
        %get3A_513 = tpu.vector_load %arg12[%get3A_511, %get3A_512] {strides = array<i32>} : memref<32x256xf32, #tpu.memory_space<vmem>>, vector<16xf32>,
        %get3A_514 = arith.index_cast %mul3A_137 : i32 to index
        %get3A_515 = arith.constant 240 : index
        %get3A_516 = tpu.vector_load %arg10[%get3A_514, %get3A_515] {strides = array<i32>} : memref<96x256xf32, #tpu.memory_space<vmem>>, vector<16xf32>,
        %mul3A_517 = arith.mulf %gather3A, %get3A_516 : vector<16xf32>
        %add3A_518 = arith.addf %get3A_513, %mul3A_517 : vector<16xf32>
        %add3A_519 = arith.constant 1 : i32
        %add3A_520 = arith.addi %mul3A_137, %add3A_519 : i32
        %get3A_521 = arith.index_cast %add3A_520 : i32 to index
        %get3A_522 = arith.constant 240 : index
        %get3A_523 = tpu.vector_load %arg10[%get3A_521, %get3A_522] {strides = array<i32>} : memref<96x256xf32, #tpu.memory_space<vmem>>, vector<16xf32>,
        %mul3A_524 = arith.mulf %gather3A_131, %get3A_523 : vector<16xf32>
        %add3A_525 = arith.addf %add3A_518, %mul3A_524 : vector<16xf32>
        %add3A_526 = arith.constant 2 : i32
        %add3A_527 = arith.addi %mul3A_137, %add3A_526 : i32
        %get3A_528 = arith.index_cast %add3A_527 : i32 to index
        %get3A_529 = arith.constant 240 : index
        %get3A_530 = tpu.vector_load %arg10[%get3A_528, %get3A_529] {strides = array<i32>} : memref<96x256xf32, #tpu.memory_space<vmem>>, vector<16xf32>,
        %mul3A_531 = arith.mulf %gather3A_135, %get3A_530 : vector<16xf32>
        %add3A_532 = arith.addf %add3A_525, %mul3A_531 : vector<16xf32>
        %swap3A_533 = arith.index_cast %scan3A_121 : i32 to index
        %swap3A_534 = arith.constant 240 : index
        %swap3A_535 = tpu.vector_load %arg14[%swap3A_533, %swap3A_534] {strides = array<i32>} : memref<32x256xf32, #tpu.memory_space<vmem>>, vector<16xf32>,
        tpu.vector_store %arg14[%swap3A_533, %swap3A_534], %add3A_532 {strides = array<i32>} : memref<32x256xf32, #tpu.memory_space<vmem>>, vector<16xf32>,
        %scan3A_536 = arith.constant 0 : i32
        scf.yield %scan3A_536 : i32
      }
      %scan3A_110 = arith.constant 32 : i32
      %add3A_111 = arith.constant 1 : i32
      %add3A_112 = arith.addi %mul3A_33, %add3A_111 : i32
      %mul3A_113 = arith.constant 32 : i32
      %mul3A_114 = arith.muli %add3A_112, %mul3A_113 : i32
      %add3A_115 = arith.addi %mul3A_2, %mul3A_114 : i32
      %dma_start3A_116 = arith.constant 0 : i32
      %dma_start3A_117 = tpu.memref_slice %arg6[%add3A_115, %dma_start3A_116] : memref<16384x256xf32, #tpu.memory_space<hbm>> -> memref<32x256xf32, #tpu.memory_space<hbm>>
      %dma_start3A_118 = arith.constant 0 : i32
      %dma_start3A_119 = tpu.memref_slice %arg6[%add3A_115, %dma_start3A_118] : memref<16384x256xf32, #tpu.memory_space<hbm>> -> memref<32x256xf32, #tpu.memory_space<hbm>>
      tpu.enqueue_dma source(%arg14 : memref<32x256xf32, #tpu.memory_space<vmem>>) target(%dma_start3A_119 : memref<32x256xf32, #tpu.memory_space<hbm>>) target_semaphore(%arg20 : memref<!tpu.dma_semaphore, #tpu.memory_space<semaphore_mem>>)
      %scan3A_120 = arith.constant 0 : i32
      scf.yield %scan3A_120 : i32
    }
    %scan3A_22 = arith.constant 8 : i32
    %dma_wait3A = arith.constant 0 : i32
    %dma_wait3A_23 = tpu.memref_slice %arg3[%mul3A_2, %dma_wait3A] : memref<16384x256xf32, #tpu.memory_space<hbm>> -> memref<32x256xf32, #tpu.memory_space<hbm>>
    %dma_wait3A_24 = arith.constant 0 : i32
    %dma_wait3A_25 = tpu.memref_slice %arg3[%mul3A_2, %dma_wait3A_24] : memref<16384x256xf32, #tpu.memory_space<hbm>> -> memref<32x256xf32, #tpu.memory_space<hbm>>
    tpu.wait_dma2 semaphore(%arg19 : memref<!tpu.dma_semaphore, #tpu.memory_space<semaphore_mem>>) src(%dma_wait3A_25 : memref<32x256xf32, #tpu.memory_space<hbm>>) dst(%arg13 : memref<32x256xf32, #tpu.memory_space<vmem>>)
    %dma_wait3A_26 = arith.constant 0 : i32
    %dma_wait3A_27 = tpu.memref_slice %arg3[%mul3A_2, %dma_wait3A_26] : memref<16384x256xf32, #tpu.memory_space<hbm>> -> memref<32x256xf32, #tpu.memory_space<hbm>>
    %dma_wait3A_28 = arith.constant 0 : i32
    %dma_wait3A_29 = tpu.memref_slice %arg3[%mul3A_2, %dma_wait3A_28] : memref<16384x256xf32, #tpu.memory_space<hbm>> -> memref<32x256xf32, #tpu.memory_space<hbm>>
    tpu.wait_dma2 semaphore(%arg20 : memref<!tpu.dma_semaphore, #tpu.memory_space<semaphore_mem>>) src(%dma_wait3A_29 : memref<32x256xf32, #tpu.memory_space<hbm>>) dst(%arg14 : memref<32x256xf32, #tpu.memory_space<vmem>>)
    return
  }
}

#map = affine_map<(d0, d1) -> (0)>
#map1 = affine_map<(d0, d1) -> (0, 0)>
module attributes {stable_mosaic.version = 14 : i64} {
  func.func @_sc_gather_coarse(%arg0: i32, %arg1: i32, %arg2: memref<16384xf32, #tpu.memory_space<hbm>>, %arg3: memref<16384xf32, #tpu.memory_space<hbm>>, %arg4: memref<16384xf32, #tpu.memory_space<hbm>>, %arg5: memref<16384xf32, #tpu.memory_space<hbm>>, %arg6: memref<4096xi32, #tpu.memory_space<hbm>>, %arg7: memref<4x4096xf32, #tpu.memory_space<hbm>>, %arg8: memref<16384xf32, #tpu.memory_space<vmem>>, %arg9: memref<16384xf32, #tpu.memory_space<vmem>>, %arg10: memref<16384xf32, #tpu.memory_space<vmem>>, %arg11: memref<16384xf32, #tpu.memory_space<vmem>>, %arg12: memref<128xi32, #tpu.memory_space<vmem>>, %arg13: memref<128xf32, #tpu.memory_space<vmem>>, %arg14: memref<128xf32, #tpu.memory_space<vmem>>, %arg15: memref<128xf32, #tpu.memory_space<vmem>>, %arg16: memref<128xf32, #tpu.memory_space<vmem>>) attributes {dimension_semantics = [#tpu.dimension_semantics<core_parallel>, #tpu.dimension_semantics<subcore_parallel>], iteration_bounds = array<i64: 2, 16>, scalar_prefetch = 0 : i64, scratch_operands = 9 : i64, tpu.core_type = #tpu.core_type<sc_vector_subcore>, window_params = [{transform_indices = #map}, {transform_indices = #map}, {transform_indices = #map}, {transform_indices = #map}, {transform_indices = #map}, {transform_indices = #map1}]} {
    %mul3A = arith.constant 2 : i32
    %mul3A_0 = arith.muli %arg1, %mul3A : i32
    %add3A = arith.addi %mul3A_0, %arg0 : i32
    %mul3A_1 = arith.constant 128 : i32
    %mul3A_2 = arith.muli %add3A, %mul3A_1 : i32
    "tpu.region"() ({
      %run_scoped3A_12 = tpu.sem_alloc : memref<!tpu.dma_semaphore, #tpu.memory_space<semaphore_mem>>
      tpu.enqueue_dma source(%arg2 : memref<16384xf32, #tpu.memory_space<hbm>>) target(%arg8 : memref<16384xf32, #tpu.memory_space<vmem>>) target_semaphore(%run_scoped3A_12 : memref<!tpu.dma_semaphore, #tpu.memory_space<semaphore_mem>>)
      tpu.wait_dma2 semaphore(%run_scoped3A_12 : memref<!tpu.dma_semaphore, #tpu.memory_space<semaphore_mem>>) src(%arg2 : memref<16384xf32, #tpu.memory_space<hbm>>) dst(%arg8 : memref<16384xf32, #tpu.memory_space<vmem>>)
      tpu.yield
    }) : () -> ()
    "tpu.region"() ({
      %run_scoped3A_12 = tpu.sem_alloc : memref<!tpu.dma_semaphore, #tpu.memory_space<semaphore_mem>>
      tpu.enqueue_dma source(%arg3 : memref<16384xf32, #tpu.memory_space<hbm>>) target(%arg9 : memref<16384xf32, #tpu.memory_space<vmem>>) target_semaphore(%run_scoped3A_12 : memref<!tpu.dma_semaphore, #tpu.memory_space<semaphore_mem>>)
      tpu.wait_dma2 semaphore(%run_scoped3A_12 : memref<!tpu.dma_semaphore, #tpu.memory_space<semaphore_mem>>) src(%arg3 : memref<16384xf32, #tpu.memory_space<hbm>>) dst(%arg9 : memref<16384xf32, #tpu.memory_space<vmem>>)
      tpu.yield
    }) : () -> ()
    "tpu.region"() ({
      %run_scoped3A_12 = tpu.sem_alloc : memref<!tpu.dma_semaphore, #tpu.memory_space<semaphore_mem>>
      tpu.enqueue_dma source(%arg4 : memref<16384xf32, #tpu.memory_space<hbm>>) target(%arg10 : memref<16384xf32, #tpu.memory_space<vmem>>) target_semaphore(%run_scoped3A_12 : memref<!tpu.dma_semaphore, #tpu.memory_space<semaphore_mem>>)
      tpu.wait_dma2 semaphore(%run_scoped3A_12 : memref<!tpu.dma_semaphore, #tpu.memory_space<semaphore_mem>>) src(%arg4 : memref<16384xf32, #tpu.memory_space<hbm>>) dst(%arg10 : memref<16384xf32, #tpu.memory_space<vmem>>)
      tpu.yield
    }) : () -> ()
    "tpu.region"() ({
      %run_scoped3A_12 = tpu.sem_alloc : memref<!tpu.dma_semaphore, #tpu.memory_space<semaphore_mem>>
      tpu.enqueue_dma source(%arg5 : memref<16384xf32, #tpu.memory_space<hbm>>) target(%arg11 : memref<16384xf32, #tpu.memory_space<vmem>>) target_semaphore(%run_scoped3A_12 : memref<!tpu.dma_semaphore, #tpu.memory_space<semaphore_mem>>)
      tpu.wait_dma2 semaphore(%run_scoped3A_12 : memref<!tpu.dma_semaphore, #tpu.memory_space<semaphore_mem>>) src(%arg5 : memref<16384xf32, #tpu.memory_space<hbm>>) dst(%arg11 : memref<16384xf32, #tpu.memory_space<vmem>>)
      tpu.yield
    }) : () -> ()
    "tpu.region"() ({
      %run_scoped3A_12 = tpu.sem_alloc : memref<!tpu.dma_semaphore, #tpu.memory_space<semaphore_mem>>
      %dma_start3A = tpu.memref_slice %arg6[%mul3A_2] : memref<4096xi32, #tpu.memory_space<hbm>> -> memref<128xi32, #tpu.memory_space<hbm>>
      %dma_start3A_13 = tpu.memref_slice %arg6[%mul3A_2] : memref<4096xi32, #tpu.memory_space<hbm>> -> memref<128xi32, #tpu.memory_space<hbm>>
      tpu.enqueue_dma source(%dma_start3A_13 : memref<128xi32, #tpu.memory_space<hbm>>) target(%arg12 : memref<128xi32, #tpu.memory_space<vmem>>) target_semaphore(%run_scoped3A_12 : memref<!tpu.dma_semaphore, #tpu.memory_space<semaphore_mem>>)
      %dma_wait3A = tpu.memref_slice %arg6[%mul3A_2] : memref<4096xi32, #tpu.memory_space<hbm>> -> memref<128xi32, #tpu.memory_space<hbm>>
      %dma_wait3A_14 = tpu.memref_slice %arg6[%mul3A_2] : memref<4096xi32, #tpu.memory_space<hbm>> -> memref<128xi32, #tpu.memory_space<hbm>>
      tpu.wait_dma2 semaphore(%run_scoped3A_12 : memref<!tpu.dma_semaphore, #tpu.memory_space<semaphore_mem>>) src(%dma_wait3A_14 : memref<128xi32, #tpu.memory_space<hbm>>) dst(%arg12 : memref<128xi32, #tpu.memory_space<vmem>>)
      tpu.yield
    }) : () -> ()
    %scan3A = arith.constant 0 : i32
    %scan3A_3 = arith.constant 0 : i32
    %scan3A_4 = arith.constant 8 : i32
    %scan3A_5 = arith.addi %scan3A_3, %scan3A_4 : i32
    %scan3A_6 = arith.constant 1 : i32
    %scan3A_7 = scf.for %scan3A_12 = %scan3A_3 to %scan3A_5 step %scan3A_6 iter_args(%scan3A_13 = %scan3A) -> (i32)  : i32 {
      %mul3A_14 = arith.constant 16 : i32
      %mul3A_15 = arith.muli %scan3A_12, %mul3A_14 : i32
      %get3A = arith.index_cast %mul3A_15 : i32 to index
      %get3A_16 = tpu.vector_load %arg12[%get3A] {strides = array<i32>} : memref<128xi32, #tpu.memory_space<vmem>>, vector<16xi32>,
      %gather3A = tpu.vector_load_idx %arg8[%get3A_16] : memref<16384xf32, #tpu.memory_space<vmem>>[vector<16xi32>], vector<16xf32>,
      %swap3A = arith.index_cast %mul3A_15 : i32 to index
      %swap3A_17 = tpu.vector_load %arg13[%swap3A] {strides = array<i32>} : memref<128xf32, #tpu.memory_space<vmem>>, vector<16xf32>,
      tpu.vector_store %arg13[%swap3A], %gather3A {strides = array<i32>} : memref<128xf32, #tpu.memory_space<vmem>>, vector<16xf32>,
      %gather3A_18 = tpu.vector_load_idx %arg9[%get3A_16] : memref<16384xf32, #tpu.memory_space<vmem>>[vector<16xi32>], vector<16xf32>,
      %swap3A_19 = arith.index_cast %mul3A_15 : i32 to index
      %swap3A_20 = tpu.vector_load %arg14[%swap3A_19] {strides = array<i32>} : memref<128xf32, #tpu.memory_space<vmem>>, vector<16xf32>,
      tpu.vector_store %arg14[%swap3A_19], %gather3A_18 {strides = array<i32>} : memref<128xf32, #tpu.memory_space<vmem>>, vector<16xf32>,
      %gather3A_21 = tpu.vector_load_idx %arg10[%get3A_16] : memref<16384xf32, #tpu.memory_space<vmem>>[vector<16xi32>], vector<16xf32>,
      %swap3A_22 = arith.index_cast %mul3A_15 : i32 to index
      %swap3A_23 = tpu.vector_load %arg15[%swap3A_22] {strides = array<i32>} : memref<128xf32, #tpu.memory_space<vmem>>, vector<16xf32>,
      tpu.vector_store %arg15[%swap3A_22], %gather3A_21 {strides = array<i32>} : memref<128xf32, #tpu.memory_space<vmem>>, vector<16xf32>,
      %gather3A_24 = tpu.vector_load_idx %arg11[%get3A_16] : memref<16384xf32, #tpu.memory_space<vmem>>[vector<16xi32>], vector<16xf32>,
      %swap3A_25 = arith.index_cast %mul3A_15 : i32 to index
      %swap3A_26 = tpu.vector_load %arg16[%swap3A_25] {strides = array<i32>} : memref<128xf32, #tpu.memory_space<vmem>>, vector<16xf32>,
      tpu.vector_store %arg16[%swap3A_25], %gather3A_24 {strides = array<i32>} : memref<128xf32, #tpu.memory_space<vmem>>, vector<16xf32>,
      %scan3A_27 = arith.constant 0 : i32
      scf.yield %scan3A_27 : i32
    }
    %scan3A_8 = arith.constant 8 : i32
    %run_scoped3A = arith.constant 0 : i32
    "tpu.region"() ({
      %run_scoped3A_12 = tpu.sem_alloc : memref<!tpu.dma_semaphore, #tpu.memory_space<semaphore_mem>>
      %dma_start3A = tpu.memref_slice %arg7[%run_scoped3A, %mul3A_2] : memref<4x4096xf32, #tpu.memory_space<hbm>> -> memref<1x128xf32, #tpu.memory_space<hbm>>
      %dma_start3A_13 = tpu.memref_squeeze %dma_start3A : memref<1x128xf32, #tpu.memory_space<hbm>> -> memref<128xf32, #tpu.memory_space<hbm>>
      %dma_start3A_14 = tpu.memref_slice %arg7[%run_scoped3A, %mul3A_2] : memref<4x4096xf32, #tpu.memory_space<hbm>> -> memref<1x128xf32, #tpu.memory_space<hbm>>
      %dma_start3A_15 = tpu.memref_squeeze %dma_start3A_14 : memref<1x128xf32, #tpu.memory_space<hbm>> -> memref<128xf32, #tpu.memory_space<hbm>>
      tpu.enqueue_dma source(%arg13 : memref<128xf32, #tpu.memory_space<vmem>>) target(%dma_start3A_15 : memref<128xf32, #tpu.memory_space<hbm>>) target_semaphore(%run_scoped3A_12 : memref<!tpu.dma_semaphore, #tpu.memory_space<semaphore_mem>>)
      %dma_wait3A = tpu.memref_slice %arg7[%run_scoped3A, %mul3A_2] : memref<4x4096xf32, #tpu.memory_space<hbm>> -> memref<1x128xf32, #tpu.memory_space<hbm>>
      %dma_wait3A_16 = tpu.memref_squeeze %dma_wait3A : memref<1x128xf32, #tpu.memory_space<hbm>> -> memref<128xf32, #tpu.memory_space<hbm>>
      %dma_wait3A_17 = tpu.memref_slice %arg7[%run_scoped3A, %mul3A_2] : memref<4x4096xf32, #tpu.memory_space<hbm>> -> memref<1x128xf32, #tpu.memory_space<hbm>>
      %dma_wait3A_18 = tpu.memref_squeeze %dma_wait3A_17 : memref<1x128xf32, #tpu.memory_space<hbm>> -> memref<128xf32, #tpu.memory_space<hbm>>
      tpu.wait_dma2 semaphore(%run_scoped3A_12 : memref<!tpu.dma_semaphore, #tpu.memory_space<semaphore_mem>>) src(%arg13 : memref<128xf32, #tpu.memory_space<vmem>>) dst(%dma_wait3A_18 : memref<128xf32, #tpu.memory_space<hbm>>)
      tpu.yield
    }) : () -> ()
    %run_scoped3A_9 = arith.constant 1 : i32
    "tpu.region"() ({
      %run_scoped3A_12 = tpu.sem_alloc : memref<!tpu.dma_semaphore, #tpu.memory_space<semaphore_mem>>
      %dma_start3A = tpu.memref_slice %arg7[%run_scoped3A_9, %mul3A_2] : memref<4x4096xf32, #tpu.memory_space<hbm>> -> memref<1x128xf32, #tpu.memory_space<hbm>>
      %dma_start3A_13 = tpu.memref_squeeze %dma_start3A : memref<1x128xf32, #tpu.memory_space<hbm>> -> memref<128xf32, #tpu.memory_space<hbm>>
      %dma_start3A_14 = tpu.memref_slice %arg7[%run_scoped3A_9, %mul3A_2] : memref<4x4096xf32, #tpu.memory_space<hbm>> -> memref<1x128xf32, #tpu.memory_space<hbm>>
      %dma_start3A_15 = tpu.memref_squeeze %dma_start3A_14 : memref<1x128xf32, #tpu.memory_space<hbm>> -> memref<128xf32, #tpu.memory_space<hbm>>
      tpu.enqueue_dma source(%arg14 : memref<128xf32, #tpu.memory_space<vmem>>) target(%dma_start3A_15 : memref<128xf32, #tpu.memory_space<hbm>>) target_semaphore(%run_scoped3A_12 : memref<!tpu.dma_semaphore, #tpu.memory_space<semaphore_mem>>)
      %dma_wait3A = tpu.memref_slice %arg7[%run_scoped3A_9, %mul3A_2] : memref<4x4096xf32, #tpu.memory_space<hbm>> -> memref<1x128xf32, #tpu.memory_space<hbm>>
      %dma_wait3A_16 = tpu.memref_squeeze %dma_wait3A : memref<1x128xf32, #tpu.memory_space<hbm>> -> memref<128xf32, #tpu.memory_space<hbm>>
      %dma_wait3A_17 = tpu.memref_slice %arg7[%run_scoped3A_9, %mul3A_2] : memref<4x4096xf32, #tpu.memory_space<hbm>> -> memref<1x128xf32, #tpu.memory_space<hbm>>
      %dma_wait3A_18 = tpu.memref_squeeze %dma_wait3A_17 : memref<1x128xf32, #tpu.memory_space<hbm>> -> memref<128xf32, #tpu.memory_space<hbm>>
      tpu.wait_dma2 semaphore(%run_scoped3A_12 : memref<!tpu.dma_semaphore, #tpu.memory_space<semaphore_mem>>) src(%arg14 : memref<128xf32, #tpu.memory_space<vmem>>) dst(%dma_wait3A_18 : memref<128xf32, #tpu.memory_space<hbm>>)
      tpu.yield
    }) : () -> ()
    %run_scoped3A_10 = arith.constant 2 : i32
    "tpu.region"() ({
      %run_scoped3A_12 = tpu.sem_alloc : memref<!tpu.dma_semaphore, #tpu.memory_space<semaphore_mem>>
      %dma_start3A = tpu.memref_slice %arg7[%run_scoped3A_10, %mul3A_2] : memref<4x4096xf32, #tpu.memory_space<hbm>> -> memref<1x128xf32, #tpu.memory_space<hbm>>
      %dma_start3A_13 = tpu.memref_squeeze %dma_start3A : memref<1x128xf32, #tpu.memory_space<hbm>> -> memref<128xf32, #tpu.memory_space<hbm>>
      %dma_start3A_14 = tpu.memref_slice %arg7[%run_scoped3A_10, %mul3A_2] : memref<4x4096xf32, #tpu.memory_space<hbm>> -> memref<1x128xf32, #tpu.memory_space<hbm>>
      %dma_start3A_15 = tpu.memref_squeeze %dma_start3A_14 : memref<1x128xf32, #tpu.memory_space<hbm>> -> memref<128xf32, #tpu.memory_space<hbm>>
      tpu.enqueue_dma source(%arg15 : memref<128xf32, #tpu.memory_space<vmem>>) target(%dma_start3A_15 : memref<128xf32, #tpu.memory_space<hbm>>) target_semaphore(%run_scoped3A_12 : memref<!tpu.dma_semaphore, #tpu.memory_space<semaphore_mem>>)
      %dma_wait3A = tpu.memref_slice %arg7[%run_scoped3A_10, %mul3A_2] : memref<4x4096xf32, #tpu.memory_space<hbm>> -> memref<1x128xf32, #tpu.memory_space<hbm>>
      %dma_wait3A_16 = tpu.memref_squeeze %dma_wait3A : memref<1x128xf32, #tpu.memory_space<hbm>> -> memref<128xf32, #tpu.memory_space<hbm>>
      %dma_wait3A_17 = tpu.memref_slice %arg7[%run_scoped3A_10, %mul3A_2] : memref<4x4096xf32, #tpu.memory_space<hbm>> -> memref<1x128xf32, #tpu.memory_space<hbm>>
      %dma_wait3A_18 = tpu.memref_squeeze %dma_wait3A_17 : memref<1x128xf32, #tpu.memory_space<hbm>> -> memref<128xf32, #tpu.memory_space<hbm>>
      tpu.wait_dma2 semaphore(%run_scoped3A_12 : memref<!tpu.dma_semaphore, #tpu.memory_space<semaphore_mem>>) src(%arg15 : memref<128xf32, #tpu.memory_space<vmem>>) dst(%dma_wait3A_18 : memref<128xf32, #tpu.memory_space<hbm>>)
      tpu.yield
    }) : () -> ()
    %run_scoped3A_11 = arith.constant 3 : i32
    "tpu.region"() ({
      %run_scoped3A_12 = tpu.sem_alloc : memref<!tpu.dma_semaphore, #tpu.memory_space<semaphore_mem>>
      %dma_start3A = tpu.memref_slice %arg7[%run_scoped3A_11, %mul3A_2] : memref<4x4096xf32, #tpu.memory_space<hbm>> -> memref<1x128xf32, #tpu.memory_space<hbm>>
      %dma_start3A_13 = tpu.memref_squeeze %dma_start3A : memref<1x128xf32, #tpu.memory_space<hbm>> -> memref<128xf32, #tpu.memory_space<hbm>>
      %dma_start3A_14 = tpu.memref_slice %arg7[%run_scoped3A_11, %mul3A_2] : memref<4x4096xf32, #tpu.memory_space<hbm>> -> memref<1x128xf32, #tpu.memory_space<hbm>>
      %dma_start3A_15 = tpu.memref_squeeze %dma_start3A_14 : memref<1x128xf32, #tpu.memory_space<hbm>> -> memref<128xf32, #tpu.memory_space<hbm>>
      tpu.enqueue_dma source(%arg16 : memref<128xf32, #tpu.memory_space<vmem>>) target(%dma_start3A_15 : memref<128xf32, #tpu.memory_space<hbm>>) target_semaphore(%run_scoped3A_12 : memref<!tpu.dma_semaphore, #tpu.memory_space<semaphore_mem>>)
      %dma_wait3A = tpu.memref_slice %arg7[%run_scoped3A_11, %mul3A_2] : memref<4x4096xf32, #tpu.memory_space<hbm>> -> memref<1x128xf32, #tpu.memory_space<hbm>>
      %dma_wait3A_16 = tpu.memref_squeeze %dma_wait3A : memref<1x128xf32, #tpu.memory_space<hbm>> -> memref<128xf32, #tpu.memory_space<hbm>>
      %dma_wait3A_17 = tpu.memref_slice %arg7[%run_scoped3A_11, %mul3A_2] : memref<4x4096xf32, #tpu.memory_space<hbm>> -> memref<1x128xf32, #tpu.memory_space<hbm>>
      %dma_wait3A_18 = tpu.memref_squeeze %dma_wait3A_17 : memref<1x128xf32, #tpu.memory_space<hbm>> -> memref<128xf32, #tpu.memory_space<hbm>>
      tpu.wait_dma2 semaphore(%run_scoped3A_12 : memref<!tpu.dma_semaphore, #tpu.memory_space<semaphore_mem>>) src(%arg16 : memref<128xf32, #tpu.memory_space<vmem>>) dst(%dma_wait3A_18 : memref<128xf32, #tpu.memory_space<hbm>>)
      tpu.yield
    }) : () -> ()
    return
  }
}

module attributes {stable_mosaic.version = 14 : i64} {
  func.func @_knn_mlp_body(%arg0: i32, %arg1: memref<512x3xf32, #tpu.memory_space<vmem>>, %arg2: memref<512x1xf32, #tpu.memory_space<vmem>>, %arg3: memref<4x8x512xf32, #tpu.memory_space<vmem>>, %arg4: memref<512x256xf32, #tpu.memory_space<vmem>>, %arg5: memref<512x256xf32, #tpu.memory_space<vmem>>, %arg6: memref<512x256xf32, #tpu.memory_space<vmem>>, %arg7: memref<1x256xf32, #tpu.memory_space<vmem>>, %arg8: memref<512x256xf32, #tpu.memory_space<vmem>>, %arg9: memref<512x256xf32, #tpu.memory_space<vmem>>, %arg10: memref<512x3xf32, #tpu.memory_space<vmem>>, %arg11: memref<512x3xi32, #tpu.memory_space<vmem>>) attributes {dimension_semantics = [#tpu.dimension_semantics<arbitrary>], iteration_bounds = array<i64: 32>, scalar_prefetch = 0 : i64, scratch_operands = 0 : i64, tpu.core_type = #tpu.core_type<tc>, window_params = [{transform_indices = @transform_0, window_bounds = array<i64: 512, 3>}, {transform_indices = @transform_1, window_bounds = array<i64: 512, 1>}, {pipeline_mode = #tpu.pipeline_mode<synchronous>, transform_indices = @transform_2, window_bounds = array<i64: 4, 8, 512>}, {transform_indices = @transform_3, window_bounds = array<i64: 512, 256>}, {transform_indices = @transform_4, window_bounds = array<i64: 512, 256>}, {pipeline_mode = #tpu.pipeline_mode<synchronous>, transform_indices = @transform_5, window_bounds = array<i64: 512, 256>}, {pipeline_mode = #tpu.pipeline_mode<synchronous>, transform_indices = @transform_6, window_bounds = array<i64: 1, 256>}, {transform_indices = @transform_7, window_bounds = array<i64: 512, 256>}, {transform_indices = @transform_8, window_bounds = array<i64: 512, 256>}, {transform_indices = @transform_9, window_bounds = array<i64: 512, 3>}, {transform_indices = @transform_10, window_bounds = array<i64: 512, 3>}]} {
    %get3A = arith.constant 0 : index
    %get3A_0 = arith.constant 0 : index
    %get3A_1 = vector.load %arg1[%get3A, %get3A_0] : memref<512x3xf32, #tpu.memory_space<vmem>>, vector<512x3xf32>
    %get3A_2 = arith.constant 0 : index
    %get3A_3 = arith.constant 0 : index
    %get3A_4 = vector.load %arg2[%get3A_2, %get3A_3] : memref<512x1xf32, #tpu.memory_space<vmem>>, vector<512x1xf32>
    %get3A_5 = arith.constant 0 : index
    %get3A_6 = arith.constant 0 : index
    %get3A_7 = vector.load %arg2[%get3A_5, %get3A_6] : memref<512x1xf32, #tpu.memory_space<vmem>>, vector<1x1xf32>
    %get3A_8 = vector.extract %get3A_7[0, 0] : f32 from vector<1x1xf32>
    %get3A_9 = arith.constant 511 : index
    %get3A_10 = arith.constant 0 : index
    %get3A_11 = vector.load %arg2[%get3A_9, %get3A_10] : memref<512x1xf32, #tpu.memory_space<vmem>>, vector<1x1xf32>
    %get3A_12 = vector.extract %get3A_11[0, 0] : f32 from vector<1x1xf32>
    %get3A_13 = arith.constant 3 : index
    %get3A_14 = arith.constant 0 : index
    %get3A_15 = arith.constant 0 : index
    %get3A_16 = vector.load %arg3[%get3A_13, %get3A_14, %get3A_15] : memref<4x8x512xf32, #tpu.memory_space<vmem>>, vector<1x8x512xf32>
    %get3A_17 = vector.shape_cast %get3A_16 : vector<1x8x512xf32> to vector<8x512xf32>
    %lt3A = vector.broadcast %get3A_8 : f32 to vector<8x512xf32>
    %lt3A_18 = arith.cmpf olt, %get3A_17, %lt3A : vector<8x512xf32>
    %convert_element_type3A = arith.extui %lt3A_18 : vector<8x512xi1> to vector<8x512xi32>
    %le3A = vector.broadcast %get3A_12 : f32 to vector<8x512xf32>
    %le3A_19 = arith.cmpf ole, %get3A_17, %le3A : vector<8x512xf32>
    %convert_element_type3A_20 = arith.extui %le3A_19 : vector<8x512xi1> to vector<8x512xi32>
    %reduce_sum3A = arith.constant dense<0> : vector<8xi32>
    %reduce_sum3A_21 = vector.multi_reduction <add>, %convert_element_type3A, %reduce_sum3A [1] : vector<8x512xi32> to vector<8xi32>
    %broadcast_in_dim3A = vector.shape_cast %reduce_sum3A_21 : vector<8xi32> to vector<8x1xi32>
    %reduce_sum3A_22 = arith.constant dense<0> : vector<1xi32>
    %reduce_sum3A_23 = vector.multi_reduction <add>, %broadcast_in_dim3A, %reduce_sum3A_22 [0] : vector<8x1xi32> to vector<1xi32>
    %broadcast_in_dim3A_24 = vector.shape_cast %reduce_sum3A_23 : vector<1xi32> to vector<1x1xi32>
    %squeeze3A = vector.extract %broadcast_in_dim3A_24[0, 0] : i32 from vector<1x1xi32>
    %reduce_sum3A_25 = arith.constant dense<0> : vector<8xi32>
    %reduce_sum3A_26 = vector.multi_reduction <add>, %convert_element_type3A_20, %reduce_sum3A_25 [1] : vector<8x512xi32> to vector<8xi32>
    %broadcast_in_dim3A_27 = vector.shape_cast %reduce_sum3A_26 : vector<8xi32> to vector<8x1xi32>
    %reduce_sum3A_28 = arith.constant dense<0> : vector<1xi32>
    %reduce_sum3A_29 = vector.multi_reduction <add>, %broadcast_in_dim3A_27, %reduce_sum3A_28 [0] : vector<8x1xi32> to vector<1xi32>
    %broadcast_in_dim3A_30 = vector.shape_cast %reduce_sum3A_29 : vector<1xi32> to vector<1x1xi32>
    %squeeze3A_31 = vector.extract %broadcast_in_dim3A_30[0, 0] : i32 from vector<1x1xi32>
    %jit3A = arith.constant 512 : i32
    %div3A = arith.divsi %squeeze3A, %jit3A : i32
    %sign3A = arith.constant 0 : i32
    %sign3A_32 = arith.cmpi sgt, %squeeze3A, %sign3A : i32
    %sign3A_33 = arith.extui %sign3A_32 : i1 to i32
    %sign3A_34 = arith.constant 0 : i32
    %sign3A_35 = arith.cmpi slt, %squeeze3A, %sign3A_34 : i32
    %sign3A_36 = arith.extui %sign3A_35 : i1 to i32
    %sign3A_37 = arith.subi %sign3A_33, %sign3A_36 : i32
    %sign3A_38 = arith.constant 0 : i32
    %sign3A_39 = arith.cmpi sgt, %jit3A, %sign3A_38 : i32
    %sign3A_40 = arith.extui %sign3A_39 : i1 to i32
    %sign3A_41 = arith.constant 0 : i32
    %sign3A_42 = arith.cmpi slt, %jit3A, %sign3A_41 : i32
    %sign3A_43 = arith.extui %sign3A_42 : i1 to i32
    %sign3A_44 = arith.subi %sign3A_40, %sign3A_43 : i32
    %ne3A = arith.cmpi ne, %sign3A_37, %sign3A_44 : i32
    %rem3A = arith.remsi %squeeze3A, %jit3A : i32
    %ne3A_45 = arith.constant 0 : i32
    %ne3A_46 = arith.cmpi ne, %rem3A, %ne3A_45 : i32
    %and3A = arith.andi %ne3A, %ne3A_46 : i1
    %sub3A = arith.constant 1 : i32
    %sub3A_47 = arith.subi %div3A, %sub3A : i32
    %select_n3A = arith.select %and3A, %sub3A_47, %div3A : i32
    %mul3A = arith.constant 512 : i32
    %mul3A_48 = arith.muli %select_n3A, %mul3A : i32
    %sub3A_49 = arith.subi %squeeze3A_31, %mul3A_48 : i32
    %add3A = arith.constant 511 : i32
    %add3A_50 = arith.addi %sub3A_49, %add3A : i32
    %jit3A_51 = arith.constant 512 : i32
    %div3A_52 = arith.divsi %add3A_50, %jit3A_51 : i32
    %sign3A_53 = arith.constant 0 : i32
    %sign3A_54 = arith.cmpi sgt, %add3A_50, %sign3A_53 : i32
    %sign3A_55 = arith.extui %sign3A_54 : i1 to i32
    %sign3A_56 = arith.constant 0 : i32
    %sign3A_57 = arith.cmpi slt, %add3A_50, %sign3A_56 : i32
    %sign3A_58 = arith.extui %sign3A_57 : i1 to i32
    %sign3A_59 = arith.subi %sign3A_55, %sign3A_58 : i32
    %sign3A_60 = arith.constant 0 : i32
    %sign3A_61 = arith.cmpi sgt, %jit3A_51, %sign3A_60 : i32
    %sign3A_62 = arith.extui %sign3A_61 : i1 to i32
    %sign3A_63 = arith.constant 0 : i32
    %sign3A_64 = arith.cmpi slt, %jit3A_51, %sign3A_63 : i32
    %sign3A_65 = arith.extui %sign3A_64 : i1 to i32
    %sign3A_66 = arith.subi %sign3A_62, %sign3A_65 : i32
    %ne3A_67 = arith.cmpi ne, %sign3A_59, %sign3A_66 : i32
    %rem3A_68 = arith.remsi %add3A_50, %jit3A_51 : i32
    %ne3A_69 = arith.constant 0 : i32
    %ne3A_70 = arith.cmpi ne, %rem3A_68, %ne3A_69 : i32
    %and3A_71 = arith.andi %ne3A_67, %ne3A_70 : i1
    %sub3A_72 = arith.constant 1 : i32
    %sub3A_73 = arith.subi %div3A_52, %sub3A_72 : i32
    %select_n3A_74 = arith.select %and3A_71, %sub3A_73, %div3A_52 : i32
    %iota3A = tpu.iota {dimensions = array<i32: 1>} : vector<512x512xi32>
    %convert_element_type3A_75 = arith.sitofp %iota3A : vector<512x512xi32> to vector<512x512xf32>
    %broadcast_in_dim3A_76 = arith.constant 1.000000e+30 : f32
    %broadcast_in_dim3A_77 = vector.broadcast %broadcast_in_dim3A_76 : f32 to vector<512x1xf32>
    %broadcast_in_dim3A_78 = arith.constant 1.000000e+30 : f32
    %broadcast_in_dim3A_79 = vector.broadcast %broadcast_in_dim3A_78 : f32 to vector<512x1xf32>
    %broadcast_in_dim3A_80 = arith.constant 1.000000e+30 : f32
    %broadcast_in_dim3A_81 = vector.broadcast %broadcast_in_dim3A_80 : f32 to vector<512x1xf32>
    %broadcast_in_dim3A_82 = arith.constant 0.000000e+00 : f32
    %broadcast_in_dim3A_83 = vector.broadcast %broadcast_in_dim3A_82 : f32 to vector<512x1xf32>
    %broadcast_in_dim3A_84 = arith.constant 1.000000e+00 : f32
    %broadcast_in_dim3A_85 = vector.broadcast %broadcast_in_dim3A_84 : f32 to vector<512x1xf32>
    %broadcast_in_dim3A_86 = arith.constant 2.000000e+00 : f32
    %broadcast_in_dim3A_87 = vector.broadcast %broadcast_in_dim3A_86 : f32 to vector<512x1xf32>
    %while3A = arith.constant 0 : i32
    %while3A_88 = arith.subi %select_n3A_74, %while3A : i32
    %while3A_89 = arith.addi %while3A, %while3A_88 : i32
    %while3A_90 = arith.constant 1 : i32
    %while3A_91 = arith.divsi %while3A_88, %while3A_90 : i32
    %while3A_92 = arith.muli %while3A_91, %while3A_90 : i32
    %while3A_93 = arith.addi %while3A, %while3A_92 : i32
    %while3A_94 = arith.constant 1 : i32
    %while3A_95:6 = scf.for %while3A_160 = %while3A to %while3A_93 step %while3A_94 iter_args(%while3A_161 = %broadcast_in_dim3A_77, %while3A_162 = %broadcast_in_dim3A_79, %while3A_163 = %broadcast_in_dim3A_81, %while3A_164 = %broadcast_in_dim3A_83, %while3A_165 = %broadcast_in_dim3A_85, %while3A_166 = %broadcast_in_dim3A_87) -> (vector<512x1xf32>, vector<512x1xf32>, vector<512x1xf32>, vector<512x1xf32>, vector<512x1xf32>, vector<512x1xf32>)  : i32 {
      %add3A_167 = arith.addi %select_n3A, %while3A_160 : i32
      %get3A_168 = arith.constant 0 : index
      %get3A_169 = arith.index_cast %add3A_167 : i32 to index
      %get3A_170 = arith.constant 0 : index
      %get3A_171 = vector.load %arg3[%get3A_168, %get3A_169, %get3A_170] : memref<4x8x512xf32, #tpu.memory_space<vmem>>, vector<1x1x512xf32>
      %get3A_172 = vector.shape_cast %get3A_171 : vector<1x1x512xf32> to vector<1x512xf32>
      %slice3A = vector.extract_strided_slice %get3A_1 {offsets = [0, 0], sizes = [512, 1], strides = [1, 1]} : vector<512x3xf32> to vector<512x1xf32>
      %sub3A_173 = vector.broadcast %slice3A : vector<512x1xf32> to vector<512x512xf32>
      %sub3A_174 = vector.broadcast %get3A_172 : vector<1x512xf32> to vector<512x512xf32>
      %sub3A_175 = arith.subf %sub3A_173, %sub3A_174 : vector<512x512xf32>
      %mul3A_176 = arith.mulf %sub3A_175, %sub3A_175 : vector<512x512xf32>
      %get3A_177 = arith.constant 1 : index
      %get3A_178 = arith.index_cast %add3A_167 : i32 to index
      %get3A_179 = arith.constant 0 : index
      %get3A_180 = vector.load %arg3[%get3A_177, %get3A_178, %get3A_179] : memref<4x8x512xf32, #tpu.memory_space<vmem>>, vector<1x1x512xf32>
      %get3A_181 = vector.shape_cast %get3A_180 : vector<1x1x512xf32> to vector<1x512xf32>
      %slice3A_182 = vector.extract_strided_slice %get3A_1 {offsets = [0, 1], sizes = [512, 1], strides = [1, 1]} : vector<512x3xf32> to vector<512x1xf32>
      %sub3A_183 = vector.broadcast %slice3A_182 : vector<512x1xf32> to vector<512x512xf32>
      %sub3A_184 = vector.broadcast %get3A_181 : vector<1x512xf32> to vector<512x512xf32>
      %sub3A_185 = arith.subf %sub3A_183, %sub3A_184 : vector<512x512xf32>
      %mul3A_186 = arith.mulf %sub3A_185, %sub3A_185 : vector<512x512xf32>
      %add3A_187 = arith.addf %mul3A_176, %mul3A_186 : vector<512x512xf32>
      %get3A_188 = arith.constant 2 : index
      %get3A_189 = arith.index_cast %add3A_167 : i32 to index
      %get3A_190 = arith.constant 0 : index
      %get3A_191 = vector.load %arg3[%get3A_188, %get3A_189, %get3A_190] : memref<4x8x512xf32, #tpu.memory_space<vmem>>, vector<1x1x512xf32>
      %get3A_192 = vector.shape_cast %get3A_191 : vector<1x1x512xf32> to vector<1x512xf32>
      %slice3A_193 = vector.extract_strided_slice %get3A_1 {offsets = [0, 2], sizes = [512, 1], strides = [1, 1]} : vector<512x3xf32> to vector<512x1xf32>
      %sub3A_194 = vector.broadcast %slice3A_193 : vector<512x1xf32> to vector<512x512xf32>
      %sub3A_195 = vector.broadcast %get3A_192 : vector<1x512xf32> to vector<512x512xf32>
      %sub3A_196 = arith.subf %sub3A_194, %sub3A_195 : vector<512x512xf32>
      %mul3A_197 = arith.mulf %sub3A_196, %sub3A_196 : vector<512x512xf32>
      %add3A_198 = arith.addf %add3A_187, %mul3A_197 : vector<512x512xf32>
      %get3A_199 = arith.constant 3 : index
      %get3A_200 = arith.index_cast %add3A_167 : i32 to index
      %get3A_201 = arith.constant 0 : index
      %get3A_202 = vector.load %arg3[%get3A_199, %get3A_200, %get3A_201] : memref<4x8x512xf32, #tpu.memory_space<vmem>>, vector<1x1x512xf32>
      %get3A_203 = vector.shape_cast %get3A_202 : vector<1x1x512xf32> to vector<1x512xf32>
      %ne3A_204 = vector.broadcast %get3A_4 : vector<512x1xf32> to vector<512x512xf32>
      %ne3A_205 = vector.broadcast %get3A_203 : vector<1x512xf32> to vector<512x512xf32>
      %ne3A_206 = arith.cmpf one, %ne3A_204, %ne3A_205 : vector<512x512xf32>
      %jit3A_207 = arith.constant 1.000000e+10 : f32
      %broadcast_in_dim3A_208 = vector.broadcast %jit3A_207 : f32 to vector<512x512xf32>
      %select_n3A_209 = arith.select %ne3A_206, %broadcast_in_dim3A_208, %add3A_198 : vector<512x512xi1>, vector<512x512xf32>
      %mul3A_210 = arith.constant 512 : i32
      %mul3A_211 = arith.muli %add3A_167, %mul3A_210 : i32
      %convert_element_type3A_212 = arith.sitofp %mul3A_211 : i32 to f32
      %reduce_min3A = arith.constant dense<0x7F800000> : vector<512xf32>
      %reduce_min3A_213 = vector.multi_reduction <minimumf>, %select_n3A_209, %reduce_min3A [1] : vector<512x512xf32> to vector<512xf32>
      %broadcast_in_dim3A_214 = vector.shape_cast %reduce_min3A_213 : vector<512xf32> to vector<512x1xf32>
      %eq3A = vector.broadcast %broadcast_in_dim3A_214 : vector<512x1xf32> to vector<512x512xf32>
      %eq3A_215 = arith.cmpf oeq, %select_n3A_209, %eq3A : vector<512x512xf32>
      %jit3A_216 = arith.constant 8.192000e+03 : f32
      %broadcast_in_dim3A_217 = vector.broadcast %jit3A_216 : f32 to vector<512x512xf32>
      %select_n3A_218 = arith.select %eq3A_215, %convert_element_type3A_75, %broadcast_in_dim3A_217 : vector<512x512xi1>, vector<512x512xf32>
      %reduce_min3A_219 = arith.constant dense<0x7F800000> : vector<512xf32>
      %reduce_min3A_220 = vector.multi_reduction <minimumf>, %select_n3A_218, %reduce_min3A_219 [1] : vector<512x512xf32> to vector<512xf32>
      %broadcast_in_dim3A_221 = vector.shape_cast %reduce_min3A_220 : vector<512xf32> to vector<512x1xf32>
      %eq3A_222 = vector.broadcast %broadcast_in_dim3A_221 : vector<512x1xf32> to vector<512x512xf32>
      %eq3A_223 = arith.cmpf oeq, %convert_element_type3A_75, %eq3A_222 : vector<512x512xf32>
      %jit3A_224 = arith.constant 1.000000e+30 : f32
      %broadcast_in_dim3A_225 = vector.broadcast %jit3A_224 : f32 to vector<512x512xf32>
      %select_n3A_226 = arith.select %eq3A_223, %broadcast_in_dim3A_225, %select_n3A_209 : vector<512x512xi1>, vector<512x512xf32>
      %add3A_227 = vector.broadcast %convert_element_type3A_212 : f32 to vector<512x1xf32>
      %add3A_228 = arith.addf %broadcast_in_dim3A_221, %add3A_227 : vector<512x1xf32>
      %lt3A_229 = arith.cmpf olt, %broadcast_in_dim3A_214, %while3A_161 : vector<512x1xf32>
      %lt3A_230 = arith.cmpf olt, %broadcast_in_dim3A_214, %while3A_162 : vector<512x1xf32>
      %lt3A_231 = arith.cmpf olt, %broadcast_in_dim3A_214, %while3A_163 : vector<512x1xf32>
      %select_n3A_232 = arith.select %lt3A_229, %broadcast_in_dim3A_214, %while3A_161 : vector<512x1xi1>, vector<512x1xf32>
      %select_n3A_233 = arith.select %lt3A_229, %add3A_228, %while3A_164 : vector<512x1xi1>, vector<512x1xf32>
      %select_n3A_234 = arith.select %lt3A_230, %broadcast_in_dim3A_214, %while3A_162 : vector<512x1xi1>, vector<512x1xf32>
      %select_n3A_235 = arith.select %lt3A_229, %while3A_161, %select_n3A_234 : vector<512x1xi1>, vector<512x1xf32>
      %select_n3A_236 = arith.select %lt3A_230, %add3A_228, %while3A_165 : vector<512x1xi1>, vector<512x1xf32>
      %select_n3A_237 = arith.select %lt3A_229, %while3A_164, %select_n3A_236 : vector<512x1xi1>, vector<512x1xf32>
      %select_n3A_238 = arith.select %lt3A_231, %broadcast_in_dim3A_214, %while3A_163 : vector<512x1xi1>, vector<512x1xf32>
      %select_n3A_239 = arith.select %lt3A_230, %while3A_162, %select_n3A_238 : vector<512x1xi1>, vector<512x1xf32>
      %select_n3A_240 = arith.select %lt3A_231, %add3A_228, %while3A_166 : vector<512x1xi1>, vector<512x1xf32>
      %select_n3A_241 = arith.select %lt3A_230, %while3A_165, %select_n3A_240 : vector<512x1xi1>, vector<512x1xf32>
      %reduce_min3A_242 = arith.constant dense<0x7F800000> : vector<512xf32>
      %reduce_min3A_243 = vector.multi_reduction <minimumf>, %select_n3A_226, %reduce_min3A_242 [1] : vector<512x512xf32> to vector<512xf32>
      %broadcast_in_dim3A_244 = vector.shape_cast %reduce_min3A_243 : vector<512xf32> to vector<512x1xf32>
      %eq3A_245 = vector.broadcast %broadcast_in_dim3A_244 : vector<512x1xf32> to vector<512x512xf32>
      %eq3A_246 = arith.cmpf oeq, %select_n3A_226, %eq3A_245 : vector<512x512xf32>
      %jit3A_247 = arith.constant 8.192000e+03 : f32
      %broadcast_in_dim3A_248 = vector.broadcast %jit3A_247 : f32 to vector<512x512xf32>
      %select_n3A_249 = arith.select %eq3A_246, %convert_element_type3A_75, %broadcast_in_dim3A_248 : vector<512x512xi1>, vector<512x512xf32>
      %reduce_min3A_250 = arith.constant dense<0x7F800000> : vector<512xf32>
      %reduce_min3A_251 = vector.multi_reduction <minimumf>, %select_n3A_249, %reduce_min3A_250 [1] : vector<512x512xf32> to vector<512xf32>
      %broadcast_in_dim3A_252 = vector.shape_cast %reduce_min3A_251 : vector<512xf32> to vector<512x1xf32>
      %eq3A_253 = vector.broadcast %broadcast_in_dim3A_252 : vector<512x1xf32> to vector<512x512xf32>
      %eq3A_254 = arith.cmpf oeq, %convert_element_type3A_75, %eq3A_253 : vector<512x512xf32>
      %jit3A_255 = arith.constant 1.000000e+30 : f32
      %broadcast_in_dim3A_256 = vector.broadcast %jit3A_255 : f32 to vector<512x512xf32>
      %select_n3A_257 = arith.select %eq3A_254, %broadcast_in_dim3A_256, %select_n3A_226 : vector<512x512xi1>, vector<512x512xf32>
      %add3A_258 = vector.broadcast %convert_element_type3A_212 : f32 to vector<512x1xf32>
      %add3A_259 = arith.addf %broadcast_in_dim3A_252, %add3A_258 : vector<512x1xf32>
      %lt3A_260 = arith.cmpf olt, %broadcast_in_dim3A_244, %select_n3A_232 : vector<512x1xf32>
      %lt3A_261 = arith.cmpf olt, %broadcast_in_dim3A_244, %select_n3A_235 : vector<512x1xf32>
      %lt3A_262 = arith.cmpf olt, %broadcast_in_dim3A_244, %select_n3A_239 : vector<512x1xf32>
      %select_n3A_263 = arith.select %lt3A_260, %broadcast_in_dim3A_244, %select_n3A_232 : vector<512x1xi1>, vector<512x1xf32>
      %select_n3A_264 = arith.select %lt3A_260, %add3A_259, %select_n3A_233 : vector<512x1xi1>, vector<512x1xf32>
      %select_n3A_265 = arith.select %lt3A_261, %broadcast_in_dim3A_244, %select_n3A_235 : vector<512x1xi1>, vector<512x1xf32>
      %select_n3A_266 = arith.select %lt3A_260, %select_n3A_232, %select_n3A_265 : vector<512x1xi1>, vector<512x1xf32>
      %select_n3A_267 = arith.select %lt3A_261, %add3A_259, %select_n3A_237 : vector<512x1xi1>, vector<512x1xf32>
      %select_n3A_268 = arith.select %lt3A_260, %select_n3A_233, %select_n3A_267 : vector<512x1xi1>, vector<512x1xf32>
      %select_n3A_269 = arith.select %lt3A_262, %broadcast_in_dim3A_244, %select_n3A_239 : vector<512x1xi1>, vector<512x1xf32>
      %select_n3A_270 = arith.select %lt3A_261, %select_n3A_235, %select_n3A_269 : vector<512x1xi1>, vector<512x1xf32>
      %select_n3A_271 = arith.select %lt3A_262, %add3A_259, %select_n3A_241 : vector<512x1xi1>, vector<512x1xf32>
      %select_n3A_272 = arith.select %lt3A_261, %select_n3A_237, %select_n3A_271 : vector<512x1xi1>, vector<512x1xf32>
      %reduce_min3A_273 = arith.constant dense<0x7F800000> : vector<512xf32>
      %reduce_min3A_274 = vector.multi_reduction <minimumf>, %select_n3A_257, %reduce_min3A_273 [1] : vector<512x512xf32> to vector<512xf32>
      %broadcast_in_dim3A_275 = vector.shape_cast %reduce_min3A_274 : vector<512xf32> to vector<512x1xf32>
      %eq3A_276 = vector.broadcast %broadcast_in_dim3A_275 : vector<512x1xf32> to vector<512x512xf32>
      %eq3A_277 = arith.cmpf oeq, %select_n3A_257, %eq3A_276 : vector<512x512xf32>
      %jit3A_278 = arith.constant 8.192000e+03 : f32
      %broadcast_in_dim3A_279 = vector.broadcast %jit3A_278 : f32 to vector<512x512xf32>
      %select_n3A_280 = arith.select %eq3A_277, %convert_element_type3A_75, %broadcast_in_dim3A_279 : vector<512x512xi1>, vector<512x512xf32>
      %reduce_min3A_281 = arith.constant dense<0x7F800000> : vector<512xf32>
      %reduce_min3A_282 = vector.multi_reduction <minimumf>, %select_n3A_280, %reduce_min3A_281 [1] : vector<512x512xf32> to vector<512xf32>
      %broadcast_in_dim3A_283 = vector.shape_cast %reduce_min3A_282 : vector<512xf32> to vector<512x1xf32>
      %add3A_284 = vector.broadcast %convert_element_type3A_212 : f32 to vector<512x1xf32>
      %add3A_285 = arith.addf %broadcast_in_dim3A_283, %add3A_284 : vector<512x1xf32>
      %lt3A_286 = arith.cmpf olt, %broadcast_in_dim3A_275, %select_n3A_263 : vector<512x1xf32>
      %lt3A_287 = arith.cmpf olt, %broadcast_in_dim3A_275, %select_n3A_266 : vector<512x1xf32>
      %lt3A_288 = arith.cmpf olt, %broadcast_in_dim3A_275, %select_n3A_270 : vector<512x1xf32>
      %select_n3A_289 = arith.select %lt3A_286, %broadcast_in_dim3A_275, %select_n3A_263 : vector<512x1xi1>, vector<512x1xf32>
      %select_n3A_290 = arith.select %lt3A_286, %add3A_285, %select_n3A_264 : vector<512x1xi1>, vector<512x1xf32>
      %select_n3A_291 = arith.select %lt3A_287, %broadcast_in_dim3A_275, %select_n3A_266 : vector<512x1xi1>, vector<512x1xf32>
      %select_n3A_292 = arith.select %lt3A_286, %select_n3A_263, %select_n3A_291 : vector<512x1xi1>, vector<512x1xf32>
      %select_n3A_293 = arith.select %lt3A_287, %add3A_285, %select_n3A_268 : vector<512x1xi1>, vector<512x1xf32>
      %select_n3A_294 = arith.select %lt3A_286, %select_n3A_264, %select_n3A_293 : vector<512x1xi1>, vector<512x1xf32>
      %select_n3A_295 = arith.select %lt3A_288, %broadcast_in_dim3A_275, %select_n3A_270 : vector<512x1xi1>, vector<512x1xf32>
      %select_n3A_296 = arith.select %lt3A_287, %select_n3A_266, %select_n3A_295 : vector<512x1xi1>, vector<512x1xf32>
      %select_n3A_297 = arith.select %lt3A_288, %add3A_285, %select_n3A_272 : vector<512x1xi1>, vector<512x1xf32>
      %select_n3A_298 = arith.select %lt3A_287, %select_n3A_268, %select_n3A_297 : vector<512x1xi1>, vector<512x1xf32>
      scf.yield %select_n3A_289, %select_n3A_292, %select_n3A_296, %select_n3A_290, %select_n3A_294, %select_n3A_298 : vector<512x1xf32>, vector<512x1xf32>, vector<512x1xf32>, vector<512x1xf32>, vector<512x1xf32>, vector<512x1xf32>
    }
    %while3A_96 = arith.constant 1 : i32
    %while3A_97:6 = scf.for %while3A_160 = %while3A_93 to %while3A_89 step %while3A_96 iter_args(%while3A_161 = %while3A_95#0, %while3A_162 = %while3A_95#1, %while3A_163 = %while3A_95#2, %while3A_164 = %while3A_95#3, %while3A_165 = %while3A_95#4, %while3A_166 = %while3A_95#5) -> (vector<512x1xf32>, vector<512x1xf32>, vector<512x1xf32>, vector<512x1xf32>, vector<512x1xf32>, vector<512x1xf32>)  : i32 {
      %add3A_167 = arith.addi %select_n3A, %while3A_160 : i32
      %get3A_168 = arith.constant 0 : index
      %get3A_169 = arith.index_cast %add3A_167 : i32 to index
      %get3A_170 = arith.constant 0 : index
      %get3A_171 = vector.load %arg3[%get3A_168, %get3A_169, %get3A_170] : memref<4x8x512xf32, #tpu.memory_space<vmem>>, vector<1x1x512xf32>
      %get3A_172 = vector.shape_cast %get3A_171 : vector<1x1x512xf32> to vector<1x512xf32>
      %slice3A = vector.extract_strided_slice %get3A_1 {offsets = [0, 0], sizes = [512, 1], strides = [1, 1]} : vector<512x3xf32> to vector<512x1xf32>
      %sub3A_173 = vector.broadcast %slice3A : vector<512x1xf32> to vector<512x512xf32>
      %sub3A_174 = vector.broadcast %get3A_172 : vector<1x512xf32> to vector<512x512xf32>
      %sub3A_175 = arith.subf %sub3A_173, %sub3A_174 : vector<512x512xf32>
      %mul3A_176 = arith.mulf %sub3A_175, %sub3A_175 : vector<512x512xf32>
      %get3A_177 = arith.constant 1 : index
      %get3A_178 = arith.index_cast %add3A_167 : i32 to index
      %get3A_179 = arith.constant 0 : index
      %get3A_180 = vector.load %arg3[%get3A_177, %get3A_178, %get3A_179] : memref<4x8x512xf32, #tpu.memory_space<vmem>>, vector<1x1x512xf32>
      %get3A_181 = vector.shape_cast %get3A_180 : vector<1x1x512xf32> to vector<1x512xf32>
      %slice3A_182 = vector.extract_strided_slice %get3A_1 {offsets = [0, 1], sizes = [512, 1], strides = [1, 1]} : vector<512x3xf32> to vector<512x1xf32>
      %sub3A_183 = vector.broadcast %slice3A_182 : vector<512x1xf32> to vector<512x512xf32>
      %sub3A_184 = vector.broadcast %get3A_181 : vector<1x512xf32> to vector<512x512xf32>
      %sub3A_185 = arith.subf %sub3A_183, %sub3A_184 : vector<512x512xf32>
      %mul3A_186 = arith.mulf %sub3A_185, %sub3A_185 : vector<512x512xf32>
      %add3A_187 = arith.addf %mul3A_176, %mul3A_186 : vector<512x512xf32>
      %get3A_188 = arith.constant 2 : index
      %get3A_189 = arith.index_cast %add3A_167 : i32 to index
      %get3A_190 = arith.constant 0 : index
      %get3A_191 = vector.load %arg3[%get3A_188, %get3A_189, %get3A_190] : memref<4x8x512xf32, #tpu.memory_space<vmem>>, vector<1x1x512xf32>
      %get3A_192 = vector.shape_cast %get3A_191 : vector<1x1x512xf32> to vector<1x512xf32>
      %slice3A_193 = vector.extract_strided_slice %get3A_1 {offsets = [0, 2], sizes = [512, 1], strides = [1, 1]} : vector<512x3xf32> to vector<512x1xf32>
      %sub3A_194 = vector.broadcast %slice3A_193 : vector<512x1xf32> to vector<512x512xf32>
      %sub3A_195 = vector.broadcast %get3A_192 : vector<1x512xf32> to vector<512x512xf32>
      %sub3A_196 = arith.subf %sub3A_194, %sub3A_195 : vector<512x512xf32>
      %mul3A_197 = arith.mulf %sub3A_196, %sub3A_196 : vector<512x512xf32>
      %add3A_198 = arith.addf %add3A_187, %mul3A_197 : vector<512x512xf32>
      %get3A_199 = arith.constant 3 : index
      %get3A_200 = arith.index_cast %add3A_167 : i32 to index
      %get3A_201 = arith.constant 0 : index
      %get3A_202 = vector.load %arg3[%get3A_199, %get3A_200, %get3A_201] : memref<4x8x512xf32, #tpu.memory_space<vmem>>, vector<1x1x512xf32>
      %get3A_203 = vector.shape_cast %get3A_202 : vector<1x1x512xf32> to vector<1x512xf32>
      %ne3A_204 = vector.broadcast %get3A_4 : vector<512x1xf32> to vector<512x512xf32>
      %ne3A_205 = vector.broadcast %get3A_203 : vector<1x512xf32> to vector<512x512xf32>
      %ne3A_206 = arith.cmpf one, %ne3A_204, %ne3A_205 : vector<512x512xf32>
      %jit3A_207 = arith.constant 1.000000e+10 : f32
      %broadcast_in_dim3A_208 = vector.broadcast %jit3A_207 : f32 to vector<512x512xf32>
      %select_n3A_209 = arith.select %ne3A_206, %broadcast_in_dim3A_208, %add3A_198 : vector<512x512xi1>, vector<512x512xf32>
      %mul3A_210 = arith.constant 512 : i32
      %mul3A_211 = arith.muli %add3A_167, %mul3A_210 : i32
      %convert_element_type3A_212 = arith.sitofp %mul3A_211 : i32 to f32
      %reduce_min3A = arith.constant dense<0x7F800000> : vector<512xf32>
      %reduce_min3A_213 = vector.multi_reduction <minimumf>, %select_n3A_209, %reduce_min3A [1] : vector<512x512xf32> to vector<512xf32>
      %broadcast_in_dim3A_214 = vector.shape_cast %reduce_min3A_213 : vector<512xf32> to vector<512x1xf32>
      %eq3A = vector.broadcast %broadcast_in_dim3A_214 : vector<512x1xf32> to vector<512x512xf32>
      %eq3A_215 = arith.cmpf oeq, %select_n3A_209, %eq3A : vector<512x512xf32>
      %jit3A_216 = arith.constant 8.192000e+03 : f32
      %broadcast_in_dim3A_217 = vector.broadcast %jit3A_216 : f32 to vector<512x512xf32>
      %select_n3A_218 = arith.select %eq3A_215, %convert_element_type3A_75, %broadcast_in_dim3A_217 : vector<512x512xi1>, vector<512x512xf32>
      %reduce_min3A_219 = arith.constant dense<0x7F800000> : vector<512xf32>
      %reduce_min3A_220 = vector.multi_reduction <minimumf>, %select_n3A_218, %reduce_min3A_219 [1] : vector<512x512xf32> to vector<512xf32>
      %broadcast_in_dim3A_221 = vector.shape_cast %reduce_min3A_220 : vector<512xf32> to vector<512x1xf32>
      %eq3A_222 = vector.broadcast %broadcast_in_dim3A_221 : vector<512x1xf32> to vector<512x512xf32>
      %eq3A_223 = arith.cmpf oeq, %convert_element_type3A_75, %eq3A_222 : vector<512x512xf32>
      %jit3A_224 = arith.constant 1.000000e+30 : f32
      %broadcast_in_dim3A_225 = vector.broadcast %jit3A_224 : f32 to vector<512x512xf32>
      %select_n3A_226 = arith.select %eq3A_223, %broadcast_in_dim3A_225, %select_n3A_209 : vector<512x512xi1>, vector<512x512xf32>
      %add3A_227 = vector.broadcast %convert_element_type3A_212 : f32 to vector<512x1xf32>
      %add3A_228 = arith.addf %broadcast_in_dim3A_221, %add3A_227 : vector<512x1xf32>
      %lt3A_229 = arith.cmpf olt, %broadcast_in_dim3A_214, %while3A_161 : vector<512x1xf32>
      %lt3A_230 = arith.cmpf olt, %broadcast_in_dim3A_214, %while3A_162 : vector<512x1xf32>
      %lt3A_231 = arith.cmpf olt, %broadcast_in_dim3A_214, %while3A_163 : vector<512x1xf32>
      %select_n3A_232 = arith.select %lt3A_229, %broadcast_in_dim3A_214, %while3A_161 : vector<512x1xi1>, vector<512x1xf32>
      %select_n3A_233 = arith.select %lt3A_229, %add3A_228, %while3A_164 : vector<512x1xi1>, vector<512x1xf32>
      %select_n3A_234 = arith.select %lt3A_230, %broadcast_in_dim3A_214, %while3A_162 : vector<512x1xi1>, vector<512x1xf32>
      %select_n3A_235 = arith.select %lt3A_229, %while3A_161, %select_n3A_234 : vector<512x1xi1>, vector<512x1xf32>
      %select_n3A_236 = arith.select %lt3A_230, %add3A_228, %while3A_165 : vector<512x1xi1>, vector<512x1xf32>
      %select_n3A_237 = arith.select %lt3A_229, %while3A_164, %select_n3A_236 : vector<512x1xi1>, vector<512x1xf32>
      %select_n3A_238 = arith.select %lt3A_231, %broadcast_in_dim3A_214, %while3A_163 : vector<512x1xi1>, vector<512x1xf32>
      %select_n3A_239 = arith.select %lt3A_230, %while3A_162, %select_n3A_238 : vector<512x1xi1>, vector<512x1xf32>
      %select_n3A_240 = arith.select %lt3A_231, %add3A_228, %while3A_166 : vector<512x1xi1>, vector<512x1xf32>
      %select_n3A_241 = arith.select %lt3A_230, %while3A_165, %select_n3A_240 : vector<512x1xi1>, vector<512x1xf32>
      %reduce_min3A_242 = arith.constant dense<0x7F800000> : vector<512xf32>
      %reduce_min3A_243 = vector.multi_reduction <minimumf>, %select_n3A_226, %reduce_min3A_242 [1] : vector<512x512xf32> to vector<512xf32>
      %broadcast_in_dim3A_244 = vector.shape_cast %reduce_min3A_243 : vector<512xf32> to vector<512x1xf32>
      %eq3A_245 = vector.broadcast %broadcast_in_dim3A_244 : vector<512x1xf32> to vector<512x512xf32>
      %eq3A_246 = arith.cmpf oeq, %select_n3A_226, %eq3A_245 : vector<512x512xf32>
      %jit3A_247 = arith.constant 8.192000e+03 : f32
      %broadcast_in_dim3A_248 = vector.broadcast %jit3A_247 : f32 to vector<512x512xf32>
      %select_n3A_249 = arith.select %eq3A_246, %convert_element_type3A_75, %broadcast_in_dim3A_248 : vector<512x512xi1>, vector<512x512xf32>
      %reduce_min3A_250 = arith.constant dense<0x7F800000> : vector<512xf32>
      %reduce_min3A_251 = vector.multi_reduction <minimumf>, %select_n3A_249, %reduce_min3A_250 [1] : vector<512x512xf32> to vector<512xf32>
      %broadcast_in_dim3A_252 = vector.shape_cast %reduce_min3A_251 : vector<512xf32> to vector<512x1xf32>
      %eq3A_253 = vector.broadcast %broadcast_in_dim3A_252 : vector<512x1xf32> to vector<512x512xf32>
      %eq3A_254 = arith.cmpf oeq, %convert_element_type3A_75, %eq3A_253 : vector<512x512xf32>
      %jit3A_255 = arith.constant 1.000000e+30 : f32
      %broadcast_in_dim3A_256 = vector.broadcast %jit3A_255 : f32 to vector<512x512xf32>
      %select_n3A_257 = arith.select %eq3A_254, %broadcast_in_dim3A_256, %select_n3A_226 : vector<512x512xi1>, vector<512x512xf32>
      %add3A_258 = vector.broadcast %convert_element_type3A_212 : f32 to vector<512x1xf32>
      %add3A_259 = arith.addf %broadcast_in_dim3A_252, %add3A_258 : vector<512x1xf32>
      %lt3A_260 = arith.cmpf olt, %broadcast_in_dim3A_244, %select_n3A_232 : vector<512x1xf32>
      %lt3A_261 = arith.cmpf olt, %broadcast_in_dim3A_244, %select_n3A_235 : vector<512x1xf32>
      %lt3A_262 = arith.cmpf olt, %broadcast_in_dim3A_244, %select_n3A_239 : vector<512x1xf32>
      %select_n3A_263 = arith.select %lt3A_260, %broadcast_in_dim3A_244, %select_n3A_232 : vector<512x1xi1>, vector<512x1xf32>
      %select_n3A_264 = arith.select %lt3A_260, %add3A_259, %select_n3A_233 : vector<512x1xi1>, vector<512x1xf32>
      %select_n3A_265 = arith.select %lt3A_261, %broadcast_in_dim3A_244, %select_n3A_235 : vector<512x1xi1>, vector<512x1xf32>
      %select_n3A_266 = arith.select %lt3A_260, %select_n3A_232, %select_n3A_265 : vector<512x1xi1>, vector<512x1xf32>
      %select_n3A_267 = arith.select %lt3A_261, %add3A_259, %select_n3A_237 : vector<512x1xi1>, vector<512x1xf32>
      %select_n3A_268 = arith.select %lt3A_260, %select_n3A_233, %select_n3A_267 : vector<512x1xi1>, vector<512x1xf32>
      %select_n3A_269 = arith.select %lt3A_262, %broadcast_in_dim3A_244, %select_n3A_239 : vector<512x1xi1>, vector<512x1xf32>
      %select_n3A_270 = arith.select %lt3A_261, %select_n3A_235, %select_n3A_269 : vector<512x1xi1>, vector<512x1xf32>
      %select_n3A_271 = arith.select %lt3A_262, %add3A_259, %select_n3A_241 : vector<512x1xi1>, vector<512x1xf32>
      %select_n3A_272 = arith.select %lt3A_261, %select_n3A_237, %select_n3A_271 : vector<512x1xi1>, vector<512x1xf32>
      %reduce_min3A_273 = arith.constant dense<0x7F800000> : vector<512xf32>
      %reduce_min3A_274 = vector.multi_reduction <minimumf>, %select_n3A_257, %reduce_min3A_273 [1] : vector<512x512xf32> to vector<512xf32>
      %broadcast_in_dim3A_275 = vector.shape_cast %reduce_min3A_274 : vector<512xf32> to vector<512x1xf32>
      %eq3A_276 = vector.broadcast %broadcast_in_dim3A_275 : vector<512x1xf32> to vector<512x512xf32>
      %eq3A_277 = arith.cmpf oeq, %select_n3A_257, %eq3A_276 : vector<512x512xf32>
      %jit3A_278 = arith.constant 8.192000e+03 : f32
      %broadcast_in_dim3A_279 = vector.broadcast %jit3A_278 : f32 to vector<512x512xf32>
      %select_n3A_280 = arith.select %eq3A_277, %convert_element_type3A_75, %broadcast_in_dim3A_279 : vector<512x512xi1>, vector<512x512xf32>
      %reduce_min3A_281 = arith.constant dense<0x7F800000> : vector<512xf32>
      %reduce_min3A_282 = vector.multi_reduction <minimumf>, %select_n3A_280, %reduce_min3A_281 [1] : vector<512x512xf32> to vector<512xf32>
      %broadcast_in_dim3A_283 = vector.shape_cast %reduce_min3A_282 : vector<512xf32> to vector<512x1xf32>
      %add3A_284 = vector.broadcast %convert_element_type3A_212 : f32 to vector<512x1xf32>
      %add3A_285 = arith.addf %broadcast_in_dim3A_283, %add3A_284 : vector<512x1xf32>
      %lt3A_286 = arith.cmpf olt, %broadcast_in_dim3A_275, %select_n3A_263 : vector<512x1xf32>
      %lt3A_287 = arith.cmpf olt, %broadcast_in_dim3A_275, %select_n3A_266 : vector<512x1xf32>
      %lt3A_288 = arith.cmpf olt, %broadcast_in_dim3A_275, %select_n3A_270 : vector<512x1xf32>
      %select_n3A_289 = arith.select %lt3A_286, %broadcast_in_dim3A_275, %select_n3A_263 : vector<512x1xi1>, vector<512x1xf32>
      %select_n3A_290 = arith.select %lt3A_286, %add3A_285, %select_n3A_264 : vector<512x1xi1>, vector<512x1xf32>
      %select_n3A_291 = arith.select %lt3A_287, %broadcast_in_dim3A_275, %select_n3A_266 : vector<512x1xi1>, vector<512x1xf32>
      %select_n3A_292 = arith.select %lt3A_286, %select_n3A_263, %select_n3A_291 : vector<512x1xi1>, vector<512x1xf32>
      %select_n3A_293 = arith.select %lt3A_287, %add3A_285, %select_n3A_268 : vector<512x1xi1>, vector<512x1xf32>
      %select_n3A_294 = arith.select %lt3A_286, %select_n3A_264, %select_n3A_293 : vector<512x1xi1>, vector<512x1xf32>
      %select_n3A_295 = arith.select %lt3A_288, %broadcast_in_dim3A_275, %select_n3A_270 : vector<512x1xi1>, vector<512x1xf32>
      %select_n3A_296 = arith.select %lt3A_287, %select_n3A_266, %select_n3A_295 : vector<512x1xi1>, vector<512x1xf32>
      %select_n3A_297 = arith.select %lt3A_288, %add3A_285, %select_n3A_272 : vector<512x1xi1>, vector<512x1xf32>
      %select_n3A_298 = arith.select %lt3A_287, %select_n3A_268, %select_n3A_297 : vector<512x1xi1>, vector<512x1xf32>
      scf.yield %select_n3A_289, %select_n3A_292, %select_n3A_296, %select_n3A_290, %select_n3A_294, %select_n3A_298 : vector<512x1xf32>, vector<512x1xf32>, vector<512x1xf32>, vector<512x1xf32>, vector<512x1xf32>, vector<512x1xf32>
    }
    %min3A = arith.constant 1.000000e+10 : f32
    %min3A_98 = vector.broadcast %min3A : f32 to vector<512x1xf32>
    %min3A_99 = arith.minimumf %while3A_97#0, %min3A_98 : vector<512x1xf32>
    %min3A_100 = arith.constant 1.000000e+10 : f32
    %min3A_101 = vector.broadcast %min3A_100 : f32 to vector<512x1xf32>
    %min3A_102 = arith.minimumf %while3A_97#1, %min3A_101 : vector<512x1xf32>
    %min3A_103 = arith.constant 1.000000e+10 : f32
    %min3A_104 = vector.broadcast %min3A_103 : f32 to vector<512x1xf32>
    %min3A_105 = arith.minimumf %while3A_97#2, %min3A_104 : vector<512x1xf32>
    %add3A_106 = arith.constant 9.99999993E-9 : f32
    %add3A_107 = vector.broadcast %add3A_106 : f32 to vector<512x1xf32>
    %add3A_108 = arith.addf %min3A_99, %add3A_107 : vector<512x1xf32>
    %div3A_109 = arith.constant 1.000000e+00 : f32
    %div3A_110 = vector.broadcast %div3A_109 : f32 to vector<512x1xf32>
    %div3A_111 = arith.divf %div3A_110, %add3A_108 : vector<512x1xf32>
    %add3A_112 = arith.constant 9.99999993E-9 : f32
    %add3A_113 = vector.broadcast %add3A_112 : f32 to vector<512x1xf32>
    %add3A_114 = arith.addf %min3A_102, %add3A_113 : vector<512x1xf32>
    %div3A_115 = arith.constant 1.000000e+00 : f32
    %div3A_116 = vector.broadcast %div3A_115 : f32 to vector<512x1xf32>
    %div3A_117 = arith.divf %div3A_116, %add3A_114 : vector<512x1xf32>
    %add3A_118 = arith.constant 9.99999993E-9 : f32
    %add3A_119 = vector.broadcast %add3A_118 : f32 to vector<512x1xf32>
    %add3A_120 = arith.addf %min3A_105, %add3A_119 : vector<512x1xf32>
    %div3A_121 = arith.constant 1.000000e+00 : f32
    %div3A_122 = vector.broadcast %div3A_121 : f32 to vector<512x1xf32>
    %div3A_123 = arith.divf %div3A_122, %add3A_120 : vector<512x1xf32>
    %add3A_124 = arith.addf %div3A_111, %div3A_117 : vector<512x1xf32>
    %add3A_125 = arith.addf %add3A_124, %div3A_123 : vector<512x1xf32>
    %add3A_126 = arith.constant 1.000000e-16 : f32
    %add3A_127 = vector.broadcast %add3A_126 : f32 to vector<512x1xf32>
    %add3A_128 = arith.addf %add3A_125, %add3A_127 : vector<512x1xf32>
    %div3A_129 = arith.divf %div3A_111, %add3A_128 : vector<512x1xf32>
    %div3A_130 = arith.divf %div3A_117, %add3A_128 : vector<512x1xf32>
    %div3A_131 = arith.divf %div3A_123, %add3A_128 : vector<512x1xf32>
    %concatenate3A = tpu.concatenate %div3A_129, %div3A_130, %div3A_131 in 1 : vector<512x1xf32>, vector<512x1xf32>, vector<512x1xf32> -> vector<512x3xf32>
    %swap3A = arith.constant 0 : index
    %swap3A_132 = arith.constant 0 : index
    %swap3A_133 = vector.load %arg10[%swap3A, %swap3A_132] : memref<512x3xf32, #tpu.memory_space<vmem>>, vector<512x3xf32>
    tpu.vector_store %arg10[%swap3A, %swap3A_132], %concatenate3A {strides = array<i32>} : memref<512x3xf32, #tpu.memory_space<vmem>>, vector<512x3xf32>,
    %convert_element_type3A_134 = arith.fptosi %while3A_97#3 : vector<512x1xf32> to vector<512x1xi32>
    %convert_element_type3A_135 = arith.fptosi %while3A_97#4 : vector<512x1xf32> to vector<512x1xi32>
    %convert_element_type3A_136 = arith.fptosi %while3A_97#5 : vector<512x1xf32> to vector<512x1xi32>
    %concatenate3A_137 = tpu.concatenate %convert_element_type3A_134, %convert_element_type3A_135, %convert_element_type3A_136 in 1 : vector<512x1xi32>, vector<512x1xi32>, vector<512x1xi32> -> vector<512x3xi32>
    %swap3A_138 = arith.constant 0 : index
    %swap3A_139 = arith.constant 0 : index
    %swap3A_140 = vector.load %arg11[%swap3A_138, %swap3A_139] : memref<512x3xi32, #tpu.memory_space<vmem>>, vector<512x3xi32>
    tpu.vector_store %arg11[%swap3A_138, %swap3A_139], %concatenate3A_137 {strides = array<i32>} : memref<512x3xi32, #tpu.memory_space<vmem>>, vector<512x3xi32>,
    %get3A_141 = arith.constant 0 : index
    %get3A_142 = arith.constant 0 : index
    %get3A_143 = vector.load %arg4[%get3A_141, %get3A_142] : memref<512x256xf32, #tpu.memory_space<vmem>>, vector<512x256xf32>
    %get3A_144 = arith.constant 256 : index
    %get3A_145 = arith.constant 0 : index
    %get3A_146 = vector.load %arg6[%get3A_144, %get3A_145] : memref<512x256xf32, #tpu.memory_space<vmem>>, vector<256x256xf32>
    %dot_general3A = arith.constant dense<0.000000e+00> : vector<512x256xf32>
    %dot_general3A_147 = tpu.matmul %get3A_143, %get3A_146, %dot_general3A {dimension_numbers = #tpu.dot_dimension_numbers<[1], [0], [0], [1], [0, 0, 1, 1], [], []>, transpose_lhs_hint = false} : vector<512x256xf32>, vector<256x256xf32>, vector<512x256xf32> -> vector<512x256xf32>
    %get3A_148 = arith.constant 0 : index
    %get3A_149 = arith.constant 0 : index
    %get3A_150 = vector.load %arg7[%get3A_148, %get3A_149] : memref<1x256xf32, #tpu.memory_space<vmem>>, vector<1x256xf32>
    %add3A_151 = vector.broadcast %get3A_150 : vector<1x256xf32> to vector<512x256xf32>
    %add3A_152 = arith.addf %dot_general3A_147, %add3A_151 : vector<512x256xf32>
    %swap3A_153 = arith.constant 0 : index
    %swap3A_154 = arith.constant 0 : index
    %swap3A_155 = vector.load %arg8[%swap3A_153, %swap3A_154] : memref<512x256xf32, #tpu.memory_space<vmem>>, vector<512x256xf32>
    tpu.vector_store %arg8[%swap3A_153, %swap3A_154], %add3A_152 {strides = array<i32>} : memref<512x256xf32, #tpu.memory_space<vmem>>, vector<512x256xf32>,
    %lt3A_156 = arith.constant 8 : i32
    %lt3A_157 = arith.cmpi slt, %arg0, %lt3A_156 : i32
    %convert_element_type3A_158 = arith.extui %lt3A_157 : i1 to i32
    %cond3A = arith.constant 0 : i32
    %cond3A_159 = arith.cmpi ne, %convert_element_type3A_158, %cond3A : i32
    scf.if %cond3A_159 {
      %get3A_160 = arith.constant 0 : index
      %get3A_161 = arith.constant 0 : index
      %get3A_162 = vector.load %arg5[%get3A_160, %get3A_161] : memref<512x256xf32, #tpu.memory_space<vmem>>, vector<512x256xf32>
      %get3A_163 = arith.constant 0 : index
      %get3A_164 = arith.constant 0 : index
      %get3A_165 = vector.load %arg6[%get3A_163, %get3A_164] : memref<512x256xf32, #tpu.memory_space<vmem>>, vector<256x256xf32>
      %dot_general3A_166 = arith.constant dense<0.000000e+00> : vector<512x256xf32>
      %dot_general3A_167 = tpu.matmul %get3A_162, %get3A_165, %dot_general3A_166 {dimension_numbers = #tpu.dot_dimension_numbers<[1], [0], [0], [1], [0, 0, 1, 1], [], []>, transpose_lhs_hint = false} : vector<512x256xf32>, vector<256x256xf32>, vector<512x256xf32> -> vector<512x256xf32>
      %swap3A_168 = arith.constant 0 : index
      %swap3A_169 = arith.constant 0 : index
      %swap3A_170 = vector.load %arg9[%swap3A_168, %swap3A_169] : memref<512x256xf32, #tpu.memory_space<vmem>>, vector<512x256xf32>
      tpu.vector_store %arg9[%swap3A_168, %swap3A_169], %dot_general3A_167 {strides = array<i32>} : memref<512x256xf32, #tpu.memory_space<vmem>>, vector<512x256xf32>,
    } else {
    }
    return
  }
  func.func @transform_0(%arg0: i32) -> (i32, i32) {
    %c0_i32 = arith.constant 0 : i32
    %c0_i32_0 = arith.constant 0 : i32
    return %arg0, %c0_i32 : i32, i32
  }
  func.func @transform_1(%arg0: i32) -> (i32, i32) {
    %c0_i32 = arith.constant 0 : i32
    %c0_i32_0 = arith.constant 0 : i32
    return %arg0, %c0_i32 : i32, i32
  }
  func.func @transform_2(%arg0: i32) -> (i32, i32, i32) {
    %c0_i32 = arith.constant 0 : i32
    %c0_i32_0 = arith.constant 0 : i32
    %c0_i32_1 = arith.constant 0 : i32
    %c0_i32_2 = arith.constant 0 : i32
    return %c0_i32, %c0_i32_0, %c0_i32_1 : i32, i32, i32
  }
  func.func @transform_3(%arg0: i32) -> (i32, i32) {
    %c0_i32 = arith.constant 0 : i32
    %c0_i32_0 = arith.constant 0 : i32
    return %arg0, %c0_i32 : i32, i32
  }
  func.func @transform_4(%arg0: i32) -> (i32, i32) {
    %min3A = arith.constant 7 : i32
    %min3A_0 = arith.minsi %arg0, %min3A : i32
    %c0_i32 = arith.constant 0 : i32
    %c0_i32_1 = arith.constant 0 : i32
    return %min3A_0, %c0_i32 : i32, i32
  }
  func.func @transform_5(%arg0: i32) -> (i32, i32) {
    %c0_i32 = arith.constant 0 : i32
    %c0_i32_0 = arith.constant 0 : i32
    %c0_i32_1 = arith.constant 0 : i32
    return %c0_i32, %c0_i32_0 : i32, i32
  }
  func.func @transform_6(%arg0: i32) -> (i32, i32) {
    %c0_i32 = arith.constant 0 : i32
    %c0_i32_0 = arith.constant 0 : i32
    %c0_i32_1 = arith.constant 0 : i32
    return %c0_i32, %c0_i32_0 : i32, i32
  }
  func.func @transform_7(%arg0: i32) -> (i32, i32) {
    %c0_i32 = arith.constant 0 : i32
    %c0_i32_0 = arith.constant 0 : i32
    return %arg0, %c0_i32 : i32, i32
  }
  func.func @transform_8(%arg0: i32) -> (i32, i32) {
    %min3A = arith.constant 7 : i32
    %min3A_0 = arith.minsi %arg0, %min3A : i32
    %c0_i32 = arith.constant 0 : i32
    %c0_i32_1 = arith.constant 0 : i32
    return %min3A_0, %c0_i32 : i32, i32
  }
  func.func @transform_9(%arg0: i32) -> (i32, i32) {
    %c0_i32 = arith.constant 0 : i32
    %c0_i32_0 = arith.constant 0 : i32
    return %arg0, %c0_i32 : i32, i32
  }
  func.func @transform_10(%arg0: i32) -> (i32, i32) {
    %c0_i32 = arith.constant 0 : i32
    %c0_i32_0 = arith.constant 0 : i32
    return %arg0, %c0_i32 : i32, i32
  }
}

</mosaic_0001>

<sc_bundles>
// kernel: kernel.5.cloned.1.call-start
scs
__scs_entry_jumppad:
0x0: {  	(pc) =	sbr.rel $0x88, $3  }
0x1: {  	(tag) =	ssettag $0x0;
	lr =	simm.s32 $0x1  }
0x2: {  	[smem:$0x3F99] =	sst lr;
	_ =	strace $0xD0000000  }
0x3: {  	_ = 	snop  }
0x4: {  	_ = 	snop  }
0x5: {  	_ = 	snop  }
0x6: {  	_ = 	snop  }
0x7: {  	_ = 	snop  }
__scs_overlays_trampoline_lowered:
0x8: {  	[smem:$0x3FA8] =	sst s0  }
0x9: {  	[smem:$0x3FA9] =	sst s1  }
0xa: {  	[smem:$0x3FAA] =	sst s2  }
0xb: {  	[smem:$0x3FAB] =	sst s3  }
0xc: {  	[smem:$0x3FAC] =	sst s4  }
0xd: {  	[smem:$0x3FAD] =	sst s5  }
0xe: {  	[smem:$0x3FAE] =	sst s6  }
0xf: {  	[smem:$0x3FAF] =	sst s7  }
0x10: {  	[smem:$0x3FB0] =	sst s8  }
0x11: {  	[smem:$0x3FB1] =	sst s9;
	s0 =	simm.s32 @!p0 $0x0  }
0x12: {  	s1 =	sld [smem:$0x3F97];
	s0 =	simm.s32 @p0 $0x1  }
0x13: {  	[smem:$0x3FB2] =	sst s0;
	s0 =	simm.s32 @!p1 $0x0  }
0x14: {  	s2 =	sld [smem:$0x3F96];
	s0 =	simm.s32 @p1 $0x1  }
0x15: {  	[smem:$0x3FB3] =	sst s0;
	s0 =	simm.s32 @!p2 $0x0  }
0x16: {  	s3 =	sld [smem:$0x3FDB];
	s0 =	simm.s32 @p2 $0x1  }
0x17: {  	s4 =	simm.s32 $0x1BF5;
	[smem:$0x3FB5] =	sst s0  }
0x18: {  	s0 =	sld [smem:$0x3F98];
	_ =	swait.ge [sflag:s4], $0x0  }
0x19: {  	s7 =	sld [smem:$0x3F99]  }
0x1a: {  	s8 =	sadd.s32 $0xFFFFE003, lr  }
0x1b: {  	s9 =	sadd.s32 $0xFFFFFEF7, lr;
	s5 =	simm.s32 $0xFFFFFFFF;
	p2 =	slt.u32 s8, $0xFFFFF086  }
0x1c: {  	p1 =	slt.u32 s9, $0xF7A;
	s5 =	simm.s32 @!p2 $0x0  }
0x1d: {  	s5 =	simm.s32 @p1 $0x1;
	p0 =	seq.s32 s7, s2  }
0x1e: {  	s7 =	smul.u32 @!p0 $0xF7A, s2;
	p2 =	seq.s32 @!p0 s5, $0x0  }
0x1f: {  	s9 =	smul.u32 $0xF7A, s1;
	s8 =	simm.s32 @!p0 $0x1BF5;
	p2 =	por !p2, p0  }
0x20: {  	[sflag:s8] =	ssyncset.s32 @!p0 $0xFFFFF086;
	s6 =	sadd.s32 @!p0 s3, s7;
	s7 =	simm.s32 @!p0 $0x108  }
0x21: {  	s3 =	sadd.s32 s3, s9;
	s6 =	sadd.s32 @!p0 $0x88, s6;
	s7 =	simm.s32 @p2 $0x1082  }
0x22: {  	[simem:s7], [sflag:s8] =	dma.local @!p0 [hbm:s6], $0xF7A  }
0x23: {  	s9 =	sor.u32 $0xD0000000, s2;
	s6 =	simm.s32 $0x108;
	_ =	swait.ge @!p0 [sflag:s8], $0x0  }
0x24: {  	s3 =	sadd.s32 $0x88, s3;
	s6 =	simm.s32 @!p1 $0x1082;
	[sflag:s4] =	ssyncset.s32 $0xFFFFF086  }
0x25: {  	[simem:s6], [sflag:s4] =	dma.local [hbm:s3], $0xF7A  }
0x26: {  	[smem:$0x3F99] =	sst s1;
	(tag) =	ssettag s2;
	_ =	strace s9  }
0x27: {  	s1 =	sld [smem:$0x3FA9]  }
0x28: {  	s2 =	sld [smem:$0x3FAA]  }
0x29: {  	s4 =	sld [smem:$0x3FAC]  }
0x2a: {  	p0 =	seq.s32 s5, $0x0;
	s5 =	sld [smem:$0x3FAD]  }
0x2b: {  	s6 =	sld [smem:$0x3FAE]  }
0x2c: {  	s7 =	sld [smem:$0x3FAF]  }
0x2d: {  	s3 =	simm.s32 $0x108;
	s8 =	sld [smem:$0x3FB0]  }
0x2e: {  	s3 =	simm.s32 @!p0 $0x1082;
	s9 =	sld [smem:$0x3FB1]  }
0x2f: {  	lr =	sadd.s32 s0, s3;
	s0 =	sld [smem:$0x3FA8]  }
0x30: {  	s3 =	sld [smem:$0x3FAB]  }
0x31: {  	[smem:$0x3FB4] =	sst s10  }
0x32: {  	s10 =	sld [smem:$0x3FB2];
	_ =	sdelay $0x3  }
0x33: {  	p0 =	seq.s32 s10, $0x1;
	s10 =	sld [smem:$0x3FB4];
	_ =	sdelay $0x3  }
0x34: {  	[smem:$0x3FB4] =	sst s10  }
0x35: {  	s10 =	sld [smem:$0x3FB3];
	_ =	sdelay $0x3  }
0x36: {  	p1 =	seq.s32 s10, $0x1;
	s10 =	sld [smem:$0x3FB4];
	_ =	sdelay $0x3  }
0x37: {  	[smem:$0x3FB4] =	sst s10  }
0x38: {  	s10 =	sld [smem:$0x3FB5]  }
0x39: {  	_ = 	snop;
	(pc) =	sbr.ind lr, $3  }
0x3a: {  	_ = 	snop  }
0x3b: {  	_ = 	snop  }
0x3c: {  	p2 =	seq.s32 s10, $0x1;
	s10 =	sld [smem:$0x3FB4]  }
0x3d: {  	_ =	shalt  }
0x3e: {  	_ =	shalt  }
0x3f: {  	_ =	shalt  }
0x40: {  	_ =	shalt  }
0x41: {  	_ =	shalt  }
0x42: {  	_ =	shalt  }
0x43: {  	_ =	shalt  }
0x44: {  	_ =	shalt  }
0x45: {  	_ =	shalt  }
0x46: {  	_ =	shalt  }
0x47: {  	_ =	shalt  }
0x48: {  	_ =	shalt  }
0x49: {  	_ =	shalt  }
0x4a: {  	_ =	shalt  }
0x4b: {  	_ =	shalt  }
0x4c: {  	_ =	shalt  }
0x4d: {  	_ =	shalt  }
0x4e: {  	_ =	shalt  }
0x4f: {  	_ =	shalt  }
0x50: {  	_ =	shalt  }
0x51: {  	_ =	shalt  }
0x52: {  	_ =	shalt  }
0x53: {  	_ =	shalt  }
0x54: {  	_ =	shalt  }
0x55: {  	_ =	shalt  }
0x56: {  	_ =	shalt  }
0x57: {  	_ =	shalt  }
0x58: {  	_ =	shalt  }
0x59: {  	_ =	shalt  }
0x5a: {  	_ =	shalt  }
0x5b: {  	_ =	shalt  }
0x5c: {  	_ =	shalt  }
0x5d: {  	_ =	shalt  }
0x5e: {  	_ =	shalt  }
0x5f: {  	_ =	shalt  }
0x60: {  	_ =	shalt  }
0x61: {  	_ =	shalt  }
0x62: {  	_ =	shalt  }
0x63: {  	_ =	shalt  }
0x64: {  	_ =	shalt  }
0x65: {  	_ =	shalt  }
0x66: {  	_ =	shalt  }
0x67: {  	_ =	shalt  }
0x68: {  	_ =	shalt  }
0x69: {  	_ =	shalt  }
0x6a: {  	_ =	shalt  }
0x6b: {  	_ =	shalt  }
0x6c: {  	_ =	shalt  }
0x6d: {  	_ =	shalt  }
0x6e: {  	_ =	shalt  }
0x6f: {  	_ =	shalt  }
0x70: {  	_ =	shalt  }
0x71: {  	_ =	shalt  }
0x72: {  	_ =	shalt  }
0x73: {  	_ =	shalt  }
0x74: {  	_ =	shalt  }
0x75: {  	_ =	shalt  }
0x76: {  	_ =	shalt  }
0x77: {  	_ =	shalt  }
0x78: {  	_ =	shalt  }
0x79: {  	_ =	shalt  }
0x7a: {  	_ =	shalt  }
0x7b: {  	_ =	shalt  }
0x7c: {  	_ =	shalt  }
0x7d: {  	_ =	shalt  }
0x7e: {  	_ =	shalt  }
0x7f: {  	_ =	shalt  }
0x80: {  	_ =	shalt  }
0x81: {  	_ =	shalt  }
0x82: {  	_ =	shalt  }
0x83: {  	_ =	shalt  }
0x84: {  	_ =	shalt  }
0x85: {  	_ =	shalt  }
0x86: {  	_ =	shalt  }
0x87: {  	_ =	shalt  }
.Lfunc_end0:
.L_simem_size_0:
called_computation_lowered:
.L_overlay_start_0:
0x88: {  	s2 =	sld [smem:$0x3FD9]  }
0x89: {  	s3 =	sld [smem:$0x3FFE];
	_ =	sdelay $0x1  }
0x8a: {  	s1 =	srdreg.scid  }
0x8b: {  	s0 =	sand.u32 $0x1, s1  }
0x8c: {  	s14 =	sshll.u32 s0, $0xA;
	s2 =	sadd.s32 s3, s2  }
0x8d: {  	s2 =	sadd.s32 s2, s14  }
0x8e: {  	[smem:$0x3FC0] =	sst s2  }
0x8f: {  	_ = 	snop  }
0x90: {  	s2 =	sld [smem:$0x3FD0];
	_ =	sdelay $0x2  }
0x91: {  	s4 =	simm.s32 $0xA;
	s5 =	simm.s32 $0x10;
	s15 =	sld [smem:$0x3FC8]  }
0x92: {  	[smem:s5], [sflag:s4] =	dma.local [hbm:s2], $0x1  }
0x93: {  	_ =	swait.eq [sflag:s4], $0x1  }
0x94: {  	s16 =	sld [smem:$0x11];
	[sflag:s4] =	ssyncset.done $0x0  }
0x95: {  	s17 =	sld [smem:$0x12];
	[sflag:s4] =	ssyncadd.s32 $0xFFFFFFFF  }
0x96: {  	s18 =	sld [smem:$0x13];
	(tm) =	ssettm $0x1  }
0x97: {  	s6 =	sld [smem:$0x3FFB];
	_ =	sdelay $0x3  }
0x98: {  	_ =	strace s6  }
0x99: {  	s6 =	sld [smem:$0x3FFC];
	_ =	sdelay $0x3  }
0x9a: {  	_ =	strace s6  }
0x9b: {  	s6 =	sld [smem:$0x3FFD];
	_ =	sdelay $0x3  }
0x9c: {  	_ =	strace s6  }
0x9d: {  	_ =	strace $0x8FFFFFFF  }
0x9e: {  	s19 =	sld [smem:$0x3FDB];
	_ =	sdelay $0x1  }
0x9f: {  	s7 =	simm.s32 $_scs_section_size  }
0xa0: {  	s8 =	simm.s32 $_size__tile_overlayer_lowered;
	s9 =	simm.s32 $_tile_overlayer_lowered  }
0xa1: {  	s22 =	simm.s32 $0x1BFF;
	s21 =	sshll.u32 s9, $0x1;
	s6 =	sadd.s32 s7, s19  }
0xa2: {  	s10 =	simm.s32 $0x0;
	s20 =	sshll.u32 s8, $0x1;
	s8 =	sadd.s32 s21, s6  }
0xa3: {  	[timem:s10], [sflag:s22] =	dma.local [hbm:s8], s20  }
0xa4: {  	_ =	swait.ge [sflag:s22], s20  }
0xa5: {  	s7 =	ssub.s32 $0x0, s20;
	[sflag:s22] =	ssyncset.done $0x0  }
0xa6: {  	[sflag:s22] =	ssyncadd.s32 s7;
	_ =	sdelay $0x1  }
0xa7: {  	s23 =	simm.s32 $0x1B8B  }
0xa8: {  	_ =	swait.ge [sflag:s23], $0x1  }
0xa9: {  	[sflag:s23] =	ssyncset.done $0x0  }
0xaa: {  	s25 =	simm.s32 $0x1B8E;
	s24 =	sld [smem:$0x3FFE];
	[sflag:s23] =	ssyncadd.s32 $0xFFFFFFFF  }
0xab: {  	s26 =	simm.s32 $execute0_lowered;
	[smem:$0x3FD2] =	sst s25  }
0xac: {  	s8 =	sshll.u32 s26, $0x1;
	_ =	strace $0x80000046;
	[dreg:$0x1] =	wrdreg $0xFFFFFFFF  }
0xad: {  	s28 =	simm.s32 $_size_execute0_lowered;
	s6 =	sadd.s32 s6, s8;
	[dreg:$0x0] =	wrdreg $0x0  }
0xae: {  	s8 =	sshll.u32 s28, $0x1;
	[dreg:$0x2] =	wrdreg s6  }
0xaf: {  	[dreg:$0x3] =	wrdreg s8  }
0xb0: {  	[dreg:$0x4] =	wrdreg $0xC0  }
0xb1: {  	_ =	task [dreg:s10], $0x5FFFF  }
0xb2: {  	[dreg:$0x1] =	wrdreg $0xFFFFFFFF  }
0xb3: {  	[dreg:$0x0] =	wrdreg $0x60  }
0xb4: {  	[dreg:$0x2] =	wrdreg s24  }
0xb5: {  	[dreg:$0x3] =	wrdreg s16  }
0xb6: {  	[dreg:$0x4] =	wrdreg s17  }
0xb7: {  	[dreg:$0x5] =	wrdreg s18  }
0xb8: {  	[dreg:$0x6] =	wrdreg s15  }
0xb9: {  	[dreg:$0x7] =	wrdreg $0x9  }
0xba: {  	_ =	task.clear_ibuf [dreg:s10], $0x8FFFF;
	_ =	strace $0x90000046  }
0xbb: {  	s29 =	simm.s32 $0x9;
	_ =	strace $0x80000048  }
0xbc: {  	_ =	swait.ge [sflag:s29], $0x1  }
0xbd: {  	[sflag:s29] =	ssyncadd.s32 $0xFFFFFFFF  }
0xbe: {  	_ =	strace $0x90000048  }
0xbf: {  	_ =	sfence  }
0xc0: {  	s30 =	sld [smem:$0x0];
	_ =	sdelay $0x2  }
0xc1: {  	s31 =	sshll.u32 s1, $0xD;
	s1 =	sshrl.u32 s1, $0x2  }
0xc2: {  	s3 =	sand.u32 $0x4000, s31;
	s1 =	sadd.s32 s1, s30  }
0xc3: {  	s0 =	sor.u32 s3, s0;
	s1 =	sshll.u32 s1, $0x11  }
0xc4: {  	s0 =	sor.u32 s1, s0  }
0xc5: {  	s0 =	sadd.s32 $0x8F2B, s0  }
0xc6: {  	[sflag:s0] =	ssyncadd.remote.s32 $0x1  }
0xc7: {  	_ =	sfence.sel $0xFFFF  }
0xc8: {  	[dreg:$0x0] =	wrdreg $0xFFFFFFFF;
	(pc) =	sbr.abs _section_cstart, $3  }
0xc9: {  	[dreg:$0x1] =	wrdreg $0xFFFFFFFF  }
0xca: {  	_ =	task.clear_ibuf [dreg:s10], $0x2FFFF;
	_ =	strace $0x9FFFFFFF  }
0xcb: {  	(tm) =	ssettm $0x7FFFFFFF  }
tec
execute0_lowered:
.L_overlay_start_1:
0x0: {  	(tag) =	ssettag $0x1  }
0x1: {  	s13 =	rddreg [dreg:$0x0]  }
0x2: {  	s1 =	rddreg [dreg:$0x1]  }
0x3: {  	s2 =	rddreg [dreg:$0x2]  }
0x4: {  	s3 =	rddreg [dreg:$0x3]  }
0x5: {  	s11 =	rddreg [dreg:$0x4]  }
0x6: {  	s0 =	rddreg [dreg:$0x5];
	s4 =	simm.s32 $0x0  }
0x7: {  	[smem:$0x7FF] =	sst s4  }
0x8: {  	s5 =	simm.s32 $0x1;
	s6 =	sadd.s32 $0x1C00, s13;
	_ =	strace $0x80000047  }
0x9: {  	[tilespmem:s4], [sflag:$0x1] =	stream.linear.gather [hbm4b:s6+s4], $0x4000, $0x38;
	[tilespmem:$0x10280] =	vst v63  }
0xa: {  	_ =	swait.ge [sflag:s5], $0x4000  }
0xb: {  	[sflag:s5] =	ssyncset.done $0x0  }
0xc: {  	s7 =	simm.s32 $0x4000;
	[sflag:s5] =	ssyncadd.s32 $0xFFFFC000  }
0xd: {  	[tilespmem:s7], [sflag:$0x1] =	stream.linear.gather [hbm4b:s1+s4], $0x4000, $0x38;
	[tilespmem:$0x10280] =	vst v63  }
0xe: {  	_ =	swait.ge [sflag:s5], $0x4000  }
0xf: {  	[sflag:s5] =	ssyncset.done $0x0  }
0x10: {  	s9 =	simm.s32 $0x8000;
	[sflag:s5] =	ssyncadd.s32 $0xFFFFC000  }
0x11: {  	[tilespmem:s9], [sflag:$0x1] =	stream.linear.gather [hbm4b:s2+s4], $0x4000, $0x38;
	[tilespmem:$0x10280] =	vst v63  }
0x12: {  	s10 =	srdreg.scid;
	_ =	swait.ge [sflag:s5], $0x4000  }
0x13: {  	s8 =	stileid.u32;
	s17 =	sand.u32 $0x1, s10;
	[sflag:s5] =	ssyncset.done $0x0  }
0x14: {  	s12 =	sshll.u32 s8, $0x1;
	s10 =	simm.s32 $0xC000;
	[sflag:s5] =	ssyncadd.s32 $0xFFFFC000  }
0x15: {  	[tilespmem:s10], [sflag:$0x1] =	stream.linear.gather [hbm4b:s3+s4], $0x4000, $0x38;
	[tilespmem:$0x10280] =	vst v63  }
0x16: {  	s14 =	sor.u32 s17, s12;
	_ =	swait.ge [sflag:s5], $0x4000  }
0x17: {  	s12 =	sshll.u32 s14, $0x4;
	[sflag:s5] =	ssyncset.done $0x0  }
0x18: {  	s11 =	sadd.s32 s11, s12;
	s12 =	simm.s32 $0x10000;
	[sflag:s5] =	ssyncadd.s32 $0xFFFFC000  }
0x19: {  	[tilespmem:s12], [sflag:$0x1] =	stream.linear.gather [hbm4b:s11+s4], $0x80, $0x38;
	[tilespmem:$0x10280] =	vst v63  }
0x1a: {  	_ =	swait.ge [sflag:s5], $0x80  }
0x1b: {  	[sflag:s5] =	ssyncset.done $0x0  }
0x1c: {  	[sflag:s5] =	ssyncadd.s32 $0xFFFFFF80  }
0x1d: {  	v0 =	vld [tilespmem:$0x10000];
	_ =	sdelay $0x7  }
0x1e: {  	v1 =	vld.idx.msk [tilespmem:v0+s4+$0x0], $0xffff;
	_ =	sdelay $0x4  }
0x1f: {  	[tilespmem:$0x10080] =	vst v1  }
0x20: {  	v1 =	vld.idx.msk [tilespmem:v0+s7+$0x0], $0xffff;
	_ =	sdelay $0x4  }
0x21: {  	[tilespmem:$0x10100] =	vst v1  }
0x22: {  	v1 =	vld.idx.msk [tilespmem:v0+s9+$0x0], $0xffff;
	_ =	sdelay $0x3  }
0x23: {  	v2 =	vld [tilespmem:$0x10010]  }
0x24: {  	[tilespmem:$0x10180] =	vst v1  }
0x25: {  	v0 =	vld.idx.msk [tilespmem:v0+s10+$0x0], $0xffff;
	_ =	sdelay $0x4  }
0x26: {  	[tilespmem:$0x10200] =	vst v0  }
0x27: {  	v0 =	vld.idx.msk [tilespmem:v2+s4+$0x0], $0xffff;
	_ =	sdelay $0x4  }
0x28: {  	[tilespmem:$0x10090] =	vst v0  }
0x29: {  	v0 =	vld.idx.msk [tilespmem:v2+s7+$0x0], $0xffff;
	_ =	sdelay $0x4  }
0x2a: {  	[tilespmem:$0x10110] =	vst v0  }
0x2b: {  	v0 =	vld.idx.msk [tilespmem:v2+s9+$0x0], $0xffff;
	_ =	sdelay $0x3  }
0x2c: {  	v58 =	vld [tilespmem:$0x10020]  }
0x2d: {  	[tilespmem:$0x10190] =	vst v0  }
0x2e: {  	v0 =	vld.idx.msk [tilespmem:v2+s10+$0x0], $0xffff;
	_ =	sdelay $0x4  }
0x2f: {  	[tilespmem:$0x10210] =	vst v0  }
0x30: {  	v0 =	vld.idx.msk [tilespmem:v58+s4+$0x0], $0xffff;
	_ =	sdelay $0x4  }
0x31: {  	[tilespmem:$0x100A0] =	vst v0  }
0x32: {  	v0 =	vld.idx.msk [tilespmem:v58+s7+$0x0], $0xffff;
	_ =	sdelay $0x4  }
0x33: {  	[tilespmem:$0x10120] =	vst v0  }
0x34: {  	v0 =	vld.idx.msk [tilespmem:v58+s9+$0x0], $0xffff;
	_ =	sdelay $0x3  }
0x35: {  	v59 =	vld [tilespmem:$0x10030]  }
0x36: {  	[tilespmem:$0x101A0] =	vst v0  }
0x37: {  	v0 =	vld.idx.msk [tilespmem:v58+s10+$0x0], $0xffff;
	_ =	sdelay $0x4  }
0x38: {  	[tilespmem:$0x10220] =	vst v0  }
0x39: {  	v0 =	vld.idx.msk [tilespmem:v59+s4+$0x0], $0xffff;
	_ =	sdelay $0x4  }
0x3a: {  	[tilespmem:$0x100B0] =	vst v0  }
0x3b: {  	v0 =	vld.idx.msk [tilespmem:v59+s7+$0x0], $0xffff;
	_ =	sdelay $0x4  }
0x3c: {  	[tilespmem:$0x10130] =	vst v0  }
0x3d: {  	v0 =	vld.idx.msk [tilespmem:v59+s9+$0x0], $0xffff;
	_ =	sdelay $0x3  }
0x3e: {  	v60 =	vld [tilespmem:$0x10040]  }
0x3f: {  	[tilespmem:$0x101B0] =	vst v0  }
0x40: {  	v0 =	vld.idx.msk [tilespmem:v59+s10+$0x0], $0xffff;
	_ =	sdelay $0x4  }
0x41: {  	[tilespmem:$0x10230] =	vst v0  }
0x42: {  	v0 =	vld.idx.msk [tilespmem:v60+s4+$0x0], $0xffff;
	_ =	sdelay $0x4  }
0x43: {  	[tilespmem:$0x100C0] =	vst v0  }
0x44: {  	v0 =	vld.idx.msk [tilespmem:v60+s7+$0x0], $0xffff;
	_ =	sdelay $0x4  }
0x45: {  	[tilespmem:$0x10140] =	vst v0  }
0x46: {  	v0 =	vld.idx.msk [tilespmem:v60+s9+$0x0], $0xffff;
	_ =	sdelay $0x3  }
0x47: {  	v61 =	vld [tilespmem:$0x10050]  }
0x48: {  	[tilespmem:$0x101C0] =	vst v0  }
0x49: {  	v0 =	vld.idx.msk [tilespmem:v60+s10+$0x0], $0xffff;
	_ =	sdelay $0x4  }
0x4a: {  	[tilespmem:$0x10240] =	vst v0  }
0x4b: {  	v0 =	vld.idx.msk [tilespmem:v61+s4+$0x0], $0xffff;
	_ =	sdelay $0x4  }
0x4c: {  	[tilespmem:$0x100D0] =	vst v0  }
0x4d: {  	v0 =	vld.idx.msk [tilespmem:v61+s7+$0x0], $0xffff;
	_ =	sdelay $0x4  }
0x4e: {  	[tilespmem:$0x10150] =	vst v0  }
0x4f: {  	v0 =	vld.idx.msk [tilespmem:v61+s9+$0x0], $0xffff;
	_ =	sdelay $0x3  }
0x50: {  	v62 =	vld [tilespmem:$0x10060]  }
0x51: {  	[tilespmem:$0x101D0] =	vst v0  }
0x52: {  	v0 =	vld.idx.msk [tilespmem:v61+s10+$0x0], $0xffff;
	_ =	sdelay $0x4  }
0x53: {  	[tilespmem:$0x10250] =	vst v0  }
0x54: {  	v0 =	vld.idx.msk [tilespmem:v62+s4+$0x0], $0xffff;
	_ =	sdelay $0x4  }
0x55: {  	[tilespmem:$0x100E0] =	vst v0  }
0x56: {  	v0 =	vld.idx.msk [tilespmem:v62+s7+$0x0], $0xffff;
	_ =	sdelay $0x4  }
0x57: {  	[tilespmem:$0x10160] =	vst v0  }
0x58: {  	v0 =	vld.idx.msk [tilespmem:v62+s9+$0x0], $0xffff;
	_ =	sdelay $0x3  }
0x59: {  	v63 =	vld [tilespmem:$0x10070]  }
0x5a: {  	[tilespmem:$0x101E0] =	vst v0  }
0x5b: {  	v0 =	vld.idx.msk [tilespmem:v62+s10+$0x0], $0xffff;
	_ =	sdelay $0x4  }
0x5c: {  	[tilespmem:$0x10260] =	vst v0  }
0x5d: {  	v0 =	vld.idx.msk [tilespmem:v63+s4+$0x0], $0xffff;
	_ =	sdelay $0x4  }
0x5e: {  	[tilespmem:$0x100F0] =	vst v0  }
0x5f: {  	v0 =	vld.idx.msk [tilespmem:v63+s7+$0x0], $0xffff;
	_ =	sdelay $0x4  }
0x60: {  	[tilespmem:$0x10170] =	vst v0  }
0x61: {  	v0 =	vld.idx.msk [tilespmem:v63+s9+$0x0], $0xffff;
	_ =	sdelay $0x4  }
0x62: {  	[tilespmem:$0x101F0] =	vst v0  }
0x63: {  	v0 =	vld.idx.msk [tilespmem:v63+s10+$0x0], $0xffff;
	_ =	sdelay $0x2  }
0x64: {  	s14 =	sshll.u32 s14, $0x6  }
0x65: {  	s19 =	sadd.s32 s14, s13  }
0x66: {  	s14 =	simm.s32 $0x10080;
	s13 =	sadd.s32 $0x2400, s19;
	[tilespmem:$0x10270] =	vst v0  }
0x67: {  	[hbm4b:s13+s4] =	stream.linear.scatter [tilespmem:s14], [sflag:$0x1], $0x80, $0x38;
	[tilespmem:$0x10280] =	vst v63  }
0x68: {  	_ =	swait.ge [sflag:s5], $0x80  }
0x69: {  	s16 =	simm.s32 $0x10100;
	[sflag:s5] =	ssyncset.done $0x0  }
0x6a: {  	s20 =	ssub.s32 $0x2, s17;
	s15 =	sadd.s32 $0x2410, s19;
	[sflag:s5] =	ssyncadd.s32 $0xFFFFFF80  }
0x6b: {  	[hbm4b:s15+s4] =	stream.linear.scatter [tilespmem:s16], [sflag:$0x1], $0x80, $0x38;
	[tilespmem:$0x10280] =	vst v63  }
0x6c: {  	s21 =	sshrl.u32 s20, $0x1;
	_ =	swait.ge [sflag:s5], $0x80  }
0x6d: {  	s18 =	simm.s32 $0x10180;
	s20 =	ssub.s32 s20, s21;
	[sflag:s5] =	ssyncset.done $0x0  }
0x6e: {  	s17 =	sadd.s32 $0x2420, s19;
	s21 =	smax.u32 s20, $0x1;
	[sflag:s5] =	ssyncadd.s32 $0xFFFFFF80  }
0x6f: {  	[hbm4b:s17+s4] =	stream.linear.scatter [tilespmem:s18], [sflag:$0x1], $0x80, $0x38;
	[tilespmem:$0x10280] =	vst v63  }
0x70: {  	p0 =	sne.s32 s21, $0x1;
	_ =	swait.ge [sflag:s5], $0x80  }
.Ltmp0:
0x71: {  	[sflag:s5] =	ssyncset.done $0x0;
	(pc) =	sbr.rel @!p0 .LBB2_2-.Ltmp0, $4  }
0x72: {  	s19 =	sadd.s32 $0x2430, s19;
	s20 =	simm.s32 $0x10200;
	[sflag:s5] =	ssyncadd.s32 $0xFFFFFF80  }
0x73: {  	[hbm4b:s19+s4] =	stream.linear.scatter [tilespmem:s20], [sflag:$0x1], $0x80, $0x38;
	[tilespmem:$0x10280] =	vst v63  }
0x74: {  	_ =	swait.ge [sflag:s5], $0x80  }
0x75: {  	s21 =	sadd.s32 $0xFFFFFFFF, s21;
	[sflag:s5] =	ssyncset.done $0x0  }
.LBB2_1:
0x76: {  	p0 =	sne.s32 s21, $0x1;
	s21 =	sadd.s32 $0xFFFFFFFF, s21;
	[sflag:s5] =	ssyncadd.s32 $0xFFFFFF80  }
0x77: {  	[tilespmem:s4], [sflag:$0x1] =	stream.linear.gather [hbm4b:s6+s4], $0x4000, $0x38;
	[tilespmem:$0x10280] =	vst v63  }
0x78: {  	_ =	swait.ge [sflag:s5], $0x4000  }
0x79: {  	[sflag:s5] =	ssyncset.done $0x0  }
0x7a: {  	[sflag:s5] =	ssyncadd.s32 $0xFFFFC000  }
0x7b: {  	[tilespmem:s7], [sflag:$0x1] =	stream.linear.gather [hbm4b:s1+s4], $0x4000, $0x38;
	[tilespmem:$0x10280] =	vst v63  }
0x7c: {  	_ =	swait.ge [sflag:s5], $0x4000  }
0x7d: {  	[sflag:s5] =	ssyncset.done $0x0  }
0x7e: {  	[sflag:s5] =	ssyncadd.s32 $0xFFFFC000  }
0x7f: {  	[tilespmem:s9], [sflag:$0x1] =	stream.linear.gather [hbm4b:s2+s4], $0x4000, $0x38;
	[tilespmem:$0x10280] =	vst v63  }
0x80: {  	_ =	swait.ge [sflag:s5], $0x4000  }
0x81: {  	[sflag:s5] =	ssyncset.done $0x0  }
0x82: {  	[sflag:s5] =	ssyncadd.s32 $0xFFFFC000  }
0x83: {  	[tilespmem:s10], [sflag:$0x1] =	stream.linear.gather [hbm4b:s3+s4], $0x4000, $0x38;
	[tilespmem:$0x10280] =	vst v63  }
0x84: {  	_ =	swait.ge [sflag:s5], $0x4000  }
0x85: {  	[sflag:s5] =	ssyncset.done $0x0  }
0x86: {  	[sflag:s5] =	ssyncadd.s32 $0xFFFFC000  }
0x87: {  	[tilespmem:s12], [sflag:$0x1] =	stream.linear.gather [hbm4b:s11+s4], $0x80, $0x38;
	[tilespmem:$0x10280] =	vst v63  }
0x88: {  	_ =	swait.ge [sflag:s5], $0x80  }
0x89: {  	[sflag:s5] =	ssyncset.done $0x0  }
0x8a: {  	[sflag:s5] =	ssyncadd.s32 $0xFFFFFF80  }
0x8b: {  	v0 =	vld [tilespmem:$0x10000];
	_ =	sdelay $0x7  }
0x8c: {  	v1 =	vld.idx.msk [tilespmem:v0+s4+$0x0], $0xffff;
	_ =	sdelay $0x5  }
0x8d: {  	[tilespmem:$0x10080] =	vst v1  }
0x8e: {  	v1 =	vld.idx.msk [tilespmem:v0+s7+$0x0], $0xffff;
	_ =	sdelay $0x5  }
0x8f: {  	[tilespmem:$0x10100] =	vst v1  }
0x90: {  	v1 =	vld.idx.msk [tilespmem:v0+s9+$0x0], $0xffff;
	_ =	sdelay $0x5  }
0x91: {  	[tilespmem:$0x10180] =	vst v1;
	v1 =	vld [tilespmem:$0x10010]  }
0x92: {  	v0 =	vld.idx.msk [tilespmem:v0+s10+$0x0], $0xffff;
	_ =	sdelay $0x5  }
0x93: {  	[tilespmem:$0x10200] =	vst v0  }
0x94: {  	v0 =	vld.idx.msk [tilespmem:v1+s4+$0x0], $0xffff;
	_ =	sdelay $0x5  }
0x95: {  	[tilespmem:$0x10090] =	vst v0  }
0x96: {  	v0 =	vld.idx.msk [tilespmem:v1+s7+$0x0], $0xffff;
	_ =	sdelay $0x5  }
0x97: {  	[tilespmem:$0x10110] =	vst v0  }
0x98: {  	v0 =	vld.idx.msk [tilespmem:v1+s9+$0x0], $0xffff;
	_ =	sdelay $0x5  }
0x99: {  	[tilespmem:$0x10190] =	vst v0;
	v0 =	vld [tilespmem:$0x10020]  }
0x9a: {  	v1 =	vld.idx.msk [tilespmem:v1+s10+$0x0], $0xffff;
	_ =	sdelay $0x5  }
0x9b: {  	[tilespmem:$0x10210] =	vst v1  }
0x9c: {  	v1 =	vld.idx.msk [tilespmem:v0+s4+$0x0], $0xffff;
	_ =	sdelay $0x5  }
0x9d: {  	[tilespmem:$0x100A0] =	vst v1  }
0x9e: {  	v1 =	vld.idx.msk [tilespmem:v0+s7+$0x0], $0xffff;
	_ =	sdelay $0x5  }
0x9f: {  	[tilespmem:$0x10120] =	vst v1  }
0xa0: {  	v1 =	vld.idx.msk [tilespmem:v0+s9+$0x0], $0xffff;
	_ =	sdelay $0x5  }
0xa1: {  	[tilespmem:$0x101A0] =	vst v1;
	v1 =	vld [tilespmem:$0x10030]  }
0xa2: {  	v0 =	vld.idx.msk [tilespmem:v0+s10+$0x0], $0xffff;
	_ =	sdelay $0x5  }
0xa3: {  	[tilespmem:$0x10220] =	vst v0  }
0xa4: {  	v0 =	vld.idx.msk [tilespmem:v1+s4+$0x0], $0xffff;
	_ =	sdelay $0x5  }
0xa5: {  	[tilespmem:$0x100B0] =	vst v0  }
0xa6: {  	v0 =	vld.idx.msk [tilespmem:v1+s7+$0x0], $0xffff;
	_ =	sdelay $0x5  }
0xa7: {  	[tilespmem:$0x10130] =	vst v0  }
0xa8: {  	v0 =	vld.idx.msk [tilespmem:v1+s9+$0x0], $0xffff;
	_ =	sdelay $0x5  }
0xa9: {  	[tilespmem:$0x101B0] =	vst v0;
	v0 =	vld [tilespmem:$0x10040]  }
0xaa: {  	v1 =	vld.idx.msk [tilespmem:v1+s10+$0x0], $0xffff;
	_ =	sdelay $0x5  }
0xab: {  	[tilespmem:$0x10230] =	vst v1  }
0xac: {  	v1 =	vld.idx.msk [tilespmem:v0+s4+$0x0], $0xffff;
	_ =	sdelay $0x5  }
0xad: {  	[tilespmem:$0x100C0] =	vst v1  }
0xae: {  	v1 =	vld.idx.msk [tilespmem:v0+s7+$0x0], $0xffff;
	_ =	sdelay $0x5  }
0xaf: {  	[tilespmem:$0x10140] =	vst v1  }
0xb0: {  	v1 =	vld.idx.msk [tilespmem:v0+s9+$0x0], $0xffff;
	_ =	sdelay $0x5  }
0xb1: {  	[tilespmem:$0x101C0] =	vst v1;
	v1 =	vld [tilespmem:$0x10050]  }
0xb2: {  	v0 =	vld.idx.msk [tilespmem:v0+s10+$0x0], $0xffff;
	_ =	sdelay $0x5  }
0xb3: {  	[tilespmem:$0x10240] =	vst v0  }
0xb4: {  	v0 =	vld.idx.msk [tilespmem:v1+s4+$0x0], $0xffff;
	_ =	sdelay $0x5  }
0xb5: {  	[tilespmem:$0x100D0] =	vst v0  }
0xb6: {  	v0 =	vld.idx.msk [tilespmem:v1+s7+$0x0], $0xffff;
	_ =	sdelay $0x5  }
0xb7: {  	[tilespmem:$0x10150] =	vst v0  }
0xb8: {  	v0 =	vld.idx.msk [tilespmem:v1+s9+$0x0], $0xffff;
	_ =	sdelay $0x5  }
0xb9: {  	[tilespmem:$0x101D0] =	vst v0;
	v0 =	vld [tilespmem:$0x10060]  }
0xba: {  	v1 =	vld.idx.msk [tilespmem:v1+s10+$0x0], $0xffff;
	_ =	sdelay $0x5  }
0xbb: {  	[tilespmem:$0x10250] =	vst v1  }
0xbc: {  	v1 =	vld.idx.msk [tilespmem:v0+s4+$0x0], $0xffff;
	_ =	sdelay $0x5  }
0xbd: {  	[tilespmem:$0x100E0] =	vst v1  }
0xbe: {  	v1 =	vld.idx.msk [tilespmem:v0+s7+$0x0], $0xffff;
	_ =	sdelay $0x5  }
0xbf: {  	[tilespmem:$0x10160] =	vst v1  }
0xc0: {  	v1 =	vld.idx.msk [tilespmem:v0+s9+$0x0], $0xffff;
	_ =	sdelay $0x5  }
0xc1: {  	[tilespmem:$0x101E0] =	vst v1;
	v1 =	vld [tilespmem:$0x10070]  }
0xc2: {  	v0 =	vld.idx.msk [tilespmem:v0+s10+$0x0], $0xffff;
	_ =	sdelay $0x5  }
0xc3: {  	[tilespmem:$0x10260] =	vst v0  }
0xc4: {  	v0 =	vld.idx.msk [tilespmem:v1+s4+$0x0], $0xffff;
	_ =	sdelay $0x5  }
0xc5: {  	[tilespmem:$0x100F0] =	vst v0  }
0xc6: {  	v0 =	vld.idx.msk [tilespmem:v1+s7+$0x0], $0xffff;
	_ =	sdelay $0x5  }
0xc7: {  	[tilespmem:$0x10170] =	vst v0  }
0xc8: {  	v0 =	vld.idx.msk [tilespmem:v1+s9+$0x0], $0xffff;
	_ =	sdelay $0x5  }
0xc9: {  	[tilespmem:$0x101F0] =	vst v0  }
0xca: {  	v0 =	vld.idx.msk [tilespmem:v1+s10+$0x0], $0xffff;
	_ =	sdelay $0x5  }
0xcb: {  	[tilespmem:$0x10270] =	vst v0  }
0xcc: {  	[hbm4b:s13+s4] =	stream.linear.scatter [tilespmem:s14], [sflag:$0x1], $0x80, $0x38;
	[tilespmem:$0x10280] =	vst v63  }
0xcd: {  	_ =	swait.ge [sflag:s5], $0x80  }
0xce: {  	[sflag:s5] =	ssyncset.done $0x0  }
0xcf: {  	[sflag:s5] =	ssyncadd.s32 $0xFFFFFF80  }
0xd0: {  	[hbm4b:s15+s4] =	stream.linear.scatter [tilespmem:s16], [sflag:$0x1], $0x80, $0x38;
	[tilespmem:$0x10280] =	vst v63  }
0xd1: {  	_ =	swait.ge [sflag:s5], $0x80  }
0xd2: {  	[sflag:s5] =	ssyncset.done $0x0  }
0xd3: {  	[sflag:s5] =	ssyncadd.s32 $0xFFFFFF80  }
0xd4: {  	[hbm4b:s17+s4] =	stream.linear.scatter [tilespmem:s18], [sflag:$0x1], $0x80, $0x38;
	[tilespmem:$0x10280] =	vst v63  }
0xd5: {  	_ =	swait.ge [sflag:s5], $0x80  }
.Ltmp1:
0xd6: {  	[sflag:s5] =	ssyncset.done $0x0;
	(pc) =	sbr.rel @p0 .LBB2_1-.Ltmp1, $4  }
0xd7: {  	[sflag:s5] =	ssyncadd.s32 $0xFFFFFF80  }
0xd8: {  	[hbm4b:s19+s4] =	stream.linear.scatter [tilespmem:s20], [sflag:$0x1], $0x80, $0x38;
	[tilespmem:$0x10280] =	vst v63  }
0xd9: {  	_ =	swait.ge [sflag:s5], $0x80  }
0xda: {  	[sflag:s5] =	ssyncset.done $0x0  }
.LBB2_2:
0xdb: {  	[sflag:s5] =	ssyncadd.s32 $0xFFFFFF80  }
0xdc: {  	_ =	sfence.sel $0x180000  }
0xdd: {  	[bflag:$0x0] =	sbarrier.arrive $0xFFFF  }
0xde: {  	p0 =	sne.s32 s8, $0x0;
	_ =	strace $0x90000047  }
0xdf: {  	s0 =	sadd.s32 @!p0 $0x100000, s0;
	[bflag:$0x2] =	sbarrier.arrive $0xFFFF  }
0xe0: {  	[sflag:s0] =	ssyncadd.tile.s32 @!p0 $0x1;
	_ =	shalt  }
.Lfunc_end2:
_tile_overlayer_lowered:
.L_overlay_start_2:
0xe1: {  	(tag) =	ssettag $0x2  }
0xe2: {  	s0 =	rddreg [dreg:$0x0];
	s2 =	stileid.u32  }
0xe3: {  	s1 =	rddreg [dreg:$0x1];
	p0 =	sne.s32 s2, $0x0  }
0xe4: {  	s3 =	rddreg [dreg:$0x2];
	[bflag:$0x3] =	sbarrier.arrive $0xFFFF;
	s2 =	simm.s32 @!p0 $0x1C01  }
0xe5: {  	[timem:s3], [sflag:s2] =	dma.local @!p0 [hbm:s0], s1  }
0xe6: {  	s0 =	simm.s32 @!p0 $0x1  }
0xe7: {  	_ =	swait.ge @!p0 [sflag:s0], s1  }
0xe8: {  	s1 =	ssub.s32 @!p0 $0x0, s1;
	[sflag:s0] =	ssyncset.done @!p0 $0x0  }
0xe9: {  	[sflag:s0] =	ssyncadd.s32 @!p0 s1  }
0xea: {  	[bflag:$0x3] =	sbarrier.arrive $0xFFFF  }
0xeb: {  	_ =	shalt  }

// kernel: kernel.8.cloned.1.call-start
scs
__scs_entry_jumppad:
0x0: {  	(pc) =	sbr.rel $0x88, $3  }
0x1: {  	(tag) =	ssettag $0x0;
	lr =	simm.s32 $0x1  }
0x2: {  	[smem:$0x3F99] =	sst lr;
	_ =	strace $0xD0000000  }
0x3: {  	_ = 	snop  }
0x4: {  	_ = 	snop  }
0x5: {  	_ = 	snop  }
0x6: {  	_ = 	snop  }
0x7: {  	_ = 	snop  }
__scs_overlays_trampoline_lowered:
0x8: {  	[smem:$0x3FA8] =	sst s0  }
0x9: {  	[smem:$0x3FA9] =	sst s1  }
0xa: {  	[smem:$0x3FAA] =	sst s2  }
0xb: {  	[smem:$0x3FAB] =	sst s3  }
0xc: {  	[smem:$0x3FAC] =	sst s4  }
0xd: {  	[smem:$0x3FAD] =	sst s5  }
0xe: {  	[smem:$0x3FAE] =	sst s6  }
0xf: {  	[smem:$0x3FAF] =	sst s7  }
0x10: {  	[smem:$0x3FB0] =	sst s8  }
0x11: {  	[smem:$0x3FB1] =	sst s9;
	s0 =	simm.s32 @!p0 $0x0  }
0x12: {  	s1 =	sld [smem:$0x3F97];
	s0 =	simm.s32 @p0 $0x1  }
0x13: {  	[smem:$0x3FB2] =	sst s0;
	s0 =	simm.s32 @!p1 $0x0  }
0x14: {  	s2 =	sld [smem:$0x3F96];
	s0 =	simm.s32 @p1 $0x1  }
0x15: {  	[smem:$0x3FB3] =	sst s0;
	s0 =	simm.s32 @!p2 $0x0  }
0x16: {  	s3 =	sld [smem:$0x3FDB];
	s0 =	simm.s32 @p2 $0x1  }
0x17: {  	s4 =	simm.s32 $0x1BF5;
	[smem:$0x3FB5] =	sst s0  }
0x18: {  	s0 =	sld [smem:$0x3F98];
	_ =	swait.ge [sflag:s4], $0x0  }
0x19: {  	s7 =	sld [smem:$0x3F99]  }
0x1a: {  	s8 =	sadd.s32 $0xFFFFE003, lr  }
0x1b: {  	s9 =	sadd.s32 $0xFFFFFEF7, lr;
	s5 =	simm.s32 $0xFFFFFFFF;
	p2 =	slt.u32 s8, $0xFFFFF086  }
0x1c: {  	p1 =	slt.u32 s9, $0xF7A;
	s5 =	simm.s32 @!p2 $0x0  }
0x1d: {  	s5 =	simm.s32 @p1 $0x1;
	p0 =	seq.s32 s7, s2  }
0x1e: {  	s7 =	smul.u32 @!p0 $0xF7A, s2;
	p2 =	seq.s32 @!p0 s5, $0x0  }
0x1f: {  	s9 =	smul.u32 $0xF7A, s1;
	s8 =	simm.s32 @!p0 $0x1BF5;
	p2 =	por !p2, p0  }
0x20: {  	[sflag:s8] =	ssyncset.s32 @!p0 $0xFFFFF086;
	s6 =	sadd.s32 @!p0 s3, s7;
	s7 =	simm.s32 @!p0 $0x108  }
0x21: {  	s3 =	sadd.s32 s3, s9;
	s6 =	sadd.s32 @!p0 $0x88, s6;
	s7 =	simm.s32 @p2 $0x1082  }
0x22: {  	[simem:s7], [sflag:s8] =	dma.local @!p0 [hbm:s6], $0xF7A  }
0x23: {  	s9 =	sor.u32 $0xD0000000, s2;
	s6 =	simm.s32 $0x108;
	_ =	swait.ge @!p0 [sflag:s8], $0x0  }
0x24: {  	s3 =	sadd.s32 $0x88, s3;
	s6 =	simm.s32 @!p1 $0x1082;
	[sflag:s4] =	ssyncset.s32 $0xFFFFF086  }
0x25: {  	[simem:s6], [sflag:s4] =	dma.local [hbm:s3], $0xF7A  }
0x26: {  	[smem:$0x3F99] =	sst s1;
	(tag) =	ssettag s2;
	_ =	strace s9  }
0x27: {  	s1 =	sld [smem:$0x3FA9]  }
0x28: {  	s2 =	sld [smem:$0x3FAA]  }
0x29: {  	s4 =	sld [smem:$0x3FAC]  }
0x2a: {  	p0 =	seq.s32 s5, $0x0;
	s5 =	sld [smem:$0x3FAD]  }
0x2b: {  	s6 =	sld [smem:$0x3FAE]  }
0x2c: {  	s7 =	sld [smem:$0x3FAF]  }
0x2d: {  	s3 =	simm.s32 $0x108;
	s8 =	sld [smem:$0x3FB0]  }
0x2e: {  	s3 =	simm.s32 @!p0 $0x1082;
	s9 =	sld [smem:$0x3FB1]  }
0x2f: {  	lr =	sadd.s32 s0, s3;
	s0 =	sld [smem:$0x3FA8]  }
0x30: {  	s3 =	sld [smem:$0x3FAB]  }
0x31: {  	[smem:$0x3FB4] =	sst s10  }
0x32: {  	s10 =	sld [smem:$0x3FB2];
	_ =	sdelay $0x3  }
0x33: {  	p0 =	seq.s32 s10, $0x1;
	s10 =	sld [smem:$0x3FB4];
	_ =	sdelay $0x3  }
0x34: {  	[smem:$0x3FB4] =	sst s10  }
0x35: {  	s10 =	sld [smem:$0x3FB3];
	_ =	sdelay $0x3  }
0x36: {  	p1 =	seq.s32 s10, $0x1;
	s10 =	sld [smem:$0x3FB4];
	_ =	sdelay $0x3  }
0x37: {  	[smem:$0x3FB4] =	sst s10  }
0x38: {  	s10 =	sld [smem:$0x3FB5]  }
0x39: {  	_ = 	snop;
	(pc) =	sbr.ind lr, $3  }
0x3a: {  	_ = 	snop  }
0x3b: {  	_ = 	snop  }
0x3c: {  	p2 =	seq.s32 s10, $0x1;
	s10 =	sld [smem:$0x3FB4]  }
0x3d: {  	_ =	shalt  }
0x3e: {  	_ =	shalt  }
0x3f: {  	_ =	shalt  }
0x40: {  	_ =	shalt  }
0x41: {  	_ =	shalt  }
0x42: {  	_ =	shalt  }
0x43: {  	_ =	shalt  }
0x44: {  	_ =	shalt  }
0x45: {  	_ =	shalt  }
0x46: {  	_ =	shalt  }
0x47: {  	_ =	shalt  }
0x48: {  	_ =	shalt  }
0x49: {  	_ =	shalt  }
0x4a: {  	_ =	shalt  }
0x4b: {  	_ =	shalt  }
0x4c: {  	_ =	shalt  }
0x4d: {  	_ =	shalt  }
0x4e: {  	_ =	shalt  }
0x4f: {  	_ =	shalt  }
0x50: {  	_ =	shalt  }
0x51: {  	_ =	shalt  }
0x52: {  	_ =	shalt  }
0x53: {  	_ =	shalt  }
0x54: {  	_ =	shalt  }
0x55: {  	_ =	shalt  }
0x56: {  	_ =	shalt  }
0x57: {  	_ =	shalt  }
0x58: {  	_ =	shalt  }
0x59: {  	_ =	shalt  }
0x5a: {  	_ =	shalt  }
0x5b: {  	_ =	shalt  }
0x5c: {  	_ =	shalt  }
0x5d: {  	_ =	shalt  }
0x5e: {  	_ =	shalt  }
0x5f: {  	_ =	shalt  }
0x60: {  	_ =	shalt  }
0x61: {  	_ =	shalt  }
0x62: {  	_ =	shalt  }
0x63: {  	_ =	shalt  }
0x64: {  	_ =	shalt  }
0x65: {  	_ =	shalt  }
0x66: {  	_ =	shalt  }
0x67: {  	_ =	shalt  }
0x68: {  	_ =	shalt  }
0x69: {  	_ =	shalt  }
0x6a: {  	_ =	shalt  }
0x6b: {  	_ =	shalt  }
0x6c: {  	_ =	shalt  }
0x6d: {  	_ =	shalt  }
0x6e: {  	_ =	shalt  }
0x6f: {  	_ =	shalt  }
0x70: {  	_ =	shalt  }
0x71: {  	_ =	shalt  }
0x72: {  	_ =	shalt  }
0x73: {  	_ =	shalt  }
0x74: {  	_ =	shalt  }
0x75: {  	_ =	shalt  }
0x76: {  	_ =	shalt  }
0x77: {  	_ =	shalt  }
0x78: {  	_ =	shalt  }
0x79: {  	_ =	shalt  }
0x7a: {  	_ =	shalt  }
0x7b: {  	_ =	shalt  }
0x7c: {  	_ =	shalt  }
0x7d: {  	_ =	shalt  }
0x7e: {  	_ =	shalt  }
0x7f: {  	_ =	shalt  }
0x80: {  	_ =	shalt  }
0x81: {  	_ =	shalt  }
0x82: {  	_ =	shalt  }
0x83: {  	_ =	shalt  }
0x84: {  	_ =	shalt  }
0x85: {  	_ =	shalt  }
0x86: {  	_ =	shalt  }
0x87: {  	_ =	shalt  }
.Lfunc_end0:
.L_simem_size_0:
called_computation.1_lowered:
.L_overlay_start_0:
0x88: {  	s2 =	sld [smem:$0x3FD9]  }
0x89: {  	s3 =	sld [smem:$0x3FFE];
	_ =	sdelay $0x1  }
0x8a: {  	s1 =	srdreg.scid  }
0x8b: {  	s0 =	sand.u32 $0x1, s1  }
0x8c: {  	s14 =	sshll.u32 s0, $0xA;
	s2 =	sadd.s32 s3, s2  }
0x8d: {  	s2 =	sadd.s32 s2, s14  }
0x8e: {  	[smem:$0x3FC0] =	sst s2  }
0x8f: {  	_ = 	snop  }
0x90: {  	s2 =	sld [smem:$0x3FD0];
	_ =	sdelay $0x2  }
0x91: {  	s15 =	simm.s32 $0xA;
	s4 =	simm.s32 $0x10  }
0x92: {  	[smem:s4], [sflag:s15] =	dma.local [hbm:s2], $0x1  }
0x93: {  	_ =	swait.eq [sflag:s15], $0x1  }
0x94: {  	[sflag:s15] =	ssyncset.done $0x0  }
0x95: {  	s16 =	sld [smem:$0x10];
	[sflag:s15] =	ssyncadd.s32 $0xFFFFFFFF  }
0x96: {  	s17 =	sld [smem:$0x11];
	(tm) =	ssettm $0x1  }
0x97: {  	s18 =	sld [smem:$0x3FFB];
	_ =	sdelay $0x3  }
0x98: {  	_ =	strace s18  }
0x99: {  	s4 =	sld [smem:$0x3FFC];
	_ =	sdelay $0x3  }
0x9a: {  	_ =	strace s4  }
0x9b: {  	s4 =	sld [smem:$0x3FFD];
	_ =	sdelay $0x3  }
0x9c: {  	_ =	strace s4  }
0x9d: {  	_ =	strace $0x8FFFFFFF  }
0x9e: {  	s19 =	sld [smem:$0x3FDB];
	_ =	sdelay $0x1  }
0x9f: {  	s5 =	simm.s32 $_scs_section_size  }
0xa0: {  	s6 =	simm.s32 $_size__tile_overlayer_lowered;
	s7 =	simm.s32 $_tile_overlayer_lowered  }
0xa1: {  	s22 =	simm.s32 $0x1BFF;
	s21 =	sshll.u32 s7, $0x1;
	s4 =	sadd.s32 s5, s19  }
0xa2: {  	s8 =	simm.s32 $0x0;
	s20 =	sshll.u32 s6, $0x1;
	s6 =	sadd.s32 s21, s4  }
0xa3: {  	[timem:s8], [sflag:s22] =	dma.local [hbm:s6], s20  }
0xa4: {  	_ =	swait.ge [sflag:s22], s20  }
0xa5: {  	s5 =	ssub.s32 $0x0, s20;
	[sflag:s22] =	ssyncset.done $0x0  }
0xa6: {  	[sflag:s22] =	ssyncadd.s32 s5;
	_ =	sdelay $0x1  }
0xa7: {  	s23 =	simm.s32 $0x1B8B  }
0xa8: {  	_ =	swait.ge [sflag:s23], $0x1  }
0xa9: {  	[sflag:s23] =	ssyncset.done $0x0  }
0xaa: {  	s25 =	simm.s32 $0x1B8E;
	s24 =	sld [smem:$0x3FFE];
	[sflag:s23] =	ssyncadd.s32 $0xFFFFFFFF  }
0xab: {  	s26 =	simm.s32 $execute0_lowered;
	[smem:$0x3FD2] =	sst s25  }
0xac: {  	s6 =	sshll.u32 s26, $0x1;
	_ =	strace $0x80000049;
	[dreg:$0x1] =	wrdreg $0xFFFFFFFF  }
0xad: {  	s28 =	simm.s32 $_size_execute0_lowered;
	s4 =	sadd.s32 s4, s6;
	[dreg:$0x0] =	wrdreg $0x0  }
0xae: {  	s6 =	sshll.u32 s28, $0x1;
	[dreg:$0x2] =	wrdreg s4  }
0xaf: {  	[dreg:$0x3] =	wrdreg s6  }
0xb0: {  	[dreg:$0x4] =	wrdreg $0xC0  }
0xb1: {  	_ =	task [dreg:s8], $0x5FFFF  }
0xb2: {  	[dreg:$0x1] =	wrdreg $0xFFFFFFFF  }
0xb3: {  	[dreg:$0x0] =	wrdreg $0x60  }
0xb4: {  	[dreg:$0x2] =	wrdreg s24  }
0xb5: {  	[dreg:$0x3] =	wrdreg s17  }
0xb6: {  	[dreg:$0x4] =	wrdreg s16  }
0xb7: {  	[dreg:$0x5] =	wrdreg $0x9  }
0xb8: {  	_ =	task.clear_ibuf [dreg:s8], $0x6FFFF;
	_ =	strace $0x90000049  }
0xb9: {  	s29 =	simm.s32 $0x9;
	_ =	strace $0x8000004B  }
0xba: {  	_ =	swait.ge [sflag:s29], $0x1  }
0xbb: {  	[sflag:s29] =	ssyncadd.s32 $0xFFFFFFFF  }
0xbc: {  	_ =	strace $0x9000004B  }
0xbd: {  	_ =	sfence  }
0xbe: {  	s30 =	sld [smem:$0x0];
	_ =	sdelay $0x2  }
0xbf: {  	s31 =	sshll.u32 s1, $0xD;
	s1 =	sshrl.u32 s1, $0x2  }
0xc0: {  	s3 =	sand.u32 $0x4000, s31;
	s1 =	sadd.s32 s1, s30  }
0xc1: {  	s0 =	sor.u32 s3, s0;
	s1 =	sshll.u32 s1, $0x11  }
0xc2: {  	s0 =	sor.u32 s1, s0  }
0xc3: {  	s0 =	sadd.s32 $0x8F2B, s0  }
0xc4: {  	[sflag:s0] =	ssyncadd.remote.s32 $0x1  }
0xc5: {  	_ =	sfence.sel $0xFFFF  }
0xc6: {  	[dreg:$0x0] =	wrdreg $0xFFFFFFFF;
	(pc) =	sbr.abs _section_cstart, $3  }
0xc7: {  	[dreg:$0x1] =	wrdreg $0xFFFFFFFF  }
0xc8: {  	_ =	task.clear_ibuf [dreg:s8], $0x2FFFF;
	_ =	strace $0x9FFFFFFF  }
0xc9: {  	(tm) =	ssettm $0x7FFFFFFF  }
tec
execute0_lowered:
.L_overlay_start_1:
0x0: {  	(tag) =	ssettag $0x1  }
0x1: {  	s0 =	rddreg [dreg:$0x0]  }
0x2: {  	s1 =	rddreg [dreg:$0x1]  }
0x3: {  	s10 =	rddreg [dreg:$0x2]  }
0x4: {  	s2 =	srdreg.scid;
	s4 =	stileid.u32;
	s3 =	simm.s32 $0x0  }
0x5: {  	s13 =	simm.s32 $0x600;
	s16 =	simm.s32 $0xEC00;
	s17 =	simm.s32 $0x1  }
0x6: {  	s18 =	simm.s32 $0x3;
	s19 =	simm.s32 $0x10C00;
	s20 =	simm.s32 $0x2  }
0x7: {  	s21 =	simm.s32 $0x4;
	s2 =	sand.u32 $0x1, s2;
	s4 =	sshll.u32 s4, $0x1  }
0x8: {  	s22 =	simm.s32 $0x12C00;
	[smem:$0x7FF] =	sst s3;
	s6 =	sor.u32 s2, s4  }
0x9: {  	s5 =	sadd.s32 $0x82C00, s0;
	s2 =	ssub.s32 $0x2, s2;
	s7 =	smul.u32 $0xC0, s6  }
0xa: {  	_ =	strace $0x8000004A;
	s4 =	sadd.s32 $0x1C00, s0;
	s8 =	sshrl.u32 s2, $0x1  }
0xb: {  	s6 =	sshll.u32 s6, $0xE;
	s2 =	ssub.s32 s2, s8;
	s1 =	sadd.s32 s1, s7  }
0xc: {  	v2 =	vlaneseq.u32;
	s0 =	sadd.s32 s7, s0;
	s31 =	smax.u32 s2, $0x1;
	[dreg:$0x4] =	wrdreg s1  }
0xd: {  	vm0 =	vmmov $0xffff;
	v1 =	vshrl.u32 v2, $0x3;
	s9 =	sadd.s32 s5, s6;
	s0 =	sadd.s32 $0x21C00, s0;
	[dreg:$0x6] =	wrdreg s31  }
0xe: {  	v0 =	vand.u32 $0x7, v2;
	v2 =	vor.u32 $0x8, v2;
	v1 =	vmul.u32 $0x8, v1;
	s10 =	sadd.s32 s10, s6;
	s2 =	simm.s32 $0x0;
	[dreg:$0x5] =	wrdreg s0  }
.LBB2_1:
0xf: {  	[dreg:$0x7] =	wrdreg s2  }
0x10: {  	s0 =	rddreg [dreg:$0x4];
	s1 =	simm.s32 $0x7  }
0x11: {  	[tilespmem:s3], [sflag:$0x7] =	stream.linear.gather [hbm4b:s0+s3], $0x600, $0x38;
	[tilespmem:$0x14C00] =	vst v63  }
0x12: {  	_ =	swait.ge [sflag:s1], $0x600  }
0x13: {  	[sflag:s1] =	ssyncset.done $0x0  }
0x14: {  	s7 =	rddreg [dreg:$0x5];
	[sflag:s1] =	ssyncadd.s32 $0xFFFFFA00  }
0x15: {  	[tilespmem:s13], [sflag:$0x7] =	stream.linear.gather [hbm4b:s7+s3], $0x600, $0x38;
	[tilespmem:$0x14C00] =	vst v63  }
0x16: {  	_ =	swait.ge [sflag:s1], $0x600  }
0x17: {  	[sflag:s1] =	ssyncset.done $0x0  }
0x18: {  	[sflag:s1] =	ssyncadd.s32 $0xFFFFFA00  }
0x19: {  	v3 =	vld [tilespmem:$0x0];
	_ =	sdelay $0x4  }
0x1a: {  	v4 =	vshll.u32 v3, $0x1  }
0x1b: {  	v3 =	vand.u32 $0x7, v3;
	v4 =	vand.u32 $0xFFFFFFF0, v4  }
0x1c: {  	v3 =	vor.u32 v3, v4  }
0x1d: {  	v4 =	vperm.xlane v3, v0;
	_ =	sdelay $0x1  }
0x1e: {  	v3 =	vperm.xlane v3, v2;
	v4 =	vadd.s32 v1, v4;
	_ =	sdelay $0x1  }
0x1f: {  	v3 =	vadd.s32 v1, v3;
	_ =	sdelay $0x1  }
0x20: {  	s8 =	simm.s32 $0xC00  }
0x21: {  	[tilespmem:s8], [sflag:$0x1] =	stream.indirect_vreg.gather [hbm4b:s4+s3], $0x80, v4, vm0, $0xb8;
	[tilespmem:$0x14C00] =	vst v63  }
0x22: {  	s11 =	simm.s32 $0x1400  }
0x23: {  	[tilespmem:s11], [sflag:$0x1] =	stream.indirect_vreg.gather [hbm4b:s4+s3], $0x80, v3, vm0, $0xb8;
	[tilespmem:$0x14C00] =	vst v63  }
0x24: {  	v3 =	vld [tilespmem:$0x10];
	_ =	sdelay $0x4  }
0x25: {  	v59 =	vshll.u32 v3, $0x1  }
0x26: {  	v3 =	vand.u32 $0x7, v3;
	v4 =	vand.u32 $0xFFFFFFF0, v59  }
0x27: {  	v3 =	vor.u32 v3, v4  }
0x28: {  	v4 =	vperm.xlane v3, v0;
	_ =	sdelay $0x1  }
0x29: {  	v3 =	vperm.xlane v3, v2;
	v4 =	vadd.s32 v1, v4;
	_ =	sdelay $0x1  }
0x2a: {  	v3 =	vadd.s32 v1, v3;
	_ =	sdelay $0x1  }
0x2b: {  	s12 =	simm.s32 $0x1C00  }
0x2c: {  	[tilespmem:s12], [sflag:$0x1] =	stream.indirect_vreg.gather [hbm4b:s4+s3], $0x80, v4, vm0, $0xb8;
	[tilespmem:$0x14C00] =	vst v63  }
0x2d: {  	s14 =	simm.s32 $0x2400  }
0x2e: {  	[tilespmem:s14], [sflag:$0x1] =	stream.indirect_vreg.gather [hbm4b:s4+s3], $0x80, v3, vm0, $0xb8;
	[tilespmem:$0x14C00] =	vst v63  }
0x2f: {  	v3 =	vld [tilespmem:$0x20];
	_ =	sdelay $0x4  }
0x30: {  	v60 =	vshll.u32 v3, $0x1  }
0x31: {  	v3 =	vand.u32 $0x7, v3;
	v4 =	vand.u32 $0xFFFFFFF0, v60  }
0x32: {  	v3 =	vor.u32 v3, v4  }
0x33: {  	v4 =	vperm.xlane v3, v0;
	_ =	sdelay $0x1  }
0x34: {  	v3 =	vperm.xlane v3, v2;
	v4 =	vadd.s32 v1, v4;
	_ =	sdelay $0x1  }
0x35: {  	v3 =	vadd.s32 v1, v3;
	_ =	sdelay $0x1  }
0x36: {  	s15 =	simm.s32 $0x2C00  }
0x37: {  	[tilespmem:s15], [sflag:$0x1] =	stream.indirect_vreg.gather [hbm4b:s4+s3], $0x80, v4, vm0, $0xb8;
	[tilespmem:$0x14C00] =	vst v63  }
0x38: {  	s23 =	simm.s32 $0x3400  }
0x39: {  	[tilespmem:s23], [sflag:$0x1] =	stream.indirect_vreg.gather [hbm4b:s4+s3], $0x80, v3, vm0, $0xb8;
	[tilespmem:$0x14C00] =	vst v63  }
0x3a: {  	v3 =	vld [tilespmem:$0x30];
	_ =	sdelay $0x4  }
0x3b: {  	v61 =	vshll.u32 v3, $0x1  }
0x3c: {  	v3 =	vand.u32 $0x7, v3;
	v4 =	vand.u32 $0xFFFFFFF0, v61  }
0x3d: {  	v3 =	vor.u32 v3, v4  }
0x3e: {  	v4 =	vperm.xlane v3, v0;
	_ =	sdelay $0x1  }
0x3f: {  	v3 =	vperm.xlane v3, v2;
	v4 =	vadd.s32 v1, v4;
	_ =	sdelay $0x1  }
0x40: {  	v3 =	vadd.s32 v1, v3;
	_ =	sdelay $0x1  }
0x41: {  	s24 =	simm.s32 $0x3C00  }
0x42: {  	[tilespmem:s24], [sflag:$0x1] =	stream.indirect_vreg.gather [hbm4b:s4+s3], $0x80, v4, vm0, $0xb8;
	[tilespmem:$0x14C00] =	vst v63  }
0x43: {  	s25 =	simm.s32 $0x4400  }
0x44: {  	[tilespmem:s25], [sflag:$0x1] =	stream.indirect_vreg.gather [hbm4b:s4+s3], $0x80, v3, vm0, $0xb8;
	[tilespmem:$0x14C00] =	vst v63  }
0x45: {  	v3 =	vld [tilespmem:$0x40];
	_ =	sdelay $0x4  }
0x46: {  	v62 =	vshll.u32 v3, $0x1  }
0x47: {  	v3 =	vand.u32 $0x7, v3;
	v4 =	vand.u32 $0xFFFFFFF0, v62  }
0x48: {  	v3 =	vor.u32 v3, v4  }
0x49: {  	v4 =	vperm.xlane v3, v0;
	_ =	sdelay $0x1  }
0x4a: {  	v3 =	vperm.xlane v3, v2;
	v4 =	vadd.s32 v1, v4;
	_ =	sdelay $0x1  }
0x4b: {  	v3 =	vadd.s32 v1, v3;
	_ =	sdelay $0x1  }
0x4c: {  	s26 =	simm.s32 $0x4C00  }
0x4d: {  	[tilespmem:s26], [sflag:$0x1] =	stream.indirect_vreg.gather [hbm4b:s4+s3], $0x80, v4, vm0, $0xb8;
	[tilespmem:$0x14C00] =	vst v63  }
0x4e: {  	s28 =	simm.s32 $0x5400  }
0x4f: {  	[tilespmem:s28], [sflag:$0x1] =	stream.indirect_vreg.gather [hbm4b:s4+s3], $0x80, v3, vm0, $0xb8;
	[tilespmem:$0x14C00] =	vst v63  }
0x50: {  	v3 =	vld [tilespmem:$0x50];
	_ =	sdelay $0x4  }
0x51: {  	v63 =	vshll.u32 v3, $0x1  }
0x52: {  	v3 =	vand.u32 $0x7, v3;
	v4 =	vand.u32 $0xFFFFFFF0, v63  }
0x53: {  	v3 =	vor.u32 v3, v4  }
0x54: {  	v4 =	vperm.xlane v3, v0;
	_ =	sdelay $0x1  }
0x55: {  	v3 =	vperm.xlane v3, v2;
	v4 =	vadd.s32 v1, v4;
	_ =	sdelay $0x1  }
0x56: {  	v3 =	vadd.s32 v1, v3;
	_ =	sdelay $0x1  }
0x57: {  	s29 =	simm.s32 $0x5C00  }
0x58: {  	[tilespmem:s29], [sflag:$0x1] =	stream.indirect_vreg.gather [hbm4b:s4+s3], $0x80, v4, vm0, $0xb8;
	[tilespmem:$0x14C00] =	vst v63  }
0x59: {  	s30 =	simm.s32 $0x6400;
	s31 =	simm.s32 $0xCC00  }
0x5a: {  	[tilespmem:s30], [sflag:$0x1] =	stream.indirect_vreg.gather [hbm4b:s4+s3], $0x80, v3, vm0, $0xb8;
	[tilespmem:$0x14C00] =	vst v63  }
0x5b: {  	s23 =	simm.s32 $0x62;
	s24 =	simm.s32 $0x2;
	s25 =	simm.s32 $0x0  }
0x5c: {  	[tilespmem:s31], [sflag:$0x3] =	stream.linear.gather [hbm4b:s9+s3], $0x2000, $0x38;
	[tilespmem:$0x14C00] =	vst v63  }
.LBB2_2:
0x5d: {  	s0 =	sshllo.u32 s25, $0x1  }
0x5e: {  	s1 =	smul.u32 $0x60, s0;
	_ =	sdelay $0x1  }
0x5f: {  	v3 =	vld [tilespmem:s1+$0x0];
	_ =	sdelay $0x4  }
0x60: {  	v4 =	vshll.u32 v3, $0x1  }
0x61: {  	v3 =	vand.u32 $0x7, v3;
	v4 =	vand.u32 $0xFFFFFFF0, v4  }
0x62: {  	v3 =	vor.u32 v3, v4  }
0x63: {  	v4 =	vperm.xlane v3, v0;
	_ =	sdelay $0x1  }
0x64: {  	v3 =	vperm.xlane v3, v2;
	v4 =	vadd.s32 v1, v4;
	_ =	sdelay $0x1  }
0x65: {  	v3 =	vadd.s32 v1, v3;
	_ =	sdelay $0x1  }
0x66: {  	s2 =	simm.s32 $0x6C00  }
0x67: {  	[tilespmem:s2], [sflag:$0x2] =	stream.indirect_vreg.gather [hbm4b:s4+s3], $0x80, v4, vm0, $0xb8;
	[tilespmem:$0x14C00] =	vst v63  }
0x68: {  	s15 =	simm.s32 $0x7400  }
0x69: {  	[tilespmem:s15], [sflag:$0x2] =	stream.indirect_vreg.gather [hbm4b:s4+s3], $0x80, v3, vm0, $0xb8;
	[tilespmem:$0x14C00] =	vst v63  }
0x6a: {  	v3 =	vld [tilespmem:s1+$0x10];
	_ =	sdelay $0x4  }
0x6b: {  	v4 =	vshll.u32 v3, $0x1  }
0x6c: {  	v3 =	vand.u32 $0x7, v3;
	v4 =	vand.u32 $0xFFFFFFF0, v4  }
0x6d: {  	v3 =	vor.u32 v3, v4  }
0x6e: {  	v4 =	vperm.xlane v3, v0;
	_ =	sdelay $0x1  }
0x6f: {  	v3 =	vperm.xlane v3, v2;
	v4 =	vadd.s32 v1, v4;
	_ =	sdelay $0x1  }
0x70: {  	v3 =	vadd.s32 v1, v3;
	_ =	sdelay $0x1  }
0x71: {  	s26 =	simm.s32 $0x7C00  }
0x72: {  	[tilespmem:s26], [sflag:$0x2] =	stream.indirect_vreg.gather [hbm4b:s4+s3], $0x80, v4, vm0, $0xb8;
	[tilespmem:$0x14C00] =	vst v63  }
0x73: {  	s7 =	simm.s32 $0x8400  }
0x74: {  	[tilespmem:s7], [sflag:$0x2] =	stream.indirect_vreg.gather [hbm4b:s4+s3], $0x80, v3, vm0, $0xb8;
	[tilespmem:$0x14C00] =	vst v63  }
0x75: {  	v3 =	vld [tilespmem:s1+$0x20];
	_ =	sdelay $0x4  }
0x76: {  	v4 =	vshll.u32 v3, $0x1  }
0x77: {  	v3 =	vand.u32 $0x7, v3;
	v4 =	vand.u32 $0xFFFFFFF0, v4  }
0x78: {  	v3 =	vor.u32 v3, v4  }
0x79: {  	v4 =	vperm.xlane v3, v0;
	_ =	sdelay $0x1  }
0x7a: {  	v3 =	vperm.xlane v3, v2;
	v4 =	vadd.s32 v1, v4;
	_ =	sdelay $0x1  }
0x7b: {  	v3 =	vadd.s32 v1, v3;
	_ =	sdelay $0x1  }
0x7c: {  	s8 =	simm.s32 $0x8C00  }
0x7d: {  	[tilespmem:s8], [sflag:$0x2] =	stream.indirect_vreg.gather [hbm4b:s4+s3], $0x80, v4, vm0, $0xb8;
	[tilespmem:$0x14C00] =	vst v63  }
0x7e: {  	s11 =	simm.s32 $0x9400  }
0x7f: {  	[tilespmem:s11], [sflag:$0x2] =	stream.indirect_vreg.gather [hbm4b:s4+s3], $0x80, v3, vm0, $0xb8;
	[tilespmem:$0x14C00] =	vst v63  }
0x80: {  	v3 =	vld [tilespmem:s1+$0x30];
	_ =	sdelay $0x4  }
0x81: {  	v4 =	vshll.u32 v3, $0x1  }
0x82: {  	v3 =	vand.u32 $0x7, v3;
	v4 =	vand.u32 $0xFFFFFFF0, v4  }
0x83: {  	v3 =	vor.u32 v3, v4  }
0x84: {  	v4 =	vperm.xlane v3, v0;
	_ =	sdelay $0x1  }
0x85: {  	v3 =	vperm.xlane v3, v2;
	v4 =	vadd.s32 v1, v4;
	_ =	sdelay $0x1  }
0x86: {  	v3 =	vadd.s32 v1, v3;
	_ =	sdelay $0x1  }
0x87: {  	s12 =	simm.s32 $0x9C00  }
0x88: {  	[tilespmem:s12], [sflag:$0x2] =	stream.indirect_vreg.gather [hbm4b:s4+s3], $0x80, v4, vm0, $0xb8;
	[tilespmem:$0x14C00] =	vst v63  }
0x89: {  	s14 =	simm.s32 $0xA400  }
0x8a: {  	[tilespmem:s14], [sflag:$0x2] =	stream.indirect_vreg.gather [hbm4b:s4+s3], $0x80, v3, vm0, $0xb8;
	[tilespmem:$0x14C00] =	vst v63  }
0x8b: {  	v3 =	vld [tilespmem:s1+$0x40];
	_ =	sdelay $0x4  }
0x8c: {  	v4 =	vshll.u32 v3, $0x1  }
0x8d: {  	v3 =	vand.u32 $0x7, v3;
	v4 =	vand.u32 $0xFFFFFFF0, v4  }
0x8e: {  	v3 =	vor.u32 v3, v4  }
0x8f: {  	v4 =	vperm.xlane v3, v0;
	_ =	sdelay $0x1  }
0x90: {  	v3 =	vperm.xlane v3, v2;
	v4 =	vadd.s32 v1, v4;
	_ =	sdelay $0x1  }
0x91: {  	v3 =	vadd.s32 v1, v3;
	_ =	sdelay $0x1  }
0x92: {  	s15 =	simm.s32 $0xAC00  }
0x93: {  	[tilespmem:s15], [sflag:$0x2] =	stream.indirect_vreg.gather [hbm4b:s4+s3], $0x80, v4, vm0, $0xb8;
	[tilespmem:$0x14C00] =	vst v63  }
0x94: {  	s26 =	simm.s32 $0xB400  }
0x95: {  	[tilespmem:s26], [sflag:$0x2] =	stream.indirect_vreg.gather [hbm4b:s4+s3], $0x80, v3, vm0, $0xb8;
	[tilespmem:$0x14C00] =	vst v63  }
0x96: {  	v3 =	vld [tilespmem:s1+$0x50];
	_ =	sdelay $0x4  }
0x97: {  	v4 =	vshll.u32 v3, $0x1  }
0x98: {  	v3 =	vand.u32 $0x7, v3;
	v4 =	vand.u32 $0xFFFFFFF0, v4  }
0x99: {  	v3 =	vor.u32 v3, v4  }
0x9a: {  	v4 =	vperm.xlane v3, v0;
	_ =	sdelay $0x1  }
0x9b: {  	v3 =	vperm.xlane v3, v2;
	v4 =	vadd.s32 v1, v4;
	_ =	sdelay $0x1  }
0x9c: {  	v3 =	vadd.s32 v1, v3;
	_ =	sdelay $0x1  }
0x9d: {  	s0 =	sshll.u32 s0, $0xA;
	s7 =	simm.s32 $0xBC00  }
0x9e: {  	[tilespmem:s7], [sflag:$0x2] =	stream.indirect_vreg.gather [hbm4b:s4+s3], $0x80, v4, vm0, $0xb8;
	[tilespmem:$0x14C00] =	vst v63  }
0x9f: {  	s8 =	simm.s32 $0xC400;
	s26 =	sadd.s32 s6, s0  }
0xa0: {  	[tilespmem:s8], [sflag:$0x2] =	stream.indirect_vreg.gather [hbm4b:s4+s3], $0x80, v3, vm0, $0xb8;
	[tilespmem:$0x14C00] =	vst v63  }
0xa1: {  	s0 =	sadd.s32 s5, s26  }
0xa2: {  	[tilespmem:s16], [sflag:$0x4] =	stream.linear.gather [hbm4b:s0+s3], $0x2000, $0x38;
	[tilespmem:$0x14C00] =	vst v63  }
0xa3: {  	_ =	swait.ge [sflag:s17], $0x6000  }
0xa4: {  	[sflag:s17] =	ssyncset.done $0x0  }
0xa5: {  	[sflag:s17] =	ssyncadd.s32 $0xFFFFA000  }
0xa6: {  	_ =	swait.ge [sflag:s18], $0x2000  }
0xa7: {  	p0 =	seq.s32 s25, $0x0;
	s11 =	sadd.s32 $0xFFFFFFFE, s24;
	[sflag:s18] =	ssyncset.done $0x0  }
0xa8: {  	s1 =	simm.s32 @!p0 $0x5;
	v3 =	vmov s11;
	[sflag:s18] =	ssyncadd.s32 $0xFFFFE000  }
0xa9: {  	s28 =	simm.s32 $0x0;
	s12 =	sadd.s32 $0xFFFFFFFF, s24;
	_ =	swait.ge @!p0 [sflag:s1], $0x2000  }
0xaa: {  	v5 =	vmov s12;
	s14 =	sand.u32 $0x380, s28;
	s15 =	sand.u32 $0x1800, s28;
	[sflag:s1] =	ssyncset.done @!p0 $0x0  }
0xab: {  	s29 =	sor.u32 s14, s15;
	[sflag:s1] =	ssyncadd.s32 @!p0 $0xFFFFE000  }
0xac: {  	v6 =	vmov s24;
	s2 =	sand.u32 $0x7800, s28;
	s7 =	sand.u32 $0x380, s28;
	v7 =	vld [tilespmem:s29+$0xCC00]  }
0xad: {  	s8 =	simm.s32 $0x100;
	s11 =	simm.s32 $0x80;
	s0 =	sor.u32 s7, s2;
	v4 =	vld.idx.msk [tilespmem:v3+s13+$0x0], $0xffff  }
0xae: {  	s2 =	sand.u32 $0x380, s11;
	s1 =	sand.u32 $0xF800, s8;
	v8 =	vld [tilespmem:s0+$0xC00]  }
0xaf: {  	s12 =	simm.s32 $0x200;
	s7 =	simm.s32 $0x100;
	s1 =	sor.u32 s2, s1;
	v3 =	vld.idx.msk [tilespmem:v5+s13+$0x0], $0xffff  }
0xb0: {  	s7 =	sand.u32 $0x380, s7;
	s2 =	sand.u32 $0xF800, s12;
	v9 =	vld [tilespmem:s1+$0xC00]  }
0xb1: {  	v5 =	vld.idx.msk [tilespmem:v6+s13+$0x0], $0xffff;
	s2 =	sor.u32 s7, s2  }
0xb2: {  	v6 =	vld [tilespmem:s2+$0xC00]  }
0xb3: {  	v8 =	vmul.f32 v8, v4;
	_ =	sdelay $0x1  }
0xb4: {  	v9 =	vmul.f32 v9, v3;
	v7 =	vadd.f32 v8, v7;
	_ =	sdelay $0x1  }
0xb5: {  	v6 =	vmul.f32 v6, v5;
	v7 =	vadd.f32 v9, v7;
	_ =	sdelay $0x1  }
0xb6: {  	v6 =	vadd.f32 v6, v7;
	_ =	sdelay $0x1  }
0xb7: {  	[tilespmem:s29+$0x10C00] =	vst v6  }
0xb8: {  	v6 =	vld [tilespmem:s0+$0xC10]  }
0xb9: {  	v7 =	vld [tilespmem:s29+$0xCC10]  }
0xba: {  	v8 =	vld [tilespmem:s1+$0xC10];
	_ =	sdelay $0x1  }
0xbb: {  	v9 =	vld [tilespmem:s2+$0xC10]  }
0xbc: {  	v6 =	vmul.f32 v6, v4;
	_ =	sdelay $0x1  }
0xbd: {  	v8 =	vmul.f32 v8, v3;
	v6 =	vadd.f32 v6, v7;
	_ =	sdelay $0x1  }
0xbe: {  	v7 =	vmul.f32 v9, v5;
	v6 =	vadd.f32 v8, v6;
	_ =	sdelay $0x1  }
0xbf: {  	v6 =	vadd.f32 v7, v6;
	_ =	sdelay $0x1  }
0xc0: {  	[tilespmem:s29+$0x10C10] =	vst v6  }
0xc1: {  	v6 =	vld [tilespmem:s0+$0xC20]  }
0xc2: {  	v7 =	vld [tilespmem:s29+$0xCC20]  }
0xc3: {  	v8 =	vld [tilespmem:s1+$0xC20];
	_ =	sdelay $0x1  }
0xc4: {  	v9 =	vld [tilespmem:s2+$0xC20]  }
0xc5: {  	v6 =	vmul.f32 v6, v4;
	_ =	sdelay $0x1  }
0xc6: {  	v8 =	vmul.f32 v8, v3;
	v6 =	vadd.f32 v6, v7;
	_ =	sdelay $0x1  }
0xc7: {  	v7 =	vmul.f32 v9, v5;
	v6 =	vadd.f32 v8, v6;
	_ =	sdelay $0x1  }
0xc8: {  	v6 =	vadd.f32 v7, v6;
	_ =	sdelay $0x1  }
0xc9: {  	[tilespmem:s29+$0x10C20] =	vst v6  }
0xca: {  	v6 =	vld [tilespmem:s0+$0xC30]  }
0xcb: {  	v7 =	vld [tilespmem:s29+$0xCC30]  }
0xcc: {  	v8 =	vld [tilespmem:s1+$0xC30];
	_ =	sdelay $0x1  }
0xcd: {  	v9 =	vld [tilespmem:s2+$0xC30]  }
0xce: {  	v6 =	vmul.f32 v6, v4;
	_ =	sdelay $0x1  }
0xcf: {  	v8 =	vmul.f32 v8, v3;
	v6 =	vadd.f32 v6, v7;
	_ =	sdelay $0x1  }
0xd0: {  	v7 =	vmul.f32 v9, v5;
	v6 =	vadd.f32 v8, v6;
	_ =	sdelay $0x1  }
0xd1: {  	v6 =	vadd.f32 v7, v6;
	_ =	sdelay $0x1  }
0xd2: {  	[tilespmem:s29+$0x10C30] =	vst v6  }
0xd3: {  	v6 =	vld [tilespmem:s0+$0xC40]  }
0xd4: {  	v7 =	vld [tilespmem:s29+$0xCC40]  }
0xd5: {  	v8 =	vld [tilespmem:s1+$0xC40];
	_ =	sdelay $0x1  }
0xd6: {  	v9 =	vld [tilespmem:s2+$0xC40]  }
0xd7: {  	v6 =	vmul.f32 v6, v4;
	_ =	sdelay $0x1  }
0xd8: {  	v8 =	vmul.f32 v8, v3;
	v6 =	vadd.f32 v6, v7;
	_ =	sdelay $0x1  }
0xd9: {  	v7 =	vmul.f32 v9, v5;
	v6 =	vadd.f32 v8, v6;
	_ =	sdelay $0x1  }
0xda: {  	v6 =	vadd.f32 v7, v6;
	_ =	sdelay $0x1  }
0xdb: {  	[tilespmem:s29+$0x10C40] =	vst v6  }
0xdc: {  	v6 =	vld [tilespmem:s0+$0xC50]  }
0xdd: {  	v7 =	vld [tilespmem:s29+$0xCC50]  }
0xde: {  	v8 =	vld [tilespmem:s1+$0xC50];
	_ =	sdelay $0x1  }
0xdf: {  	v9 =	vld [tilespmem:s2+$0xC50]  }
0xe0: {  	v6 =	vmul.f32 v6, v4;
	_ =	sdelay $0x1  }
0xe1: {  	v8 =	vmul.f32 v8, v3;
	v6 =	vadd.f32 v6, v7;
	_ =	sdelay $0x1  }
0xe2: {  	v7 =	vmul.f32 v9, v5;
	v6 =	vadd.f32 v8, v6;
	_ =	sdelay $0x1  }
0xe3: {  	v6 =	vadd.f32 v7, v6;
	_ =	sdelay $0x1  }
0xe4: {  	[tilespmem:s29+$0x10C50] =	vst v6  }
0xe5: {  	v6 =	vld [tilespmem:s0+$0xC60]  }
0xe6: {  	v7 =	vld [tilespmem:s29+$0xCC60]  }
0xe7: {  	v8 =	vld [tilespmem:s1+$0xC60];
	_ =	sdelay $0x1  }
0xe8: {  	v9 =	vld [tilespmem:s2+$0xC60]  }
0xe9: {  	v6 =	vmul.f32 v6, v4;
	_ =	sdelay $0x1  }
0xea: {  	v8 =	vmul.f32 v8, v3;
	v6 =	vadd.f32 v6, v7;
	_ =	sdelay $0x1  }
0xeb: {  	v7 =	vmul.f32 v9, v5;
	v6 =	vadd.f32 v8, v6;
	_ =	sdelay $0x1  }
0xec: {  	v6 =	vadd.f32 v7, v6;
	_ =	sdelay $0x1  }
0xed: {  	[tilespmem:s29+$0x10C60] =	vst v6  }
0xee: {  	v6 =	vld [tilespmem:s0+$0xC70]  }
0xef: {  	v7 =	vld [tilespmem:s29+$0xCC70]  }
0xf0: {  	v8 =	vld [tilespmem:s1+$0xC70];
	_ =	sdelay $0x1  }
0xf1: {  	v9 =	vld [tilespmem:s2+$0xC70]  }
0xf2: {  	v6 =	vmul.f32 v6, v4;
	_ =	sdelay $0x1  }
0xf3: {  	v8 =	vmul.f32 v8, v3;
	v6 =	vadd.f32 v6, v7;
	_ =	sdelay $0x1  }
0xf4: {  	v7 =	vmul.f32 v9, v5;
	v6 =	vadd.f32 v8, v6;
	_ =	sdelay $0x1  }
0xf5: {  	v6 =	vadd.f32 v7, v6;
	_ =	sdelay $0x1  }
0xf6: {  	[tilespmem:s29+$0x10C70] =	vst v6  }
0xf7: {  	v6 =	vld [tilespmem:s0+$0x1000]  }
0xf8: {  	v7 =	vld [tilespmem:s29+$0xD000]  }
0xf9: {  	v8 =	vld [tilespmem:s1+$0x1000];
	_ =	sdelay $0x1  }
0xfa: {  	v9 =	vld [tilespmem:s2+$0x1000]  }
0xfb: {  	v6 =	vmul.f32 v6, v4;
	_ =	sdelay $0x1  }
0xfc: {  	v8 =	vmul.f32 v8, v3;
	v6 =	vadd.f32 v6, v7;
	_ =	sdelay $0x1  }
0xfd: {  	v7 =	vmul.f32 v9, v5;
	v6 =	vadd.f32 v8, v6;
	_ =	sdelay $0x1  }
0xfe: {  	v6 =	vadd.f32 v7, v6;
	_ =	sdelay $0x1  }
0xff: {  	[tilespmem:s29+$0x11000] =	vst v6  }
0x100: {  	v6 =	vld [tilespmem:s0+$0x1010]  }
0x101: {  	v7 =	vld [tilespmem:s29+$0xD010]  }
0x102: {  	v8 =	vld [tilespmem:s1+$0x1010];
	_ =	sdelay $0x1  }
0x103: {  	v9 =	vld [tilespmem:s2+$0x1010]  }
0x104: {  	v6 =	vmul.f32 v6, v4;
	_ =	sdelay $0x1  }
0x105: {  	v8 =	vmul.f32 v8, v3;
	v6 =	vadd.f32 v6, v7;
	_ =	sdelay $0x1  }
0x106: {  	v7 =	vmul.f32 v9, v5;
	v6 =	vadd.f32 v8, v6;
	_ =	sdelay $0x1  }
0x107: {  	v6 =	vadd.f32 v7, v6;
	_ =	sdelay $0x1  }
0x108: {  	[tilespmem:s29+$0x11010] =	vst v6  }
0x109: {  	v6 =	vld [tilespmem:s0+$0x1020]  }
0x10a: {  	v7 =	vld [tilespmem:s29+$0xD020]  }
0x10b: {  	v8 =	vld [tilespmem:s1+$0x1020];
	_ =	sdelay $0x1  }
0x10c: {  	v9 =	vld [tilespmem:s2+$0x1020]  }
0x10d: {  	v6 =	vmul.f32 v6, v4;
	_ =	sdelay $0x1  }
0x10e: {  	v8 =	vmul.f32 v8, v3;
	v6 =	vadd.f32 v6, v7;
	_ =	sdelay $0x1  }
0x10f: {  	v7 =	vmul.f32 v9, v5;
	v6 =	vadd.f32 v8, v6;
	_ =	sdelay $0x1  }
0x110: {  	v6 =	vadd.f32 v7, v6;
	_ =	sdelay $0x1  }
0x111: {  	[tilespmem:s29+$0x11020] =	vst v6  }
0x112: {  	v6 =	vld [tilespmem:s0+$0x1030]  }
0x113: {  	v7 =	vld [tilespmem:s29+$0xD030]  }
0x114: {  	v8 =	vld [tilespmem:s1+$0x1030];
	_ =	sdelay $0x1  }
0x115: {  	v9 =	vld [tilespmem:s2+$0x1030]  }
0x116: {  	v6 =	vmul.f32 v6, v4;
	_ =	sdelay $0x1  }
0x117: {  	v8 =	vmul.f32 v8, v3;
	v6 =	vadd.f32 v6, v7;
	_ =	sdelay $0x1  }
0x118: {  	v7 =	vmul.f32 v9, v5;
	v6 =	vadd.f32 v8, v6;
	_ =	sdelay $0x1  }
0x119: {  	v6 =	vadd.f32 v7, v6;
	_ =	sdelay $0x1  }
0x11a: {  	[tilespmem:s29+$0x11030] =	vst v6  }
0x11b: {  	v6 =	vld [tilespmem:s0+$0x1040]  }
0x11c: {  	v7 =	vld [tilespmem:s29+$0xD040]  }
0x11d: {  	v8 =	vld [tilespmem:s1+$0x1040];
	_ =	sdelay $0x1  }
0x11e: {  	v9 =	vld [tilespmem:s2+$0x1040]  }
0x11f: {  	v6 =	vmul.f32 v6, v4;
	_ =	sdelay $0x1  }
0x120: {  	v8 =	vmul.f32 v8, v3;
	v6 =	vadd.f32 v6, v7;
	_ =	sdelay $0x1  }
0x121: {  	v7 =	vmul.f32 v9, v5;
	v6 =	vadd.f32 v8, v6;
	_ =	sdelay $0x1  }
0x122: {  	v6 =	vadd.f32 v7, v6;
	_ =	sdelay $0x1  }
0x123: {  	[tilespmem:s29+$0x11040] =	vst v6  }
0x124: {  	v6 =	vld [tilespmem:s0+$0x1050]  }
0x125: {  	v7 =	vld [tilespmem:s29+$0xD050]  }
0x126: {  	v8 =	vld [tilespmem:s1+$0x1050];
	_ =	sdelay $0x1  }
0x127: {  	v9 =	vld [tilespmem:s2+$0x1050]  }
0x128: {  	v6 =	vmul.f32 v6, v4;
	_ =	sdelay $0x1  }
0x129: {  	v8 =	vmul.f32 v8, v3;
	v6 =	vadd.f32 v6, v7;
	_ =	sdelay $0x1  }
0x12a: {  	v7 =	vmul.f32 v9, v5;
	v6 =	vadd.f32 v8, v6;
	_ =	sdelay $0x1  }
0x12b: {  	v6 =	vadd.f32 v7, v6;
	_ =	sdelay $0x1  }
0x12c: {  	[tilespmem:s29+$0x11050] =	vst v6  }
0x12d: {  	v6 =	vld [tilespmem:s0+$0x1060]  }
0x12e: {  	v7 =	vld [tilespmem:s29+$0xD060]  }
0x12f: {  	v8 =	vld [tilespmem:s1+$0x1060];
	_ =	sdelay $0x1  }
0x130: {  	v9 =	vld [tilespmem:s2+$0x1060]  }
0x131: {  	v6 =	vmul.f32 v6, v4;
	_ =	sdelay $0x1  }
0x132: {  	v8 =	vmul.f32 v8, v3;
	v6 =	vadd.f32 v6, v7;
	_ =	sdelay $0x1  }
0x133: {  	v7 =	vmul.f32 v9, v5;
	v6 =	vadd.f32 v8, v6;
	_ =	sdelay $0x1  }
0x134: {  	v6 =	vadd.f32 v7, v6;
	_ =	sdelay $0x1  }
0x135: {  	v8 =	vld [tilespmem:s29+$0xD070];
	[tilespmem:s29+$0x11060] =	vst v6  }
0x136: {  	v6 =	vld [tilespmem:s0+$0x1070]  }
0x137: {  	v7 =	vld [tilespmem:s1+$0x1070]  }
0x138: {  	v9 =	vld [tilespmem:s2+$0x1070];
	_ =	sdelay $0x1  }
0x139: {  	s31 =	sadd.s32 $0x3, s24  }
0x13a: {  	s14 =	sadd.s32 $0xFFFFFFFE, s31;
	v10 =	vmul.f32 v6, v4  }
0x13b: {  	s30 =	simm.s32 $0x180;
	s15 =	sadd.s32 $0xFFFFFFFF, s31;
	s7 =	simm.s32 $0x0;
	v6 =	vmov s14;
	v7 =	vmul.f32 v7, v3  }
0x13c: {  	s2 =	sshll.u32 s25, $0x1;
	s0 =	simm.s32 $0x300;
	s1 =	simm.s32 $0x0;
	v4 =	vmov s15;
	v3 =	vmul.f32 v9, v5;
	v8 =	vadd.f32 v10, v8  }
.LBB2_3:
0x13d: {  	s28 =	sadd.s32 $0x300, s28;
	s1 =	sadd.s32 $0x80, s1;
	s7 =	sadd.s32 $0x100, s7  }
0x13e: {  	v5 =	vmov s31;
	s12 =	sand.u32 $0x380, s30;
	s11 =	sand.u32 $0x380, s1;
	s8 =	sand.u32 $0x7800, s28;
	v7 =	vadd.f32 v7, v8  }
0x13f: {  	s14 =	sadd.s32 $0x80, s30;
	s8 =	sor.u32 s12, s8;
	s12 =	sadd.s32 $0x100, s28  }
0x140: {  	s15 =	sand.u32 $0x1800, s7;
	s14 =	sand.u32 $0x380, s14;
	s12 =	sand.u32 $0xF800, s12;
	v3 =	vadd.f32 v3, v7  }
0x141: {  	p1 =	sne.s32 s0, $0x2E80;
	s15 =	sor.u32 s11, s15;
	s11 =	sor.u32 s14, s12  }
0x142: {  	s12 =	smov.u32 s0;
	s0 =	sadd.s32 $0x180, s0;
	v7 =	vld [tilespmem:s15+$0xCC00];
	[tilespmem:s29+$0x11070] =	vst v3;
	s29 =	smov.u32 s15  }
0x143: {  	v3 =	vld.idx.msk [tilespmem:v4+s13+$0x0], $0xffff  }
0x144: {  	v4 =	vld.idx.msk [tilespmem:v6+s13+$0x0], $0xffff  }
0x145: {  	s14 =	sadd.s32 $0x200, s28;
	s15 =	sadd.s32 $0x100, s30;
	s30 =	smov.u32 s12;
	v6 =	vld [tilespmem:s8+$0xC00]  }
0x146: {  	s12 =	sand.u32 $0xF800, s14;
	s14 =	sand.u32 $0x380, s15;
	v8 =	vld [tilespmem:s11+$0xC00]  }
0x147: {  	s12 =	sor.u32 s14, s12;
	v5 =	vld.idx.msk [tilespmem:v5+s13+$0x0], $0xffff  }
0x148: {  	v9 =	vld [tilespmem:s12+$0xC00];
	_ =	sdelay $0x1  }
0x149: {  	v6 =	vmul.f32 v6, v4  }
0x14a: {  	v8 =	vmul.f32 v8, v3  }
0x14b: {  	v6 =	vadd.f32 v6, v7  }
0x14c: {  	v7 =	vmul.f32 v9, v5  }
0x14d: {  	v6 =	vadd.f32 v8, v6;
	_ =	sdelay $0x1  }
0x14e: {  	v6 =	vadd.f32 v7, v6;
	_ =	sdelay $0x1  }
0x14f: {  	[tilespmem:s29+$0x10C00] =	vst v6;
	v6 =	vld [tilespmem:s29+$0xCC10]  }
0x150: {  	v7 =	vld [tilespmem:s8+$0xC10]  }
0x151: {  	v8 =	vld [tilespmem:s11+$0xC10];
	_ =	sdelay $0x1  }
0x152: {  	v9 =	vld [tilespmem:s12+$0xC10];
	_ =	sdelay $0x1  }
0x153: {  	v7 =	vmul.f32 v7, v4  }
0x154: {  	v8 =	vmul.f32 v8, v3  }
0x155: {  	v6 =	vadd.f32 v7, v6  }
0x156: {  	v7 =	vmul.f32 v9, v5  }
0x157: {  	v6 =	vadd.f32 v8, v6;
	_ =	sdelay $0x1  }
0x158: {  	v6 =	vadd.f32 v7, v6;
	_ =	sdelay $0x1  }
0x159: {  	[tilespmem:s29+$0x10C10] =	vst v6;
	v6 =	vld [tilespmem:s29+$0xCC20]  }
0x15a: {  	v7 =	vld [tilespmem:s8+$0xC20]  }
0x15b: {  	v8 =	vld [tilespmem:s11+$0xC20];
	_ =	sdelay $0x1  }
0x15c: {  	v9 =	vld [tilespmem:s12+$0xC20];
	_ =	sdelay $0x1  }
0x15d: {  	v7 =	vmul.f32 v7, v4  }
0x15e: {  	v8 =	vmul.f32 v8, v3  }
0x15f: {  	v6 =	vadd.f32 v7, v6  }
0x160: {  	v7 =	vmul.f32 v9, v5  }
0x161: {  	v6 =	vadd.f32 v8, v6;
	_ =	sdelay $0x1  }
0x162: {  	v6 =	vadd.f32 v7, v6;
	_ =	sdelay $0x1  }
0x163: {  	[tilespmem:s29+$0x10C20] =	vst v6;
	v6 =	vld [tilespmem:s29+$0xCC30]  }
0x164: {  	v7 =	vld [tilespmem:s8+$0xC30]  }
0x165: {  	v8 =	vld [tilespmem:s11+$0xC30];
	_ =	sdelay $0x1  }
0x166: {  	v9 =	vld [tilespmem:s12+$0xC30];
	_ =	sdelay $0x1  }
0x167: {  	v7 =	vmul.f32 v7, v4  }
0x168: {  	v8 =	vmul.f32 v8, v3  }
0x169: {  	v6 =	vadd.f32 v7, v6  }
0x16a: {  	v7 =	vmul.f32 v9, v5  }
0x16b: {  	v6 =	vadd.f32 v8, v6;
	_ =	sdelay $0x1  }
0x16c: {  	v6 =	vadd.f32 v7, v6;
	_ =	sdelay $0x1  }
0x16d: {  	[tilespmem:s29+$0x10C30] =	vst v6;
	v6 =	vld [tilespmem:s29+$0xCC40]  }
0x16e: {  	v7 =	vld [tilespmem:s8+$0xC40]  }
0x16f: {  	v8 =	vld [tilespmem:s11+$0xC40];
	_ =	sdelay $0x1  }
0x170: {  	v9 =	vld [tilespmem:s12+$0xC40];
	_ =	sdelay $0x1  }
0x171: {  	v7 =	vmul.f32 v7, v4  }
0x172: {  	v8 =	vmul.f32 v8, v3  }
0x173: {  	v6 =	vadd.f32 v7, v6  }
0x174: {  	v7 =	vmul.f32 v9, v5  }
0x175: {  	v6 =	vadd.f32 v8, v6;
	_ =	sdelay $0x1  }
0x176: {  	v6 =	vadd.f32 v7, v6;
	_ =	sdelay $0x1  }
0x177: {  	[tilespmem:s29+$0x10C40] =	vst v6;
	v6 =	vld [tilespmem:s29+$0xCC50]  }
0x178: {  	v7 =	vld [tilespmem:s8+$0xC50]  }
0x179: {  	v8 =	vld [tilespmem:s11+$0xC50];
	_ =	sdelay $0x1  }
0x17a: {  	v9 =	vld [tilespmem:s12+$0xC50];
	_ =	sdelay $0x1  }
0x17b: {  	v7 =	vmul.f32 v7, v4  }
0x17c: {  	v8 =	vmul.f32 v8, v3  }
0x17d: {  	v6 =	vadd.f32 v7, v6  }
0x17e: {  	v7 =	vmul.f32 v9, v5  }
0x17f: {  	v6 =	vadd.f32 v8, v6;
	_ =	sdelay $0x1  }
0x180: {  	v6 =	vadd.f32 v7, v6;
	_ =	sdelay $0x1  }
0x181: {  	[tilespmem:s29+$0x10C50] =	vst v6;
	v6 =	vld [tilespmem:s29+$0xCC60]  }
0x182: {  	v7 =	vld [tilespmem:s8+$0xC60]  }
0x183: {  	v8 =	vld [tilespmem:s11+$0xC60];
	_ =	sdelay $0x1  }
0x184: {  	v9 =	vld [tilespmem:s12+$0xC60];
	_ =	sdelay $0x1  }
0x185: {  	v7 =	vmul.f32 v7, v4  }
0x186: {  	v8 =	vmul.f32 v8, v3  }
0x187: {  	v6 =	vadd.f32 v7, v6  }
0x188: {  	v7 =	vmul.f32 v9, v5  }
0x189: {  	v6 =	vadd.f32 v8, v6;
	_ =	sdelay $0x1  }
0x18a: {  	v6 =	vadd.f32 v7, v6;
	_ =	sdelay $0x1  }
0x18b: {  	[tilespmem:s29+$0x10C60] =	vst v6;
	v6 =	vld [tilespmem:s29+$0xCC70]  }
0x18c: {  	v7 =	vld [tilespmem:s8+$0xC70]  }
0x18d: {  	v8 =	vld [tilespmem:s11+$0xC70];
	_ =	sdelay $0x1  }
0x18e: {  	v9 =	vld [tilespmem:s12+$0xC70];
	_ =	sdelay $0x1  }
0x18f: {  	v7 =	vmul.f32 v7, v4  }
0x190: {  	v8 =	vmul.f32 v8, v3  }
0x191: {  	v6 =	vadd.f32 v7, v6  }
0x192: {  	v7 =	vmul.f32 v9, v5  }
0x193: {  	v6 =	vadd.f32 v8, v6;
	_ =	sdelay $0x1  }
0x194: {  	v6 =	vadd.f32 v7, v6;
	_ =	sdelay $0x1  }
0x195: {  	[tilespmem:s29+$0x10C70] =	vst v6;
	v6 =	vld [tilespmem:s29+$0xD000]  }
0x196: {  	v7 =	vld [tilespmem:s8+$0x1000]  }
0x197: {  	v8 =	vld [tilespmem:s11+$0x1000];
	_ =	sdelay $0x1  }
0x198: {  	v9 =	vld [tilespmem:s12+$0x1000];
	_ =	sdelay $0x1  }
0x199: {  	v7 =	vmul.f32 v7, v4  }
0x19a: {  	v8 =	vmul.f32 v8, v3  }
0x19b: {  	v6 =	vadd.f32 v7, v6  }
0x19c: {  	v7 =	vmul.f32 v9, v5  }
0x19d: {  	v6 =	vadd.f32 v8, v6;
	_ =	sdelay $0x1  }
0x19e: {  	v6 =	vadd.f32 v7, v6;
	_ =	sdelay $0x1  }
0x19f: {  	[tilespmem:s29+$0x11000] =	vst v6;
	v6 =	vld [tilespmem:s29+$0xD010]  }
0x1a0: {  	v7 =	vld [tilespmem:s8+$0x1010]  }
0x1a1: {  	v8 =	vld [tilespmem:s11+$0x1010]  }
0x1a2: {  	v9 =	vld [tilespmem:s12+$0x1010];
	_ =	sdelay $0x2  }
0x1a3: {  	v7 =	vmul.f32 v7, v4  }
0x1a4: {  	v8 =	vmul.f32 v8, v3  }
0x1a5: {  	v6 =	vadd.f32 v7, v6  }
0x1a6: {  	v7 =	vmul.f32 v9, v5  }
0x1a7: {  	v6 =	vadd.f32 v8, v6;
	_ =	sdelay $0x1  }
0x1a8: {  	v6 =	vadd.f32 v7, v6;
	_ =	sdelay $0x1  }
0x1a9: {  	[tilespmem:s29+$0x11010] =	vst v6;
	v6 =	vld [tilespmem:s29+$0xD020]  }
0x1aa: {  	v7 =	vld [tilespmem:s8+$0x1020]  }
0x1ab: {  	v8 =	vld [tilespmem:s11+$0x1020]  }
0x1ac: {  	v9 =	vld [tilespmem:s12+$0x1020];
	_ =	sdelay $0x2  }
0x1ad: {  	v7 =	vmul.f32 v7, v4  }
0x1ae: {  	v8 =	vmul.f32 v8, v3  }
0x1af: {  	v6 =	vadd.f32 v7, v6  }
0x1b0: {  	v7 =	vmul.f32 v9, v5  }
0x1b1: {  	v6 =	vadd.f32 v8, v6;
	_ =	sdelay $0x1  }
0x1b2: {  	v6 =	vadd.f32 v7, v6;
	_ =	sdelay $0x1  }
0x1b3: {  	[tilespmem:s29+$0x11020] =	vst v6;
	v6 =	vld [tilespmem:s29+$0xD030]  }
0x1b4: {  	v7 =	vld [tilespmem:s8+$0x1030]  }
0x1b5: {  	v8 =	vld [tilespmem:s11+$0x1030]  }
0x1b6: {  	v9 =	vld [tilespmem:s12+$0x1030];
	_ =	sdelay $0x2  }
0x1b7: {  	v7 =	vmul.f32 v7, v4  }
0x1b8: {  	v8 =	vmul.f32 v8, v3  }
0x1b9: {  	v6 =	vadd.f32 v7, v6  }
0x1ba: {  	v7 =	vmul.f32 v9, v5  }
0x1bb: {  	v6 =	vadd.f32 v8, v6;
	_ =	sdelay $0x1  }
0x1bc: {  	v6 =	vadd.f32 v7, v6;
	_ =	sdelay $0x1  }
0x1bd: {  	[tilespmem:s29+$0x11030] =	vst v6;
	v6 =	vld [tilespmem:s29+$0xD040]  }
0x1be: {  	v7 =	vld [tilespmem:s8+$0x1040]  }
0x1bf: {  	v8 =	vld [tilespmem:s11+$0x1040]  }
0x1c0: {  	v9 =	vld [tilespmem:s12+$0x1040];
	_ =	sdelay $0x2  }
0x1c1: {  	v7 =	vmul.f32 v7, v4  }
0x1c2: {  	v8 =	vmul.f32 v8, v3  }
0x1c3: {  	v6 =	vadd.f32 v7, v6  }
0x1c4: {  	v7 =	vmul.f32 v9, v5  }
0x1c5: {  	v6 =	vadd.f32 v8, v6;
	_ =	sdelay $0x1  }
0x1c6: {  	v6 =	vadd.f32 v7, v6;
	_ =	sdelay $0x1  }
0x1c7: {  	[tilespmem:s29+$0x11040] =	vst v6;
	v6 =	vld [tilespmem:s29+$0xD050]  }
0x1c8: {  	v7 =	vld [tilespmem:s8+$0x1050]  }
0x1c9: {  	v8 =	vld [tilespmem:s11+$0x1050]  }
0x1ca: {  	v9 =	vld [tilespmem:s12+$0x1050];
	_ =	sdelay $0x2  }
0x1cb: {  	v7 =	vmul.f32 v7, v4  }
0x1cc: {  	v8 =	vmul.f32 v8, v3  }
0x1cd: {  	v6 =	vadd.f32 v7, v6  }
0x1ce: {  	v7 =	vmul.f32 v9, v5  }
0x1cf: {  	v6 =	vadd.f32 v8, v6;
	_ =	sdelay $0x1  }
0x1d0: {  	v6 =	vadd.f32 v7, v6;
	_ =	sdelay $0x1  }
0x1d1: {  	[tilespmem:s29+$0x11050] =	vst v6;
	v6 =	vld [tilespmem:s29+$0xD060]  }
0x1d2: {  	v7 =	vld [tilespmem:s8+$0x1060]  }
0x1d3: {  	v8 =	vld [tilespmem:s11+$0x1060]  }
0x1d4: {  	v9 =	vld [tilespmem:s12+$0x1060];
	_ =	sdelay $0x2  }
0x1d5: {  	v7 =	vmul.f32 v7, v4  }
0x1d6: {  	v8 =	vmul.f32 v8, v3  }
0x1d7: {  	v6 =	vadd.f32 v7, v6  }
0x1d8: {  	v7 =	vmul.f32 v9, v5  }
0x1d9: {  	v6 =	vadd.f32 v8, v6;
	_ =	sdelay $0x1  }
0x1da: {  	v6 =	vadd.f32 v7, v6;
	_ =	sdelay $0x1  }
0x1db: {  	[tilespmem:s29+$0x11060] =	vst v6;
	v8 =	vld [tilespmem:s29+$0xD070]  }
0x1dc: {  	v7 =	vld [tilespmem:s8+$0x1070]  }
0x1dd: {  	v9 =	vld [tilespmem:s11+$0x1070]  }
0x1de: {  	v10 =	vld [tilespmem:s12+$0x1070]  }
.Ltmp0:
0x1df: {  	s31 =	sadd.s32 $0x3, s31;
	(pc) =	sbr.rel @p1 .LBB2_3-.Ltmp0, $4  }
0x1e0: {  	s8 =	sadd.s32 $0xFFFFFFFE, s31  }
0x1e1: {  	v6 =	vmov s8;
	v11 =	vmul.f32 v7, v4  }
0x1e2: {  	s8 =	sadd.s32 $0xFFFFFFFF, s31;
	v7 =	vmul.f32 v9, v3  }
0x1e3: {  	v4 =	vmov s8;
	v8 =	vadd.f32 v11, v8;
	v3 =	vmul.f32 v10, v5  }
0x1e4: {  	_ = 	snop  }
0x1e5: {  	v5 =	vadd.f32 v7, v8  }
0x1e6: {  	s0 =	sadd.s32 $0x80, s1;
	s12 =	sadd.s32 $0x100, s7  }
0x1e7: {  	s0 =	sand.u32 $0x380, s0;
	s1 =	sand.u32 $0x1800, s12;
	v3 =	vadd.f32 v3, v5  }
0x1e8: {  	s8 =	sadd.s32 $0x300, s28;
	s0 =	sor.u32 s0, s1  }
0x1e9: {  	v53 =	vmov s31;
	s15 =	sand.u32 $0x380, s30;
	s14 =	sand.u32 $0x7800, s8;
	v52 =	vld [tilespmem:s0+$0xCC00];
	[tilespmem:s29+$0x11070] =	vst v3  }
0x1ea: {  	s11 =	sadd.s32 $0x80, s30;
	s28 =	sadd.s32 $0x100, s8;
	s1 =	sor.u32 s15, s14;
	v3 =	vld.idx.msk [tilespmem:v6+s13+$0x0], $0xffff  }
0x1eb: {  	s11 =	sand.u32 $0x380, s11;
	s7 =	sand.u32 $0xF800, s28;
	v54 =	vld [tilespmem:s1+$0xC00]  }
0x1ec: {  	s8 =	sadd.s32 $0x200, s8;
	s7 =	sor.u32 s11, s7;
	s29 =	sadd.s32 $0x100, s30;
	v4 =	vld.idx.msk [tilespmem:v4+s13+$0x0], $0xffff  }
0x1ed: {  	s8 =	sand.u32 $0xF800, s8;
	v55 =	vld [tilespmem:s7+$0xC00];
	s11 =	sand.u32 $0x380, s29  }
0x1ee: {  	v5 =	vld.idx.msk [tilespmem:v53+s13+$0x0], $0xffff;
	s8 =	sor.u32 s11, s8  }
0x1ef: {  	v9 =	vld [tilespmem:s8+$0xC00]  }
0x1f0: {  	v6 =	vmul.f32 v54, v3;
	_ =	sdelay $0x1  }
0x1f1: {  	v8 =	vmul.f32 v55, v4;
	v6 =	vadd.f32 v6, v52;
	_ =	sdelay $0x1  }
0x1f2: {  	v56 =	vmul.f32 v9, v5;
	v6 =	vadd.f32 v8, v6;
	_ =	sdelay $0x1  }
0x1f3: {  	v6 =	vadd.f32 v56, v6;
	_ =	sdelay $0x1  }
0x1f4: {  	[tilespmem:s0+$0x10C00] =	vst v6  }
0x1f5: {  	v6 =	vld [tilespmem:s1+$0xC10]  }
0x1f6: {  	v57 =	vld [tilespmem:s0+$0xCC10]  }
0x1f7: {  	v58 =	vld [tilespmem:s7+$0xC10];
	_ =	sdelay $0x1  }
0x1f8: {  	v59 =	vld [tilespmem:s8+$0xC10]  }
0x1f9: {  	v6 =	vmul.f32 v6, v3;
	_ =	sdelay $0x1  }
0x1fa: {  	v8 =	vmul.f32 v58, v4;
	v6 =	vadd.f32 v6, v57;
	_ =	sdelay $0x1  }
0x1fb: {  	v60 =	vmul.f32 v59, v5;
	v6 =	vadd.f32 v8, v6;
	_ =	sdelay $0x1  }
0x1fc: {  	v6 =	vadd.f32 v60, v6;
	_ =	sdelay $0x1  }
0x1fd: {  	[tilespmem:s0+$0x10C10] =	vst v6  }
0x1fe: {  	v6 =	vld [tilespmem:s1+$0xC20]  }
0x1ff: {  	v61 =	vld [tilespmem:s0+$0xCC20]  }
0x200: {  	v62 =	vld [tilespmem:s7+$0xC20];
	_ =	sdelay $0x1  }
0x201: {  	v63 =	vld [tilespmem:s8+$0xC20]  }
0x202: {  	v6 =	vmul.f32 v6, v3;
	_ =	sdelay $0x1  }
0x203: {  	v8 =	vmul.f32 v62, v4;
	v6 =	vadd.f32 v6, v61;
	_ =	sdelay $0x1  }
0x204: {  	v12 =	vmul.f32 v63, v5;
	v6 =	vadd.f32 v8, v6;
	_ =	sdelay $0x1  }
0x205: {  	v6 =	vadd.f32 v12, v6;
	_ =	sdelay $0x1  }
0x206: {  	[tilespmem:s0+$0x10C20] =	vst v6  }
0x207: {  	v6 =	vld [tilespmem:s1+$0xC30]  }
0x208: {  	v13 =	vld [tilespmem:s0+$0xCC30]  }
0x209: {  	v14 =	vld [tilespmem:s7+$0xC30];
	_ =	sdelay $0x1  }
0x20a: {  	v15 =	vld [tilespmem:s8+$0xC30]  }
0x20b: {  	v6 =	vmul.f32 v6, v3;
	_ =	sdelay $0x1  }
0x20c: {  	v8 =	vmul.f32 v14, v4;
	v6 =	vadd.f32 v6, v13;
	_ =	sdelay $0x1  }
0x20d: {  	v16 =	vmul.f32 v15, v5;
	v6 =	vadd.f32 v8, v6;
	_ =	sdelay $0x1  }
0x20e: {  	v6 =	vadd.f32 v16, v6;
	_ =	sdelay $0x1  }
0x20f: {  	[tilespmem:s0+$0x10C30] =	vst v6  }
0x210: {  	v6 =	vld [tilespmem:s1+$0xC40]  }
0x211: {  	v17 =	vld [tilespmem:s0+$0xCC40]  }
0x212: {  	v18 =	vld [tilespmem:s7+$0xC40];
	_ =	sdelay $0x1  }
0x213: {  	v19 =	vld [tilespmem:s8+$0xC40]  }
0x214: {  	v6 =	vmul.f32 v6, v3;
	_ =	sdelay $0x1  }
0x215: {  	v8 =	vmul.f32 v18, v4;
	v6 =	vadd.f32 v6, v17;
	_ =	sdelay $0x1  }
0x216: {  	v20 =	vmul.f32 v19, v5;
	v6 =	vadd.f32 v8, v6;
	_ =	sdelay $0x1  }
0x217: {  	v6 =	vadd.f32 v20, v6;
	_ =	sdelay $0x1  }
0x218: {  	[tilespmem:s0+$0x10C40] =	vst v6  }
0x219: {  	v6 =	vld [tilespmem:s1+$0xC50]  }
0x21a: {  	v21 =	vld [tilespmem:s0+$0xCC50]  }
0x21b: {  	v22 =	vld [tilespmem:s7+$0xC50];
	_ =	sdelay $0x1  }
0x21c: {  	v23 =	vld [tilespmem:s8+$0xC50]  }
0x21d: {  	v6 =	vmul.f32 v6, v3;
	_ =	sdelay $0x1  }
0x21e: {  	v8 =	vmul.f32 v22, v4;
	v6 =	vadd.f32 v6, v21;
	_ =	sdelay $0x1  }
0x21f: {  	v24 =	vmul.f32 v23, v5;
	v6 =	vadd.f32 v8, v6;
	_ =	sdelay $0x1  }
0x220: {  	v6 =	vadd.f32 v24, v6;
	_ =	sdelay $0x1  }
0x221: {  	[tilespmem:s0+$0x10C50] =	vst v6  }
0x222: {  	v6 =	vld [tilespmem:s1+$0xC60]  }
0x223: {  	v25 =	vld [tilespmem:s0+$0xCC60]  }
0x224: {  	v26 =	vld [tilespmem:s7+$0xC60];
	_ =	sdelay $0x1  }
0x225: {  	v27 =	vld [tilespmem:s8+$0xC60]  }
0x226: {  	v6 =	vmul.f32 v6, v3;
	_ =	sdelay $0x1  }
0x227: {  	v8 =	vmul.f32 v26, v4;
	v6 =	vadd.f32 v6, v25;
	_ =	sdelay $0x1  }
0x228: {  	v28 =	vmul.f32 v27, v5;
	v6 =	vadd.f32 v8, v6;
	_ =	sdelay $0x1  }
0x229: {  	v6 =	vadd.f32 v28, v6;
	_ =	sdelay $0x1  }
0x22a: {  	[tilespmem:s0+$0x10C60] =	vst v6  }
0x22b: {  	v6 =	vld [tilespmem:s1+$0xC70]  }
0x22c: {  	v29 =	vld [tilespmem:s0+$0xCC70]  }
0x22d: {  	v30 =	vld [tilespmem:s7+$0xC70];
	_ =	sdelay $0x1  }
0x22e: {  	v31 =	vld [tilespmem:s8+$0xC70]  }
0x22f: {  	v6 =	vmul.f32 v6, v3;
	_ =	sdelay $0x1  }
0x230: {  	v8 =	vmul.f32 v30, v4;
	v6 =	vadd.f32 v6, v29;
	_ =	sdelay $0x1  }
0x231: {  	v32 =	vmul.f32 v31, v5;
	v6 =	vadd.f32 v8, v6;
	_ =	sdelay $0x1  }
0x232: {  	v6 =	vadd.f32 v32, v6;
	_ =	sdelay $0x1  }
0x233: {  	[tilespmem:s0+$0x10C70] =	vst v6  }
0x234: {  	v6 =	vld [tilespmem:s1+$0x1000]  }
0x235: {  	v33 =	vld [tilespmem:s0+$0xD000]  }
0x236: {  	v34 =	vld [tilespmem:s7+$0x1000];
	_ =	sdelay $0x1  }
0x237: {  	v35 =	vld [tilespmem:s8+$0x1000]  }
0x238: {  	v6 =	vmul.f32 v6, v3;
	_ =	sdelay $0x1  }
0x239: {  	v8 =	vmul.f32 v34, v4;
	v6 =	vadd.f32 v6, v33;
	_ =	sdelay $0x1  }
0x23a: {  	v36 =	vmul.f32 v35, v5;
	v6 =	vadd.f32 v8, v6;
	_ =	sdelay $0x1  }
0x23b: {  	v6 =	vadd.f32 v36, v6;
	_ =	sdelay $0x1  }
0x23c: {  	[tilespmem:s0+$0x11000] =	vst v6  }
0x23d: {  	v6 =	vld [tilespmem:s1+$0x1010]  }
0x23e: {  	v37 =	vld [tilespmem:s0+$0xD010]  }
0x23f: {  	v38 =	vld [tilespmem:s7+$0x1010];
	_ =	sdelay $0x1  }
0x240: {  	v39 =	vld [tilespmem:s8+$0x1010]  }
0x241: {  	v6 =	vmul.f32 v6, v3;
	_ =	sdelay $0x1  }
0x242: {  	v8 =	vmul.f32 v38, v4;
	v6 =	vadd.f32 v6, v37;
	_ =	sdelay $0x1  }
0x243: {  	v40 =	vmul.f32 v39, v5;
	v6 =	vadd.f32 v8, v6;
	_ =	sdelay $0x1  }
0x244: {  	v6 =	vadd.f32 v40, v6;
	_ =	sdelay $0x1  }
0x245: {  	[tilespmem:s0+$0x11010] =	vst v6  }
0x246: {  	v6 =	vld [tilespmem:s1+$0x1020]  }
0x247: {  	v41 =	vld [tilespmem:s0+$0xD020]  }
0x248: {  	v42 =	vld [tilespmem:s7+$0x1020];
	_ =	sdelay $0x1  }
0x249: {  	v43 =	vld [tilespmem:s8+$0x1020]  }
0x24a: {  	v6 =	vmul.f32 v6, v3;
	_ =	sdelay $0x1  }
0x24b: {  	v8 =	vmul.f32 v42, v4;
	v6 =	vadd.f32 v6, v41;
	_ =	sdelay $0x1  }
0x24c: {  	v44 =	vmul.f32 v43, v5;
	v6 =	vadd.f32 v8, v6;
	_ =	sdelay $0x1  }
0x24d: {  	v6 =	vadd.f32 v44, v6;
	_ =	sdelay $0x1  }
0x24e: {  	[tilespmem:s0+$0x11020] =	vst v6  }
0x24f: {  	v6 =	vld [tilespmem:s1+$0x1030]  }
0x250: {  	v45 =	vld [tilespmem:s0+$0xD030]  }
0x251: {  	v46 =	vld [tilespmem:s7+$0x1030];
	_ =	sdelay $0x1  }
0x252: {  	v47 =	vld [tilespmem:s8+$0x1030]  }
0x253: {  	v6 =	vmul.f32 v6, v3;
	_ =	sdelay $0x1  }
0x254: {  	v8 =	vmul.f32 v46, v4;
	v6 =	vadd.f32 v6, v45;
	_ =	sdelay $0x1  }
0x255: {  	v48 =	vmul.f32 v47, v5;
	v6 =	vadd.f32 v8, v6;
	_ =	sdelay $0x1  }
0x256: {  	v6 =	vadd.f32 v48, v6;
	_ =	sdelay $0x1  }
0x257: {  	[tilespmem:s0+$0x11030] =	vst v6  }
0x258: {  	v6 =	vld [tilespmem:s1+$0x1040]  }
0x259: {  	v49 =	vld [tilespmem:s0+$0xD040]  }
0x25a: {  	v50 =	vld [tilespmem:s7+$0x1040];
	_ =	sdelay $0x1  }
0x25b: {  	v51 =	vld [tilespmem:s8+$0x1040]  }
0x25c: {  	v6 =	vmul.f32 v6, v3;
	_ =	sdelay $0x1  }
0x25d: {  	v8 =	vmul.f32 v50, v4;
	v6 =	vadd.f32 v6, v49;
	_ =	sdelay $0x1  }
0x25e: {  	v52 =	vmul.f32 v51, v5;
	v6 =	vadd.f32 v8, v6;
	_ =	sdelay $0x1  }
0x25f: {  	v6 =	vadd.f32 v52, v6;
	_ =	sdelay $0x1  }
0x260: {  	[tilespmem:s0+$0x11040] =	vst v6  }
0x261: {  	v6 =	vld [tilespmem:s1+$0x1050]  }
0x262: {  	v53 =	vld [tilespmem:s0+$0xD050]  }
0x263: {  	v54 =	vld [tilespmem:s7+$0x1050];
	_ =	sdelay $0x1  }
0x264: {  	v55 =	vld [tilespmem:s8+$0x1050]  }
0x265: {  	v6 =	vmul.f32 v6, v3;
	_ =	sdelay $0x1  }
0x266: {  	v8 =	vmul.f32 v54, v4;
	v6 =	vadd.f32 v6, v53;
	_ =	sdelay $0x1  }
0x267: {  	v56 =	vmul.f32 v55, v5;
	v6 =	vadd.f32 v8, v6;
	_ =	sdelay $0x1  }
0x268: {  	v6 =	vadd.f32 v56, v6;
	_ =	sdelay $0x1  }
0x269: {  	[tilespmem:s0+$0x11050] =	vst v6  }
0x26a: {  	v6 =	vld [tilespmem:s1+$0x1060]  }
0x26b: {  	v57 =	vld [tilespmem:s0+$0xD060]  }
0x26c: {  	v58 =	vld [tilespmem:s7+$0x1060];
	_ =	sdelay $0x1  }
0x26d: {  	v59 =	vld [tilespmem:s8+$0x1060]  }
0x26e: {  	v6 =	vmul.f32 v6, v3;
	_ =	sdelay $0x1  }
0x26f: {  	v8 =	vmul.f32 v58, v4;
	v6 =	vadd.f32 v6, v57;
	_ =	sdelay $0x1  }
0x270: {  	v60 =	vmul.f32 v59, v5;
	v6 =	vadd.f32 v8, v6;
	_ =	sdelay $0x1  }
0x271: {  	v6 =	vadd.f32 v60, v6;
	_ =	sdelay $0x1  }
0x272: {  	[tilespmem:s0+$0x11060] =	vst v6  }
0x273: {  	v6 =	vld [tilespmem:s1+$0x1070]  }
0x274: {  	v61 =	vld [tilespmem:s0+$0xD070]  }
0x275: {  	v62 =	vld [tilespmem:s7+$0x1070];
	_ =	sdelay $0x1  }
0x276: {  	v63 =	vld [tilespmem:s8+$0x1070]  }
0x277: {  	v3 =	vmul.f32 v6, v3;
	_ =	sdelay $0x1  }
0x278: {  	v4 =	vmul.f32 v62, v4;
	v3 =	vadd.f32 v3, v61;
	_ =	sdelay $0x1  }
0x279: {  	p1 =	seq.s32 s25, $0x7;
	v5 =	vmul.f32 v63, v5;
	v3 =	vadd.f32 v4, v3  }
.Ltmp1:
0x27a: {  	_ = 	snop;
	(pc) =	sbr.rel @p1 .LBB2_6-.Ltmp1, $4  }
0x27b: {  	v3 =	vadd.f32 v5, v3  }
0x27c: {  	s30 =	sshll.u32 s25, $0xB  }
0x27d: {  	s31 =	sadd.s32 s30, s10;
	[tilespmem:s0+$0x11070] =	vst v3  }
0x27e: {  	[hbm4b:s31+s3] =	stream.linear.scatter [tilespmem:s19], [sflag:$0x5], $0x2000, $0x38;
	[tilespmem:$0x14C00] =	vst v63  }
0x27f: {  	s0 =	sadd.s32 $0x2, s2  }
0x280: {  	s1 =	smul.u32 $0x180, s0;
	_ =	sdelay $0x1  }
0x281: {  	s1 =	sshra.s32 s1, $0x2  }
0x282: {  	v3 =	vld [tilespmem:s1+$0x0];
	_ =	sdelay $0x4  }
0x283: {  	v4 =	vshll.u32 v3, $0x1  }
0x284: {  	v3 =	vand.u32 $0x7, v3;
	v4 =	vand.u32 $0xFFFFFFF0, v4  }
0x285: {  	v3 =	vor.u32 v3, v4  }
0x286: {  	v4 =	vperm.xlane v3, v0;
	_ =	sdelay $0x1  }
0x287: {  	v3 =	vperm.xlane v3, v2;
	v4 =	vadd.s32 v1, v4;
	_ =	sdelay $0x1  }
0x288: {  	v3 =	vadd.s32 v1, v3;
	_ =	sdelay $0x1  }
0x289: {  	s29 =	simm.s32 $0xC00  }
0x28a: {  	[tilespmem:s29], [sflag:$0x1] =	stream.indirect_vreg.gather [hbm4b:s4+s3], $0x80, v4, vm0, $0xb8;
	[tilespmem:$0x14C00] =	vst v63  }
0x28b: {  	s30 =	simm.s32 $0x1400  }
0x28c: {  	[tilespmem:s30], [sflag:$0x1] =	stream.indirect_vreg.gather [hbm4b:s4+s3], $0x80, v3, vm0, $0xb8;
	[tilespmem:$0x14C00] =	vst v63  }
0x28d: {  	v3 =	vld [tilespmem:s1+$0x10];
	_ =	sdelay $0x4  }
0x28e: {  	v59 =	vshll.u32 v3, $0x1  }
0x28f: {  	v3 =	vand.u32 $0x7, v3;
	v4 =	vand.u32 $0xFFFFFFF0, v59  }
0x290: {  	v3 =	vor.u32 v3, v4  }
0x291: {  	v4 =	vperm.xlane v3, v0;
	_ =	sdelay $0x1  }
0x292: {  	v3 =	vperm.xlane v3, v2;
	v4 =	vadd.s32 v1, v4;
	_ =	sdelay $0x1  }
0x293: {  	v3 =	vadd.s32 v1, v3;
	_ =	sdelay $0x1  }
0x294: {  	s31 =	simm.s32 $0x1C00  }
0x295: {  	[tilespmem:s31], [sflag:$0x1] =	stream.indirect_vreg.gather [hbm4b:s4+s3], $0x80, v4, vm0, $0xb8;
	[tilespmem:$0x14C00] =	vst v63  }
0x296: {  	s7 =	simm.s32 $0x2400  }
0x297: {  	[tilespmem:s7], [sflag:$0x1] =	stream.indirect_vreg.gather [hbm4b:s4+s3], $0x80, v3, vm0, $0xb8;
	[tilespmem:$0x14C00] =	vst v63  }
0x298: {  	v3 =	vld [tilespmem:s1+$0x20];
	_ =	sdelay $0x4  }
0x299: {  	v60 =	vshll.u32 v3, $0x1  }
0x29a: {  	v3 =	vand.u32 $0x7, v3;
	v4 =	vand.u32 $0xFFFFFFF0, v60  }
0x29b: {  	v3 =	vor.u32 v3, v4  }
0x29c: {  	v4 =	vperm.xlane v3, v0;
	_ =	sdelay $0x1  }
0x29d: {  	v3 =	vperm.xlane v3, v2;
	v4 =	vadd.s32 v1, v4;
	_ =	sdelay $0x1  }
0x29e: {  	v3 =	vadd.s32 v1, v3;
	_ =	sdelay $0x1  }
0x29f: {  	s8 =	simm.s32 $0x2C00  }
0x2a0: {  	[tilespmem:s8], [sflag:$0x1] =	stream.indirect_vreg.gather [hbm4b:s4+s3], $0x80, v4, vm0, $0xb8;
	[tilespmem:$0x14C00] =	vst v63  }
0x2a1: {  	s11 =	simm.s32 $0x3400  }
0x2a2: {  	[tilespmem:s11], [sflag:$0x1] =	stream.indirect_vreg.gather [hbm4b:s4+s3], $0x80, v3, vm0, $0xb8;
	[tilespmem:$0x14C00] =	vst v63  }
0x2a3: {  	v3 =	vld [tilespmem:s1+$0x30];
	_ =	sdelay $0x4  }
0x2a4: {  	v61 =	vshll.u32 v3, $0x1  }
0x2a5: {  	v3 =	vand.u32 $0x7, v3;
	v4 =	vand.u32 $0xFFFFFFF0, v61  }
0x2a6: {  	v3 =	vor.u32 v3, v4  }
0x2a7: {  	v4 =	vperm.xlane v3, v0;
	_ =	sdelay $0x1  }
0x2a8: {  	v3 =	vperm.xlane v3, v2;
	v4 =	vadd.s32 v1, v4;
	_ =	sdelay $0x1  }
0x2a9: {  	v3 =	vadd.s32 v1, v3;
	_ =	sdelay $0x1  }
0x2aa: {  	s12 =	simm.s32 $0x3C00  }
0x2ab: {  	[tilespmem:s12], [sflag:$0x1] =	stream.indirect_vreg.gather [hbm4b:s4+s3], $0x80, v4, vm0, $0xb8;
	[tilespmem:$0x14C00] =	vst v63  }
0x2ac: {  	s14 =	simm.s32 $0x4400  }
0x2ad: {  	[tilespmem:s14], [sflag:$0x1] =	stream.indirect_vreg.gather [hbm4b:s4+s3], $0x80, v3, vm0, $0xb8;
	[tilespmem:$0x14C00] =	vst v63  }
0x2ae: {  	v3 =	vld [tilespmem:s1+$0x40];
	_ =	sdelay $0x4  }
0x2af: {  	v62 =	vshll.u32 v3, $0x1  }
0x2b0: {  	v3 =	vand.u32 $0x7, v3;
	v4 =	vand.u32 $0xFFFFFFF0, v62  }
0x2b1: {  	v3 =	vor.u32 v3, v4  }
0x2b2: {  	v4 =	vperm.xlane v3, v0;
	_ =	sdelay $0x1  }
0x2b3: {  	v3 =	vperm.xlane v3, v2;
	v4 =	vadd.s32 v1, v4;
	_ =	sdelay $0x1  }
0x2b4: {  	v3 =	vadd.s32 v1, v3;
	_ =	sdelay $0x1  }
0x2b5: {  	s15 =	simm.s32 $0x4C00  }
0x2b6: {  	[tilespmem:s15], [sflag:$0x1] =	stream.indirect_vreg.gather [hbm4b:s4+s3], $0x80, v4, vm0, $0xb8;
	[tilespmem:$0x14C00] =	vst v63  }
0x2b7: {  	s28 =	simm.s32 $0x5400  }
0x2b8: {  	[tilespmem:s28], [sflag:$0x1] =	stream.indirect_vreg.gather [hbm4b:s4+s3], $0x80, v3, vm0, $0xb8;
	[tilespmem:$0x14C00] =	vst v63  }
0x2b9: {  	v3 =	vld [tilespmem:s1+$0x50];
	_ =	sdelay $0x4  }
0x2ba: {  	v63 =	vshll.u32 v3, $0x1  }
0x2bb: {  	v3 =	vand.u32 $0x7, v3;
	v4 =	vand.u32 $0xFFFFFFF0, v63  }
0x2bc: {  	v3 =	vor.u32 v3, v4  }
0x2bd: {  	v4 =	vperm.xlane v3, v0;
	_ =	sdelay $0x1  }
0x2be: {  	v3 =	vperm.xlane v3, v2;
	v4 =	vadd.s32 v1, v4;
	_ =	sdelay $0x1  }
0x2bf: {  	v3 =	vadd.s32 v1, v3;
	_ =	sdelay $0x1  }
0x2c0: {  	s29 =	simm.s32 $0x5C00  }
0x2c1: {  	[tilespmem:s29], [sflag:$0x1] =	stream.indirect_vreg.gather [hbm4b:s4+s3], $0x80, v4, vm0, $0xb8;
	[tilespmem:$0x14C00] =	vst v63  }
0x2c2: {  	s0 =	sshll.u32 s0, $0xA;
	s30 =	simm.s32 $0x6400  }
0x2c3: {  	[tilespmem:s30], [sflag:$0x1] =	stream.indirect_vreg.gather [hbm4b:s4+s3], $0x80, v3, vm0, $0xb8;
	[tilespmem:$0x14C00] =	vst v63  }
0x2c4: {  	s0 =	sadd.s32 s0, s9;
	s31 =	simm.s32 $0xCC00  }
0x2c5: {  	[tilespmem:s31], [sflag:$0x3] =	stream.linear.gather [hbm4b:s0+s3], $0x2000, $0x38;
	[tilespmem:$0x14C00] =	vst v63  }
.LBB2_6:
0x2c6: {  	_ =	swait.ge [sflag:s20], $0x6000  }
0x2c7: {  	[sflag:s20] =	ssyncset.done $0x0  }
0x2c8: {  	[sflag:s20] =	ssyncadd.s32 $0xFFFFA000  }
0x2c9: {  	_ =	swait.ge [sflag:s21], $0x2000  }
0x2ca: {  	s0 =	sadd.s32 $0xFFFFFFFE, s23;
	[sflag:s21] =	ssyncset.done $0x0  }
0x2cb: {  	s1 =	simm.s32 @!p0 $0x6;
	v3 =	vmov s0;
	[sflag:s21] =	ssyncadd.s32 $0xFFFFE000  }
0x2cc: {  	s2 =	simm.s32 $0x0;
	s15 =	sadd.s32 $0xFFFFFFFF, s23;
	_ =	swait.ge @!p0 [sflag:s1], $0x2000  }
0x2cd: {  	v4 =	vmov s15;
	s31 =	sand.u32 $0x380, s2;
	s7 =	sand.u32 $0x1800, s2;
	[sflag:s1] =	ssyncset.done @!p0 $0x0  }
0x2ce: {  	s28 =	sor.u32 s31, s7;
	[sflag:s1] =	ssyncadd.s32 @!p0 $0xFFFFE000  }
0x2cf: {  	v5 =	vmov s23;
	s8 =	sand.u32 $0x380, s2;
	s7 =	sand.u32 $0x7800, s2;
	v6 =	vld [tilespmem:s28+$0xEC00]  }
0x2d0: {  	s11 =	simm.s32 $0x100;
	s12 =	simm.s32 $0x80;
	s0 =	sor.u32 s8, s7;
	v3 =	vld.idx.msk [tilespmem:v3+s13+$0x0], $0xffff  }
0x2d1: {  	s7 =	sand.u32 $0x380, s12;
	s1 =	sand.u32 $0xF800, s11;
	v7 =	vld [tilespmem:s0+$0x6C00]  }
0x2d2: {  	s14 =	simm.s32 $0x200;
	s8 =	simm.s32 $0x100;
	s1 =	sor.u32 s7, s1;
	v4 =	vld.idx.msk [tilespmem:v4+s13+$0x0], $0xffff  }
0x2d3: {  	s8 =	sand.u32 $0x380, s8;
	s7 =	sand.u32 $0xF800, s14;
	v8 =	vld [tilespmem:s1+$0x6C00]  }
0x2d4: {  	v5 =	vld.idx.msk [tilespmem:v5+s13+$0x0], $0xffff;
	s7 =	sor.u32 s8, s7  }
0x2d5: {  	v9 =	vld [tilespmem:s7+$0x6C00]  }
0x2d6: {  	v7 =	vmul.f32 v7, v3;
	_ =	sdelay $0x1  }
0x2d7: {  	v8 =	vmul.f32 v8, v4;
	v6 =	vadd.f32 v7, v6;
	_ =	sdelay $0x1  }
0x2d8: {  	v7 =	vmul.f32 v9, v5;
	v6 =	vadd.f32 v8, v6;
	_ =	sdelay $0x1  }
0x2d9: {  	v6 =	vadd.f32 v7, v6;
	_ =	sdelay $0x1  }
0x2da: {  	[tilespmem:s28+$0x12C00] =	vst v6  }
0x2db: {  	v6 =	vld [tilespmem:s0+$0x6C10]  }
0x2dc: {  	v7 =	vld [tilespmem:s28+$0xEC10]  }
0x2dd: {  	v8 =	vld [tilespmem:s1+$0x6C10];
	_ =	sdelay $0x1  }
0x2de: {  	v9 =	vld [tilespmem:s7+$0x6C10]  }
0x2df: {  	v6 =	vmul.f32 v6, v3;
	_ =	sdelay $0x1  }
0x2e0: {  	v8 =	vmul.f32 v8, v4;
	v6 =	vadd.f32 v6, v7;
	_ =	sdelay $0x1  }
0x2e1: {  	v7 =	vmul.f32 v9, v5;
	v6 =	vadd.f32 v8, v6;
	_ =	sdelay $0x1  }
0x2e2: {  	v6 =	vadd.f32 v7, v6;
	_ =	sdelay $0x1  }
0x2e3: {  	[tilespmem:s28+$0x12C10] =	vst v6  }
0x2e4: {  	v6 =	vld [tilespmem:s0+$0x6C20]  }
0x2e5: {  	v7 =	vld [tilespmem:s28+$0xEC20]  }
0x2e6: {  	v8 =	vld [tilespmem:s1+$0x6C20];
	_ =	sdelay $0x1  }
0x2e7: {  	v9 =	vld [tilespmem:s7+$0x6C20]  }
0x2e8: {  	v6 =	vmul.f32 v6, v3;
	_ =	sdelay $0x1  }
0x2e9: {  	v8 =	vmul.f32 v8, v4;
	v6 =	vadd.f32 v6, v7;
	_ =	sdelay $0x1  }
0x2ea: {  	v7 =	vmul.f32 v9, v5;
	v6 =	vadd.f32 v8, v6;
	_ =	sdelay $0x1  }
0x2eb: {  	v6 =	vadd.f32 v7, v6;
	_ =	sdelay $0x1  }
0x2ec: {  	[tilespmem:s28+$0x12C20] =	vst v6  }
0x2ed: {  	v6 =	vld [tilespmem:s0+$0x6C30]  }
0x2ee: {  	v7 =	vld [tilespmem:s28+$0xEC30]  }
0x2ef: {  	v8 =	vld [tilespmem:s1+$0x6C30];
	_ =	sdelay $0x1  }
0x2f0: {  	v9 =	vld [tilespmem:s7+$0x6C30]  }
0x2f1: {  	v6 =	vmul.f32 v6, v3;
	_ =	sdelay $0x1  }
0x2f2: {  	v8 =	vmul.f32 v8, v4;
	v6 =	vadd.f32 v6, v7;
	_ =	sdelay $0x1  }
0x2f3: {  	v7 =	vmul.f32 v9, v5;
	v6 =	vadd.f32 v8, v6;
	_ =	sdelay $0x1  }
0x2f4: {  	v6 =	vadd.f32 v7, v6;
	_ =	sdelay $0x1  }
0x2f5: {  	[tilespmem:s28+$0x12C30] =	vst v6  }
0x2f6: {  	v6 =	vld [tilespmem:s0+$0x6C40]  }
0x2f7: {  	v7 =	vld [tilespmem:s28+$0xEC40]  }
0x2f8: {  	v8 =	vld [tilespmem:s1+$0x6C40];
	_ =	sdelay $0x1  }
0x2f9: {  	v9 =	vld [tilespmem:s7+$0x6C40]  }
0x2fa: {  	v6 =	vmul.f32 v6, v3;
	_ =	sdelay $0x1  }
0x2fb: {  	v8 =	vmul.f32 v8, v4;
	v6 =	vadd.f32 v6, v7;
	_ =	sdelay $0x1  }
0x2fc: {  	v7 =	vmul.f32 v9, v5;
	v6 =	vadd.f32 v8, v6;
	_ =	sdelay $0x1  }
0x2fd: {  	v6 =	vadd.f32 v7, v6;
	_ =	sdelay $0x1  }
0x2fe: {  	[tilespmem:s28+$0x12C40] =	vst v6  }
0x2ff: {  	v6 =	vld [tilespmem:s0+$0x6C50]  }
0x300: {  	v7 =	vld [tilespmem:s28+$0xEC50]  }
0x301: {  	v8 =	vld [tilespmem:s1+$0x6C50];
	_ =	sdelay $0x1  }
0x302: {  	v9 =	vld [tilespmem:s7+$0x6C50]  }
0x303: {  	v6 =	vmul.f32 v6, v3;
	_ =	sdelay $0x1  }
0x304: {  	v8 =	vmul.f32 v8, v4;
	v6 =	vadd.f32 v6, v7;
	_ =	sdelay $0x1  }
0x305: {  	v7 =	vmul.f32 v9, v5;
	v6 =	vadd.f32 v8, v6;
	_ =	sdelay $0x1  }
0x306: {  	v6 =	vadd.f32 v7, v6;
	_ =	sdelay $0x1  }
0x307: {  	[tilespmem:s28+$0x12C50] =	vst v6  }
0x308: {  	v6 =	vld [tilespmem:s0+$0x6C60]  }
0x309: {  	v7 =	vld [tilespmem:s28+$0xEC60]  }
0x30a: {  	v8 =	vld [tilespmem:s1+$0x6C60];
	_ =	sdelay $0x1  }
0x30b: {  	v9 =	vld [tilespmem:s7+$0x6C60]  }
0x30c: {  	v6 =	vmul.f32 v6, v3;
	_ =	sdelay $0x1  }
0x30d: {  	v8 =	vmul.f32 v8, v4;
	v6 =	vadd.f32 v6, v7;
	_ =	sdelay $0x1  }
0x30e: {  	v7 =	vmul.f32 v9, v5;
	v6 =	vadd.f32 v8, v6;
	_ =	sdelay $0x1  }
0x30f: {  	v6 =	vadd.f32 v7, v6;
	_ =	sdelay $0x1  }
0x310: {  	[tilespmem:s28+$0x12C60] =	vst v6  }
0x311: {  	v6 =	vld [tilespmem:s0+$0x6C70]  }
0x312: {  	v7 =	vld [tilespmem:s28+$0xEC70]  }
0x313: {  	v8 =	vld [tilespmem:s1+$0x6C70];
	_ =	sdelay $0x1  }
0x314: {  	v9 =	vld [tilespmem:s7+$0x6C70]  }
0x315: {  	v6 =	vmul.f32 v6, v3;
	_ =	sdelay $0x1  }
0x316: {  	v8 =	vmul.f32 v8, v4;
	v6 =	vadd.f32 v6, v7;
	_ =	sdelay $0x1  }
0x317: {  	v7 =	vmul.f32 v9, v5;
	v6 =	vadd.f32 v8, v6;
	_ =	sdelay $0x1  }
0x318: {  	v6 =	vadd.f32 v7, v6;
	_ =	sdelay $0x1  }
0x319: {  	[tilespmem:s28+$0x12C70] =	vst v6  }
0x31a: {  	v6 =	vld [tilespmem:s0+$0x7000]  }
0x31b: {  	v7 =	vld [tilespmem:s28+$0xF000]  }
0x31c: {  	v8 =	vld [tilespmem:s1+$0x7000];
	_ =	sdelay $0x1  }
0x31d: {  	v9 =	vld [tilespmem:s7+$0x7000]  }
0x31e: {  	v6 =	vmul.f32 v6, v3;
	_ =	sdelay $0x1  }
0x31f: {  	v8 =	vmul.f32 v8, v4;
	v6 =	vadd.f32 v6, v7;
	_ =	sdelay $0x1  }
0x320: {  	v7 =	vmul.f32 v9, v5;
	v6 =	vadd.f32 v8, v6;
	_ =	sdelay $0x1  }
0x321: {  	v6 =	vadd.f32 v7, v6;
	_ =	sdelay $0x1  }
0x322: {  	[tilespmem:s28+$0x13000] =	vst v6  }
0x323: {  	v6 =	vld [tilespmem:s0+$0x7010]  }
0x324: {  	v7 =	vld [tilespmem:s28+$0xF010]  }
0x325: {  	v8 =	vld [tilespmem:s1+$0x7010];
	_ =	sdelay $0x1  }
0x326: {  	v9 =	vld [tilespmem:s7+$0x7010]  }
0x327: {  	v6 =	vmul.f32 v6, v3;
	_ =	sdelay $0x1  }
0x328: {  	v8 =	vmul.f32 v8, v4;
	v6 =	vadd.f32 v6, v7;
	_ =	sdelay $0x1  }
0x329: {  	v7 =	vmul.f32 v9, v5;
	v6 =	vadd.f32 v8, v6;
	_ =	sdelay $0x1  }
0x32a: {  	v6 =	vadd.f32 v7, v6;
	_ =	sdelay $0x1  }
0x32b: {  	[tilespmem:s28+$0x13010] =	vst v6  }
0x32c: {  	v6 =	vld [tilespmem:s0+$0x7020]  }
0x32d: {  	v7 =	vld [tilespmem:s28+$0xF020]  }
0x32e: {  	v8 =	vld [tilespmem:s1+$0x7020];
	_ =	sdelay $0x1  }
0x32f: {  	v9 =	vld [tilespmem:s7+$0x7020]  }
0x330: {  	v6 =	vmul.f32 v6, v3;
	_ =	sdelay $0x1  }
0x331: {  	v8 =	vmul.f32 v8, v4;
	v6 =	vadd.f32 v6, v7;
	_ =	sdelay $0x1  }
0x332: {  	v7 =	vmul.f32 v9, v5;
	v6 =	vadd.f32 v8, v6;
	_ =	sdelay $0x1  }
0x333: {  	v6 =	vadd.f32 v7, v6;
	_ =	sdelay $0x1  }
0x334: {  	[tilespmem:s28+$0x13020] =	vst v6  }
0x335: {  	v6 =	vld [tilespmem:s0+$0x7030]  }
0x336: {  	v7 =	vld [tilespmem:s28+$0xF030]  }
0x337: {  	v8 =	vld [tilespmem:s1+$0x7030];
	_ =	sdelay $0x1  }
0x338: {  	v9 =	vld [tilespmem:s7+$0x7030]  }
0x339: {  	v6 =	vmul.f32 v6, v3;
	_ =	sdelay $0x1  }
0x33a: {  	v8 =	vmul.f32 v8, v4;
	v6 =	vadd.f32 v6, v7;
	_ =	sdelay $0x1  }
0x33b: {  	v7 =	vmul.f32 v9, v5;
	v6 =	vadd.f32 v8, v6;
	_ =	sdelay $0x1  }
0x33c: {  	v6 =	vadd.f32 v7, v6;
	_ =	sdelay $0x1  }
0x33d: {  	[tilespmem:s28+$0x13030] =	vst v6  }
0x33e: {  	v6 =	vld [tilespmem:s0+$0x7040]  }
0x33f: {  	v7 =	vld [tilespmem:s28+$0xF040]  }
0x340: {  	v8 =	vld [tilespmem:s1+$0x7040];
	_ =	sdelay $0x1  }
0x341: {  	v9 =	vld [tilespmem:s7+$0x7040]  }
0x342: {  	v6 =	vmul.f32 v6, v3;
	_ =	sdelay $0x1  }
0x343: {  	v8 =	vmul.f32 v8, v4;
	v6 =	vadd.f32 v6, v7;
	_ =	sdelay $0x1  }
0x344: {  	v7 =	vmul.f32 v9, v5;
	v6 =	vadd.f32 v8, v6;
	_ =	sdelay $0x1  }
0x345: {  	v6 =	vadd.f32 v7, v6;
	_ =	sdelay $0x1  }
0x346: {  	[tilespmem:s28+$0x13040] =	vst v6  }
0x347: {  	v6 =	vld [tilespmem:s0+$0x7050]  }
0x348: {  	v7 =	vld [tilespmem:s28+$0xF050]  }
0x349: {  	v8 =	vld [tilespmem:s1+$0x7050];
	_ =	sdelay $0x1  }
0x34a: {  	v9 =	vld [tilespmem:s7+$0x7050]  }
0x34b: {  	v6 =	vmul.f32 v6, v3;
	_ =	sdelay $0x1  }
0x34c: {  	v8 =	vmul.f32 v8, v4;
	v6 =	vadd.f32 v6, v7;
	_ =	sdelay $0x1  }
0x34d: {  	v7 =	vmul.f32 v9, v5;
	v6 =	vadd.f32 v8, v6;
	_ =	sdelay $0x1  }
0x34e: {  	v6 =	vadd.f32 v7, v6;
	_ =	sdelay $0x1  }
0x34f: {  	[tilespmem:s28+$0x13050] =	vst v6  }
0x350: {  	v6 =	vld [tilespmem:s0+$0x7060]  }
0x351: {  	v7 =	vld [tilespmem:s28+$0xF060]  }
0x352: {  	v8 =	vld [tilespmem:s1+$0x7060];
	_ =	sdelay $0x1  }
0x353: {  	v9 =	vld [tilespmem:s7+$0x7060]  }
0x354: {  	v6 =	vmul.f32 v6, v3;
	_ =	sdelay $0x1  }
0x355: {  	v8 =	vmul.f32 v8, v4;
	v6 =	vadd.f32 v6, v7;
	_ =	sdelay $0x1  }
0x356: {  	v7 =	vmul.f32 v9, v5;
	v6 =	vadd.f32 v8, v6;
	_ =	sdelay $0x1  }
0x357: {  	v6 =	vadd.f32 v7, v6;
	_ =	sdelay $0x1  }
0x358: {  	v8 =	vld [tilespmem:s28+$0xF070];
	[tilespmem:s28+$0x13060] =	vst v6  }
0x359: {  	v6 =	vld [tilespmem:s0+$0x7070]  }
0x35a: {  	v7 =	vld [tilespmem:s1+$0x7070]  }
0x35b: {  	v9 =	vld [tilespmem:s7+$0x7070];
	_ =	sdelay $0x1  }
0x35c: {  	s30 =	sadd.s32 $0x3, s23  }
0x35d: {  	s15 =	sadd.s32 $0xFFFFFFFE, s30;
	v3 =	vmul.f32 v6, v3  }
0x35e: {  	s29 =	simm.s32 $0x180;
	s31 =	sadd.s32 $0xFFFFFFFF, s30;
	v6 =	vmov s15;
	v7 =	vmul.f32 v7, v4  }
0x35f: {  	s0 =	simm.s32 $0x300;
	s1 =	simm.s32 $0x0;
	s7 =	simm.s32 $0x0;
	v4 =	vmov s31;
	v8 =	vadd.f32 v3, v8;
	v3 =	vmul.f32 v9, v5  }
.LBB2_7:
0x360: {  	s2 =	sadd.s32 $0x300, s2;
	s1 =	sadd.s32 $0x80, s1;
	s7 =	sadd.s32 $0x100, s7  }
0x361: {  	v5 =	vmov s30;
	s12 =	sand.u32 $0x380, s29;
	s11 =	sand.u32 $0x380, s1;
	s8 =	sand.u32 $0x7800, s2;
	v7 =	vadd.f32 v7, v8  }
0x362: {  	s14 =	sadd.s32 $0x80, s29;
	s8 =	sor.u32 s12, s8;
	s12 =	sadd.s32 $0x100, s2  }
0x363: {  	s15 =	sand.u32 $0x1800, s7;
	s14 =	sand.u32 $0x380, s14;
	s12 =	sand.u32 $0xF800, s12;
	v3 =	vadd.f32 v3, v7  }
0x364: {  	p0 =	sne.s32 s0, $0x2E80;
	s15 =	sor.u32 s11, s15;
	s11 =	sor.u32 s14, s12  }
0x365: {  	s12 =	smov.u32 s0;
	s0 =	sadd.s32 $0x180, s0;
	v7 =	vld [tilespmem:s15+$0xEC00];
	[tilespmem:s28+$0x13070] =	vst v3;
	s28 =	smov.u32 s15  }
0x366: {  	v3 =	vld.idx.msk [tilespmem:v4+s13+$0x0], $0xffff  }
0x367: {  	v4 =	vld.idx.msk [tilespmem:v6+s13+$0x0], $0xffff  }
0x368: {  	s14 =	sadd.s32 $0x200, s2;
	s15 =	sadd.s32 $0x100, s29;
	s29 =	smov.u32 s12;
	v6 =	vld [tilespmem:s8+$0x6C00]  }
0x369: {  	s12 =	sand.u32 $0xF800, s14;
	s14 =	sand.u32 $0x380, s15;
	v8 =	vld [tilespmem:s11+$0x6C00]  }
0x36a: {  	s12 =	sor.u32 s14, s12;
	v5 =	vld.idx.msk [tilespmem:v5+s13+$0x0], $0xffff  }
0x36b: {  	v9 =	vld [tilespmem:s12+$0x6C00];
	_ =	sdelay $0x1  }
0x36c: {  	v6 =	vmul.f32 v6, v4  }
0x36d: {  	v8 =	vmul.f32 v8, v3  }
0x36e: {  	v6 =	vadd.f32 v6, v7  }
0x36f: {  	v7 =	vmul.f32 v9, v5  }
0x370: {  	v6 =	vadd.f32 v8, v6;
	_ =	sdelay $0x1  }
0x371: {  	v6 =	vadd.f32 v7, v6;
	_ =	sdelay $0x1  }
0x372: {  	[tilespmem:s28+$0x12C00] =	vst v6;
	v6 =	vld [tilespmem:s28+$0xEC10]  }
0x373: {  	v7 =	vld [tilespmem:s8+$0x6C10]  }
0x374: {  	v8 =	vld [tilespmem:s11+$0x6C10];
	_ =	sdelay $0x1  }
0x375: {  	v9 =	vld [tilespmem:s12+$0x6C10];
	_ =	sdelay $0x1  }
0x376: {  	v7 =	vmul.f32 v7, v4  }
0x377: {  	v8 =	vmul.f32 v8, v3  }
0x378: {  	v6 =	vadd.f32 v7, v6  }
0x379: {  	v7 =	vmul.f32 v9, v5  }
0x37a: {  	v6 =	vadd.f32 v8, v6;
	_ =	sdelay $0x1  }
0x37b: {  	v6 =	vadd.f32 v7, v6;
	_ =	sdelay $0x1  }
0x37c: {  	[tilespmem:s28+$0x12C10] =	vst v6;
	v6 =	vld [tilespmem:s28+$0xEC20]  }
0x37d: {  	v7 =	vld [tilespmem:s8+$0x6C20]  }
0x37e: {  	v8 =	vld [tilespmem:s11+$0x6C20];
	_ =	sdelay $0x1  }
0x37f: {  	v9 =	vld [tilespmem:s12+$0x6C20];
	_ =	sdelay $0x1  }
0x380: {  	v7 =	vmul.f32 v7, v4  }
0x381: {  	v8 =	vmul.f32 v8, v3  }
0x382: {  	v6 =	vadd.f32 v7, v6  }
0x383: {  	v7 =	vmul.f32 v9, v5  }
0x384: {  	v6 =	vadd.f32 v8, v6;
	_ =	sdelay $0x1  }
0x385: {  	v6 =	vadd.f32 v7, v6;
	_ =	sdelay $0x1  }
0x386: {  	[tilespmem:s28+$0x12C20] =	vst v6;
	v6 =	vld [tilespmem:s28+$0xEC30]  }
0x387: {  	v7 =	vld [tilespmem:s8+$0x6C30]  }
0x388: {  	v8 =	vld [tilespmem:s11+$0x6C30];
	_ =	sdelay $0x1  }
0x389: {  	v9 =	vld [tilespmem:s12+$0x6C30];
	_ =	sdelay $0x1  }
0x38a: {  	v7 =	vmul.f32 v7, v4  }
0x38b: {  	v8 =	vmul.f32 v8, v3  }
0x38c: {  	v6 =	vadd.f32 v7, v6  }
0x38d: {  	v7 =	vmul.f32 v9, v5  }
0x38e: {  	v6 =	vadd.f32 v8, v6;
	_ =	sdelay $0x1  }
0x38f: {  	v6 =	vadd.f32 v7, v6;
	_ =	sdelay $0x1  }
0x390: {  	[tilespmem:s28+$0x12C30] =	vst v6;
	v6 =	vld [tilespmem:s28+$0xEC40]  }
0x391: {  	v7 =	vld [tilespmem:s8+$0x6C40]  }
0x392: {  	v8 =	vld [tilespmem:s11+$0x6C40];
	_ =	sdelay $0x1  }
0x393: {  	v9 =	vld [tilespmem:s12+$0x6C40];
	_ =	sdelay $0x1  }
0x394: {  	v7 =	vmul.f32 v7, v4  }
0x395: {  	v8 =	vmul.f32 v8, v3  }
0x396: {  	v6 =	vadd.f32 v7, v6  }
0x397: {  	v7 =	vmul.f32 v9, v5  }
0x398: {  	v6 =	vadd.f32 v8, v6;
	_ =	sdelay $0x1  }
0x399: {  	v6 =	vadd.f32 v7, v6;
	_ =	sdelay $0x1  }
0x39a: {  	[tilespmem:s28+$0x12C40] =	vst v6;
	v6 =	vld [tilespmem:s28+$0xEC50]  }
0x39b: {  	v7 =	vld [tilespmem:s8+$0x6C50]  }
0x39c: {  	v8 =	vld [tilespmem:s11+$0x6C50];
	_ =	sdelay $0x1  }
0x39d: {  	v9 =	vld [tilespmem:s12+$0x6C50];
	_ =	sdelay $0x1  }
0x39e: {  	v7 =	vmul.f32 v7, v4  }
0x39f: {  	v8 =	vmul.f32 v8, v3  }
0x3a0: {  	v6 =	vadd.f32 v7, v6  }
0x3a1: {  	v7 =	vmul.f32 v9, v5  }
0x3a2: {  	v6 =	vadd.f32 v8, v6;
	_ =	sdelay $0x1  }
0x3a3: {  	v6 =	vadd.f32 v7, v6;
	_ =	sdelay $0x1  }
0x3a4: {  	[tilespmem:s28+$0x12C50] =	vst v6;
	v6 =	vld [tilespmem:s28+$0xEC60]  }
0x3a5: {  	v7 =	vld [tilespmem:s8+$0x6C60]  }
0x3a6: {  	v8 =	vld [tilespmem:s11+$0x6C60];
	_ =	sdelay $0x1  }
0x3a7: {  	v9 =	vld [tilespmem:s12+$0x6C60];
	_ =	sdelay $0x1  }
0x3a8: {  	v7 =	vmul.f32 v7, v4  }
0x3a9: {  	v8 =	vmul.f32 v8, v3  }
0x3aa: {  	v6 =	vadd.f32 v7, v6  }
0x3ab: {  	v7 =	vmul.f32 v9, v5  }
0x3ac: {  	v6 =	vadd.f32 v8, v6;
	_ =	sdelay $0x1  }
0x3ad: {  	v6 =	vadd.f32 v7, v6;
	_ =	sdelay $0x1  }
0x3ae: {  	[tilespmem:s28+$0x12C60] =	vst v6;
	v6 =	vld [tilespmem:s28+$0xEC70]  }
0x3af: {  	v7 =	vld [tilespmem:s8+$0x6C70]  }
0x3b0: {  	v8 =	vld [tilespmem:s11+$0x6C70];
	_ =	sdelay $0x1  }
0x3b1: {  	v9 =	vld [tilespmem:s12+$0x6C70];
	_ =	sdelay $0x1  }
0x3b2: {  	v7 =	vmul.f32 v7, v4  }
0x3b3: {  	v8 =	vmul.f32 v8, v3  }
0x3b4: {  	v6 =	vadd.f32 v7, v6  }
0x3b5: {  	v7 =	vmul.f32 v9, v5  }
0x3b6: {  	v6 =	vadd.f32 v8, v6;
	_ =	sdelay $0x1  }
0x3b7: {  	v6 =	vadd.f32 v7, v6;
	_ =	sdelay $0x1  }
0x3b8: {  	[tilespmem:s28+$0x12C70] =	vst v6;
	v6 =	vld [tilespmem:s28+$0xF000]  }
0x3b9: {  	v7 =	vld [tilespmem:s8+$0x7000]  }
0x3ba: {  	v8 =	vld [tilespmem:s11+$0x7000];
	_ =	sdelay $0x1  }
0x3bb: {  	v9 =	vld [tilespmem:s12+$0x7000];
	_ =	sdelay $0x1  }
0x3bc: {  	v7 =	vmul.f32 v7, v4  }
0x3bd: {  	v8 =	vmul.f32 v8, v3  }
0x3be: {  	v6 =	vadd.f32 v7, v6  }
0x3bf: {  	v7 =	vmul.f32 v9, v5  }
0x3c0: {  	v6 =	vadd.f32 v8, v6;
	_ =	sdelay $0x1  }
0x3c1: {  	v6 =	vadd.f32 v7, v6;
	_ =	sdelay $0x1  }
0x3c2: {  	[tilespmem:s28+$0x13000] =	vst v6;
	v6 =	vld [tilespmem:s28+$0xF010]  }
0x3c3: {  	v7 =	vld [tilespmem:s8+$0x7010]  }
0x3c4: {  	v8 =	vld [tilespmem:s11+$0x7010]  }
0x3c5: {  	v9 =	vld [tilespmem:s12+$0x7010];
	_ =	sdelay $0x2  }
0x3c6: {  	v7 =	vmul.f32 v7, v4  }
0x3c7: {  	v8 =	vmul.f32 v8, v3  }
0x3c8: {  	v6 =	vadd.f32 v7, v6  }
0x3c9: {  	v7 =	vmul.f32 v9, v5  }
0x3ca: {  	v6 =	vadd.f32 v8, v6;
	_ =	sdelay $0x1  }
0x3cb: {  	v6 =	vadd.f32 v7, v6;
	_ =	sdelay $0x1  }
0x3cc: {  	[tilespmem:s28+$0x13010] =	vst v6;
	v6 =	vld [tilespmem:s28+$0xF020]  }
0x3cd: {  	v7 =	vld [tilespmem:s8+$0x7020]  }
0x3ce: {  	v8 =	vld [tilespmem:s11+$0x7020]  }
0x3cf: {  	v9 =	vld [tilespmem:s12+$0x7020];
	_ =	sdelay $0x2  }
0x3d0: {  	v7 =	vmul.f32 v7, v4  }
0x3d1: {  	v8 =	vmul.f32 v8, v3  }
0x3d2: {  	v6 =	vadd.f32 v7, v6  }
0x3d3: {  	v7 =	vmul.f32 v9, v5  }
0x3d4: {  	v6 =	vadd.f32 v8, v6;
	_ =	sdelay $0x1  }
0x3d5: {  	v6 =	vadd.f32 v7, v6;
	_ =	sdelay $0x1  }
0x3d6: {  	[tilespmem:s28+$0x13020] =	vst v6;
	v6 =	vld [tilespmem:s28+$0xF030]  }
0x3d7: {  	v7 =	vld [tilespmem:s8+$0x7030]  }
0x3d8: {  	v8 =	vld [tilespmem:s11+$0x7030]  }
0x3d9: {  	v9 =	vld [tilespmem:s12+$0x7030];
	_ =	sdelay $0x2  }
0x3da: {  	v7 =	vmul.f32 v7, v4  }
0x3db: {  	v8 =	vmul.f32 v8, v3  }
0x3dc: {  	v6 =	vadd.f32 v7, v6  }
0x3dd: {  	v7 =	vmul.f32 v9, v5  }
0x3de: {  	v6 =	vadd.f32 v8, v6;
	_ =	sdelay $0x1  }
0x3df: {  	v6 =	vadd.f32 v7, v6;
	_ =	sdelay $0x1  }
0x3e0: {  	[tilespmem:s28+$0x13030] =	vst v6;
	v6 =	vld [tilespmem:s28+$0xF040]  }
0x3e1: {  	v7 =	vld [tilespmem:s8+$0x7040]  }
0x3e2: {  	v8 =	vld [tilespmem:s11+$0x7040]  }
0x3e3: {  	v9 =	vld [tilespmem:s12+$0x7040];
	_ =	sdelay $0x2  }
0x3e4: {  	v7 =	vmul.f32 v7, v4  }
0x3e5: {  	v8 =	vmul.f32 v8, v3  }
0x3e6: {  	v6 =	vadd.f32 v7, v6  }
0x3e7: {  	v7 =	vmul.f32 v9, v5  }
0x3e8: {  	v6 =	vadd.f32 v8, v6;
	_ =	sdelay $0x1  }
0x3e9: {  	v6 =	vadd.f32 v7, v6;
	_ =	sdelay $0x1  }
0x3ea: {  	[tilespmem:s28+$0x13040] =	vst v6;
	v6 =	vld [tilespmem:s28+$0xF050]  }
0x3eb: {  	v7 =	vld [tilespmem:s8+$0x7050]  }
0x3ec: {  	v8 =	vld [tilespmem:s11+$0x7050]  }
0x3ed: {  	v9 =	vld [tilespmem:s12+$0x7050];
	_ =	sdelay $0x2  }
0x3ee: {  	v7 =	vmul.f32 v7, v4  }
0x3ef: {  	v8 =	vmul.f32 v8, v3  }
0x3f0: {  	v6 =	vadd.f32 v7, v6  }
0x3f1: {  	v7 =	vmul.f32 v9, v5  }
0x3f2: {  	v6 =	vadd.f32 v8, v6;
	_ =	sdelay $0x1  }
0x3f3: {  	v6 =	vadd.f32 v7, v6;
	_ =	sdelay $0x1  }
0x3f4: {  	[tilespmem:s28+$0x13050] =	vst v6;
	v6 =	vld [tilespmem:s28+$0xF060]  }
0x3f5: {  	v7 =	vld [tilespmem:s8+$0x7060]  }
0x3f6: {  	v8 =	vld [tilespmem:s11+$0x7060]  }
0x3f7: {  	v9 =	vld [tilespmem:s12+$0x7060];
	_ =	sdelay $0x2  }
0x3f8: {  	v7 =	vmul.f32 v7, v4  }
0x3f9: {  	v8 =	vmul.f32 v8, v3  }
0x3fa: {  	v6 =	vadd.f32 v7, v6  }
0x3fb: {  	v7 =	vmul.f32 v9, v5  }
0x3fc: {  	v6 =	vadd.f32 v8, v6;
	_ =	sdelay $0x1  }
0x3fd: {  	v6 =	vadd.f32 v7, v6;
	_ =	sdelay $0x1  }
0x3fe: {  	[tilespmem:s28+$0x13060] =	vst v6;
	v8 =	vld [tilespmem:s28+$0xF070]  }
0x3ff: {  	v7 =	vld [tilespmem:s8+$0x7070]  }
0x400: {  	v9 =	vld [tilespmem:s11+$0x7070]  }
0x401: {  	v10 =	vld [tilespmem:s12+$0x7070]  }
.Ltmp2:
0x402: {  	s30 =	sadd.s32 $0x3, s30;
	(pc) =	sbr.rel @p0 .LBB2_7-.Ltmp2, $4  }
0x403: {  	s8 =	sadd.s32 $0xFFFFFFFE, s30  }
0x404: {  	v6 =	vmov s8;
	v11 =	vmul.f32 v7, v4  }
0x405: {  	s8 =	sadd.s32 $0xFFFFFFFF, s30;
	v7 =	vmul.f32 v9, v3  }
0x406: {  	v4 =	vmov s8;
	v8 =	vadd.f32 v11, v8;
	v3 =	vmul.f32 v10, v5  }
0x407: {  	_ = 	snop  }
0x408: {  	v5 =	vadd.f32 v7, v8  }
0x409: {  	s0 =	sadd.s32 $0x80, s1;
	s11 =	sadd.s32 $0x100, s7  }
0x40a: {  	s0 =	sand.u32 $0x380, s0;
	s1 =	sand.u32 $0x1800, s11;
	v3 =	vadd.f32 v3, v5  }
0x40b: {  	s12 =	sadd.s32 $0x300, s2;
	s0 =	sor.u32 s0, s1  }
0x40c: {  	v53 =	vmov s30;
	s15 =	sand.u32 $0x380, s29;
	s14 =	sand.u32 $0x7800, s12;
	v52 =	vld [tilespmem:s0+$0xEC00];
	[tilespmem:s28+$0x13070] =	vst v3  }
0x40d: {  	s8 =	sadd.s32 $0x80, s29;
	s1 =	sor.u32 s15, s14;
	s28 =	sadd.s32 $0x100, s12;
	v3 =	vld.idx.msk [tilespmem:v6+s13+$0x0], $0xffff  }
0x40e: {  	s8 =	sand.u32 $0x380, s8;
	s2 =	sand.u32 $0xF800, s28;
	v54 =	vld [tilespmem:s1+$0x6C00]  }
0x40f: {  	s30 =	sadd.s32 $0x100, s29;
	s7 =	sadd.s32 $0x200, s12;
	v4 =	vld.idx.msk [tilespmem:v4+s13+$0x0], $0xffff;
	s2 =	sor.u32 s8, s2  }
0x410: {  	s7 =	sand.u32 $0xF800, s7;
	s8 =	sand.u32 $0x380, s30;
	v55 =	vld [tilespmem:s2+$0x6C00]  }
0x411: {  	v5 =	vld.idx.msk [tilespmem:v53+s13+$0x0], $0xffff;
	s7 =	sor.u32 s8, s7  }
0x412: {  	v9 =	vld [tilespmem:s7+$0x6C00]  }
0x413: {  	v6 =	vmul.f32 v54, v3;
	_ =	sdelay $0x1  }
0x414: {  	v8 =	vmul.f32 v55, v4;
	v6 =	vadd.f32 v6, v52;
	_ =	sdelay $0x1  }
0x415: {  	v56 =	vmul.f32 v9, v5;
	v6 =	vadd.f32 v8, v6;
	_ =	sdelay $0x1  }
0x416: {  	v6 =	vadd.f32 v56, v6;
	_ =	sdelay $0x1  }
0x417: {  	[tilespmem:s0+$0x12C00] =	vst v6  }
0x418: {  	v6 =	vld [tilespmem:s1+$0x6C10]  }
0x419: {  	v57 =	vld [tilespmem:s0+$0xEC10]  }
0x41a: {  	v58 =	vld [tilespmem:s2+$0x6C10];
	_ =	sdelay $0x1  }
0x41b: {  	v59 =	vld [tilespmem:s7+$0x6C10]  }
0x41c: {  	v6 =	vmul.f32 v6, v3;
	_ =	sdelay $0x1  }
0x41d: {  	v8 =	vmul.f32 v58, v4;
	v6 =	vadd.f32 v6, v57;
	_ =	sdelay $0x1  }
0x41e: {  	v60 =	vmul.f32 v59, v5;
	v6 =	vadd.f32 v8, v6;
	_ =	sdelay $0x1  }
0x41f: {  	v6 =	vadd.f32 v60, v6;
	_ =	sdelay $0x1  }
0x420: {  	[tilespmem:s0+$0x12C10] =	vst v6  }
0x421: {  	v6 =	vld [tilespmem:s1+$0x6C20]  }
0x422: {  	v61 =	vld [tilespmem:s0+$0xEC20]  }
0x423: {  	v62 =	vld [tilespmem:s2+$0x6C20];
	_ =	sdelay $0x1  }
0x424: {  	v63 =	vld [tilespmem:s7+$0x6C20]  }
0x425: {  	v6 =	vmul.f32 v6, v3;
	_ =	sdelay $0x1  }
0x426: {  	v8 =	vmul.f32 v62, v4;
	v6 =	vadd.f32 v6, v61;
	_ =	sdelay $0x1  }
0x427: {  	v12 =	vmul.f32 v63, v5;
	v6 =	vadd.f32 v8, v6;
	_ =	sdelay $0x1  }
0x428: {  	v6 =	vadd.f32 v12, v6;
	_ =	sdelay $0x1  }
0x429: {  	[tilespmem:s0+$0x12C20] =	vst v6  }
0x42a: {  	v6 =	vld [tilespmem:s1+$0x6C30]  }
0x42b: {  	v13 =	vld [tilespmem:s0+$0xEC30]  }
0x42c: {  	v14 =	vld [tilespmem:s2+$0x6C30];
	_ =	sdelay $0x1  }
0x42d: {  	v15 =	vld [tilespmem:s7+$0x6C30]  }
0x42e: {  	v6 =	vmul.f32 v6, v3;
	_ =	sdelay $0x1  }
0x42f: {  	v8 =	vmul.f32 v14, v4;
	v6 =	vadd.f32 v6, v13;
	_ =	sdelay $0x1  }
0x430: {  	v16 =	vmul.f32 v15, v5;
	v6 =	vadd.f32 v8, v6;
	_ =	sdelay $0x1  }
0x431: {  	v6 =	vadd.f32 v16, v6;
	_ =	sdelay $0x1  }
0x432: {  	[tilespmem:s0+$0x12C30] =	vst v6  }
0x433: {  	v6 =	vld [tilespmem:s1+$0x6C40]  }
0x434: {  	v17 =	vld [tilespmem:s0+$0xEC40]  }
0x435: {  	v18 =	vld [tilespmem:s2+$0x6C40];
	_ =	sdelay $0x1  }
0x436: {  	v19 =	vld [tilespmem:s7+$0x6C40]  }
0x437: {  	v6 =	vmul.f32 v6, v3;
	_ =	sdelay $0x1  }
0x438: {  	v8 =	vmul.f32 v18, v4;
	v6 =	vadd.f32 v6, v17;
	_ =	sdelay $0x1  }
0x439: {  	v20 =	vmul.f32 v19, v5;
	v6 =	vadd.f32 v8, v6;
	_ =	sdelay $0x1  }
0x43a: {  	v6 =	vadd.f32 v20, v6;
	_ =	sdelay $0x1  }
0x43b: {  	[tilespmem:s0+$0x12C40] =	vst v6  }
0x43c: {  	v6 =	vld [tilespmem:s1+$0x6C50]  }
0x43d: {  	v21 =	vld [tilespmem:s0+$0xEC50]  }
0x43e: {  	v22 =	vld [tilespmem:s2+$0x6C50];
	_ =	sdelay $0x1  }
0x43f: {  	v23 =	vld [tilespmem:s7+$0x6C50]  }
0x440: {  	v6 =	vmul.f32 v6, v3;
	_ =	sdelay $0x1  }
0x441: {  	v8 =	vmul.f32 v22, v4;
	v6 =	vadd.f32 v6, v21;
	_ =	sdelay $0x1  }
0x442: {  	v24 =	vmul.f32 v23, v5;
	v6 =	vadd.f32 v8, v6;
	_ =	sdelay $0x1  }
0x443: {  	v6 =	vadd.f32 v24, v6;
	_ =	sdelay $0x1  }
0x444: {  	[tilespmem:s0+$0x12C50] =	vst v6  }
0x445: {  	v6 =	vld [tilespmem:s1+$0x6C60]  }
0x446: {  	v25 =	vld [tilespmem:s0+$0xEC60]  }
0x447: {  	v26 =	vld [tilespmem:s2+$0x6C60];
	_ =	sdelay $0x1  }
0x448: {  	v27 =	vld [tilespmem:s7+$0x6C60]  }
0x449: {  	v6 =	vmul.f32 v6, v3;
	_ =	sdelay $0x1  }
0x44a: {  	v8 =	vmul.f32 v26, v4;
	v6 =	vadd.f32 v6, v25;
	_ =	sdelay $0x1  }
0x44b: {  	v28 =	vmul.f32 v27, v5;
	v6 =	vadd.f32 v8, v6;
	_ =	sdelay $0x1  }
0x44c: {  	v6 =	vadd.f32 v28, v6;
	_ =	sdelay $0x1  }
0x44d: {  	[tilespmem:s0+$0x12C60] =	vst v6  }
0x44e: {  	v6 =	vld [tilespmem:s1+$0x6C70]  }
0x44f: {  	v29 =	vld [tilespmem:s0+$0xEC70]  }
0x450: {  	v30 =	vld [tilespmem:s2+$0x6C70];
	_ =	sdelay $0x1  }
0x451: {  	v31 =	vld [tilespmem:s7+$0x6C70]  }
0x452: {  	v6 =	vmul.f32 v6, v3;
	_ =	sdelay $0x1  }
0x453: {  	v8 =	vmul.f32 v30, v4;
	v6 =	vadd.f32 v6, v29;
	_ =	sdelay $0x1  }
0x454: {  	v32 =	vmul.f32 v31, v5;
	v6 =	vadd.f32 v8, v6;
	_ =	sdelay $0x1  }
0x455: {  	v6 =	vadd.f32 v32, v6;
	_ =	sdelay $0x1  }
0x456: {  	[tilespmem:s0+$0x12C70] =	vst v6  }
0x457: {  	v6 =	vld [tilespmem:s1+$0x7000]  }
0x458: {  	v33 =	vld [tilespmem:s0+$0xF000]  }
0x459: {  	v34 =	vld [tilespmem:s2+$0x7000];
	_ =	sdelay $0x1  }
0x45a: {  	v35 =	vld [tilespmem:s7+$0x7000]  }
0x45b: {  	v6 =	vmul.f32 v6, v3;
	_ =	sdelay $0x1  }
0x45c: {  	v8 =	vmul.f32 v34, v4;
	v6 =	vadd.f32 v6, v33;
	_ =	sdelay $0x1  }
0x45d: {  	v36 =	vmul.f32 v35, v5;
	v6 =	vadd.f32 v8, v6;
	_ =	sdelay $0x1  }
0x45e: {  	v6 =	vadd.f32 v36, v6;
	_ =	sdelay $0x1  }
0x45f: {  	[tilespmem:s0+$0x13000] =	vst v6  }
0x460: {  	v6 =	vld [tilespmem:s1+$0x7010]  }
0x461: {  	v37 =	vld [tilespmem:s0+$0xF010]  }
0x462: {  	v38 =	vld [tilespmem:s2+$0x7010];
	_ =	sdelay $0x1  }
0x463: {  	v39 =	vld [tilespmem:s7+$0x7010]  }
0x464: {  	v6 =	vmul.f32 v6, v3;
	_ =	sdelay $0x1  }
0x465: {  	v8 =	vmul.f32 v38, v4;
	v6 =	vadd.f32 v6, v37;
	_ =	sdelay $0x1  }
0x466: {  	v40 =	vmul.f32 v39, v5;
	v6 =	vadd.f32 v8, v6;
	_ =	sdelay $0x1  }
0x467: {  	v6 =	vadd.f32 v40, v6;
	_ =	sdelay $0x1  }
0x468: {  	[tilespmem:s0+$0x13010] =	vst v6  }
0x469: {  	v6 =	vld [tilespmem:s1+$0x7020]  }
0x46a: {  	v41 =	vld [tilespmem:s0+$0xF020]  }
0x46b: {  	v42 =	vld [tilespmem:s2+$0x7020];
	_ =	sdelay $0x1  }
0x46c: {  	v43 =	vld [tilespmem:s7+$0x7020]  }
0x46d: {  	v6 =	vmul.f32 v6, v3;
	_ =	sdelay $0x1  }
0x46e: {  	v8 =	vmul.f32 v42, v4;
	v6 =	vadd.f32 v6, v41;
	_ =	sdelay $0x1  }
0x46f: {  	v44 =	vmul.f32 v43, v5;
	v6 =	vadd.f32 v8, v6;
	_ =	sdelay $0x1  }
0x470: {  	v6 =	vadd.f32 v44, v6;
	_ =	sdelay $0x1  }
0x471: {  	[tilespmem:s0+$0x13020] =	vst v6  }
0x472: {  	v6 =	vld [tilespmem:s1+$0x7030]  }
0x473: {  	v45 =	vld [tilespmem:s0+$0xF030]  }
0x474: {  	v46 =	vld [tilespmem:s2+$0x7030];
	_ =	sdelay $0x1  }
0x475: {  	v47 =	vld [tilespmem:s7+$0x7030]  }
0x476: {  	v6 =	vmul.f32 v6, v3;
	_ =	sdelay $0x1  }
0x477: {  	v8 =	vmul.f32 v46, v4;
	v6 =	vadd.f32 v6, v45;
	_ =	sdelay $0x1  }
0x478: {  	v48 =	vmul.f32 v47, v5;
	v6 =	vadd.f32 v8, v6;
	_ =	sdelay $0x1  }
0x479: {  	v6 =	vadd.f32 v48, v6;
	_ =	sdelay $0x1  }
0x47a: {  	[tilespmem:s0+$0x13030] =	vst v6  }
0x47b: {  	v6 =	vld [tilespmem:s1+$0x7040]  }
0x47c: {  	v49 =	vld [tilespmem:s0+$0xF040]  }
0x47d: {  	v50 =	vld [tilespmem:s2+$0x7040];
	_ =	sdelay $0x1  }
0x47e: {  	v51 =	vld [tilespmem:s7+$0x7040]  }
0x47f: {  	v6 =	vmul.f32 v6, v3;
	_ =	sdelay $0x1  }
0x480: {  	v8 =	vmul.f32 v50, v4;
	v6 =	vadd.f32 v6, v49;
	_ =	sdelay $0x1  }
0x481: {  	v52 =	vmul.f32 v51, v5;
	v6 =	vadd.f32 v8, v6;
	_ =	sdelay $0x1  }
0x482: {  	v6 =	vadd.f32 v52, v6;
	_ =	sdelay $0x1  }
0x483: {  	[tilespmem:s0+$0x13040] =	vst v6  }
0x484: {  	v6 =	vld [tilespmem:s1+$0x7050]  }
0x485: {  	v53 =	vld [tilespmem:s0+$0xF050]  }
0x486: {  	v54 =	vld [tilespmem:s2+$0x7050];
	_ =	sdelay $0x1  }
0x487: {  	v55 =	vld [tilespmem:s7+$0x7050]  }
0x488: {  	v6 =	vmul.f32 v6, v3;
	_ =	sdelay $0x1  }
0x489: {  	v8 =	vmul.f32 v54, v4;
	v6 =	vadd.f32 v6, v53;
	_ =	sdelay $0x1  }
0x48a: {  	v56 =	vmul.f32 v55, v5;
	v6 =	vadd.f32 v8, v6;
	_ =	sdelay $0x1  }
0x48b: {  	v6 =	vadd.f32 v56, v6;
	_ =	sdelay $0x1  }
0x48c: {  	[tilespmem:s0+$0x13050] =	vst v6  }
0x48d: {  	v6 =	vld [tilespmem:s1+$0x7060]  }
0x48e: {  	v57 =	vld [tilespmem:s0+$0xF060]  }
0x48f: {  	v58 =	vld [tilespmem:s2+$0x7060];
	_ =	sdelay $0x1  }
0x490: {  	v59 =	vld [tilespmem:s7+$0x7060]  }
0x491: {  	v6 =	vmul.f32 v6, v3;
	_ =	sdelay $0x1  }
0x492: {  	v8 =	vmul.f32 v58, v4;
	v6 =	vadd.f32 v6, v57;
	_ =	sdelay $0x1  }
0x493: {  	v60 =	vmul.f32 v59, v5;
	v6 =	vadd.f32 v8, v6;
	_ =	sdelay $0x1  }
0x494: {  	v6 =	vadd.f32 v60, v6;
	_ =	sdelay $0x1  }
0x495: {  	[tilespmem:s0+$0x13060] =	vst v6  }
0x496: {  	v6 =	vld [tilespmem:s1+$0x7070]  }
0x497: {  	v61 =	vld [tilespmem:s0+$0xF070]  }
0x498: {  	v62 =	vld [tilespmem:s2+$0x7070];
	_ =	sdelay $0x1  }
0x499: {  	v63 =	vld [tilespmem:s7+$0x7070]  }
0x49a: {  	v3 =	vmul.f32 v6, v3;
	_ =	sdelay $0x1  }
0x49b: {  	v4 =	vmul.f32 v62, v4;
	v3 =	vadd.f32 v3, v61  }
0x49c: {  	s25 =	sadd.s32 $0x1, s25  }
0x49d: {  	p0 =	sne.s32 s25, $0x8;
	v5 =	vmul.f32 v63, v5;
	v3 =	vadd.f32 v4, v3  }
.Ltmp3:
0x49e: {  	_ = 	snop;
	(pc) =	sbr.rel @p0 .LBB2_2-.Ltmp3, $4  }
0x49f: {  	v3 =	vadd.f32 v5, v3  }
0x4a0: {  	s31 =	rddreg [dreg:$0x2]  }
0x4a1: {  	s24 =	sadd.s32 $0xC0, s24;
	s23 =	sadd.s32 $0xC0, s23;
	[tilespmem:s0+$0x13070] =	vst v3;
	s0 =	sadd.s32 s31, s26  }
0x4a2: {  	[hbm4b:s0+s3] =	stream.linear.scatter [tilespmem:s22], [sflag:$0x6], $0x2000, $0x38;
	[tilespmem:$0x14C00] =	vst v63  }
0x4a3: {  	s0 =	simm.s32 $0x5  }
0x4a4: {  	_ =	swait.ge [sflag:s0], $0x2000  }
0x4a5: {  	[sflag:s0] =	ssyncset.done $0x0  }
0x4a6: {  	s1 =	simm.s32 $0x6;
	[sflag:s0] =	ssyncadd.s32 $0xFFFFE000  }
0x4a7: {  	_ =	swait.ge [sflag:s1], $0x2000  }
0x4a8: {  	s2 =	rddreg [dreg:$0x7]  }
0x4a9: {  	s31 =	rddreg [dreg:$0x6];
	s2 =	sadd.s32 $0x1, s2  }
0x4aa: {  	p0 =	sne.s32 s2, s31  }
.Ltmp4:
0x4ab: {  	_ = 	snop;
	(pc) =	sbr.rel @p0 .LBB2_1-.Ltmp4, $3  }
0x4ac: {  	_ =	sdelay $0x1  }
0x4ad: {  	[sflag:s1] =	ssyncset.done $0x0  }
0x4ae: {  	[sflag:s1] =	ssyncadd.s32 $0xFFFFE000  }
0x4af: {  	_ =	sfence.sel $0x180000  }
0x4b0: {  	[bflag:$0x0] =	sbarrier.arrive $0xFFFF  }
0x4b1: {  	_ =	strace $0x9000004A  }
0x4b2: {  	s0 =	stileid.u32;
	[bflag:$0x2] =	sbarrier.arrive $0xFFFF  }
0x4b3: {  	p0 =	sne.s32 s0, $0x0;
	s0 =	rddreg [dreg:$0x3]  }
0x4b4: {  	s0 =	sadd.s32 @!p0 $0x100000, s0  }
0x4b5: {  	[sflag:s0] =	ssyncadd.tile.s32 @!p0 $0x1;
	_ =	shalt  }
.Lfunc_end2:
_tile_overlayer_lowered:
.L_overlay_start_2:
0x4b6: {  	(tag) =	ssettag $0x2  }
0x4b7: {  	s0 =	rddreg [dreg:$0x0];
	s2 =	stileid.u32  }
0x4b8: {  	s1 =	rddreg [dreg:$0x1];
	p0 =	sne.s32 s2, $0x0  }
0x4b9: {  	s3 =	rddreg [dreg:$0x2];
	[bflag:$0x3] =	sbarrier.arrive $0xFFFF;
	s2 =	simm.s32 @!p0 $0x1C07  }
0x4ba: {  	[timem:s3], [sflag:s2] =	dma.local @!p0 [hbm:s0], s1  }
0x4bb: {  	s0 =	simm.s32 @!p0 $0x7  }
0x4bc: {  	_ =	swait.ge @!p0 [sflag:s0], s1  }
0x4bd: {  	s1 =	ssub.s32 @!p0 $0x0, s1;
	[sflag:s0] =	ssyncset.done @!p0 $0x0  }
0x4be: {  	[sflag:s0] =	ssyncadd.s32 @!p0 s1  }
0x4bf: {  	[bflag:$0x3] =	sbarrier.arrive $0xFFFF  }
0x4c0: {  	_ =	shalt  }

</sc_bundles>
